<compile_context>
chip_gen: v7x
topology: tpu7x:2x2x1
jax: 0.10.2.dev20260603
libtpu: 0.0.44.dev20260713+nightly
codegen_flags: <defaults>
</compile_context>

<pallas_src>
import jax
import jax.numpy as jnp
from jax import lax
from jax.experimental import pallas as pl
from jax.experimental.pallas import tpu as pltpu
from jax.experimental.pallas import tpu_sc as plsc

_NC = 2
_NS = 16
_L = 16
_NW = _NC * _NS

_D = 8
_V = 16
_B = 16384
_SEQ = 200
_NLT = _SEQ // _D
_NBT = _B // 128
_BT_PER_W = _NBT // _NW
_UNITS = _BT_PER_W * _NLT
_RING = 2
_UPS = 5

_XTILE = _D * 128
_OTILE = _D * 128
_OUNIT = _D * _OTILE


def _tiny_model_body(x_hbm, emb_hbm, w_hbm, b_hbm, out_hbm,
                     tab_v, x_v, out_v, sem_x, sem_out):
    wid = lax.axis_index("s") * _NC + lax.axis_index("c")
    bt0 = wid * _BT_PER_W

    lanes = lax.iota(jnp.int32, _L)
    o_pat = lanes & 7
    half = lanes >> 3

    def with_weights(emb_v, w_v, b_v):
        pltpu.sync_copy(emb_hbm, emb_v)
        pltpu.sync_copy(w_hbm, w_v)
        pltpu.sync_copy(b_hbm, b_v)

        def build_tab(j, carry):
            k_pat = 2 * j + half
            acc = plsc.load_gather(b_v, [o_pat])
            for d in range(_D):
                ev = plsc.load_gather(emb_v, [k_pat * _D + d])
                wv = plsc.load_gather(w_v, [o_pat * _D + d])
                acc = acc + ev * wv
            tab_v[pl.ds(j * _L, _L)] = acc
            return carry

        lax.fori_loop(0, _V // 2, build_tab, 0)

    pl.run_scoped(
        with_weights,
        pltpu.VMEM((128,), jnp.float32),
        pltpu.VMEM((128,), jnp.float32),
        pltpu.VMEM((128,), jnp.float32),
    )

    tcols = [plsc.load_gather(tab_v, [lanes * _D + o]) for o in range(_D)]
    _dnums = lax.GatherDimensionNumbers(
        offset_dims=(), collapsed_slice_dims=(0,), start_index_map=(0,))

    def _lookup(tcol, xv):
        return lax.gather(tcol, xv[:, None], dimension_numbers=_dnums,
                          slice_sizes=(1,),
                          mode=lax.GatherScatterMode.PROMISE_IN_BOUNDS)

    def x_off(u):
        lt = lax.rem(u, _NLT)
        bt = bt0 + lax.div(u, _NLT)
        return (lt * _NBT + bt) * _XTILE

    def start_x(u0, slot):
        for h in range(_UPS):
            pltpu.async_copy(
                x_hbm.at[pl.ds(x_off(lax.min(u0 + h, _UNITS - 1)), _XTILE)],
                x_v.at[pl.ds((slot * _UPS + h) * _XTILE, _XTILE)],
                sem_x[slot])

    def wait_x(slot):
        pltpu.make_async_copy(
            x_hbm.at[pl.ds(0, _UPS * _XTILE)],
            x_v.at[pl.ds(slot * _UPS * _XTILE, _UPS * _XTILE)],
            sem_x[slot]).wait()

    def drain_out(slot):
        pltpu.make_async_copy(
            out_hbm.at[pl.ds(0, _UPS * _OUNIT)],
            out_v.at[pl.ds(slot * _UPS * _OUNIT, _UPS * _OUNIT)],
            sem_out[slot]).wait()

    for slot in range(_RING):
        start_x(jnp.int32(slot * _UPS), slot)

    def k_body(k, carry):
        for p in range(_RING):
            u0 = (k * _RING + p) * _UPS
            wait_x(p)

            @pl.when(k >= 1)
            def _():
                drain_out(p)

            xbase = p * _UPS * _XTILE
            obase = p * _UPS * _OUNIT

            def unit(i):
                h = i >> 6
                ls = (i >> 3) & 7
                sub = i & 7
                xv = x_v[pl.ds(xbase + h * _XTILE + ls * 128 + sub * _L, _L)]
                for o in range(_D):
                    val = _lookup(tcols[o], xv)
                    out_v[pl.ds(obase + h * _OUNIT + ls * _OTILE + o * 128
                                + sub * _L, _L)] = val

            plsc.parallel_loop(0, _UPS * _D * _D, 1, unroll=8)(unit)

            start_x(u0 + _RING * _UPS, p)
            for h in range(_UPS):
                u = u0 + h
                lt = lax.rem(u, _NLT)
                bt = bt0 + lax.div(u, _NLT)
                for ls in range(_D):
                    dst = ((lt * _D + ls) * _NBT + bt) * _OTILE
                    pltpu.async_copy(
                        out_v.at[pl.ds(obase + h * _OUNIT + ls * _OTILE,
                                       _OTILE)],
                        out_hbm.at[pl.ds(dst, _OTILE)], sem_out[p])
        return carry

    lax.fori_loop(0, _UNITS // (_RING * _UPS), k_body, 0)

    for slot in range(_RING):
        drain_out(slot)
        wait_x(slot)


def _make_sc_call():
    mesh = plsc.VectorSubcoreMesh(core_axis_name="c", subcore_axis_name="s")
    return pl.kernel(
        _tiny_model_body,
        out_type=jax.ShapeDtypeStruct((_B * _SEQ * _D,), jnp.float32),
        mesh=mesh,
        compiler_params=pltpu.CompilerParams(needs_layout_passes=False),
        scratch_types=[
            pltpu.VMEM((_V * _D,), jnp.float32),
            pltpu.VMEM((_RING * _UPS * _XTILE,), jnp.int32),
            pltpu.VMEM((_RING * _UPS * _OUNIT,), jnp.float32),
            [pltpu.SemaphoreType.DMA] * _RING,
            [pltpu.SemaphoreType.DMA] * _RING,
        ],
    )


def kernel(x, embed_weight, proj_weight, proj_bias):
    b, l = x.shape
    x4 = (x.astype(jnp.int32).T
          .reshape(_NLT, _D, _NBT, 128)
          .transpose(0, 2, 1, 3)
          .reshape(-1))
    out_flat = _make_sc_call()(
        x4,
        embed_weight.reshape(-1).astype(jnp.float32),
        jnp.pad(proj_weight.reshape(-1).astype(jnp.float32), (0, 128 - _D * _D)),
        jnp.pad(proj_bias.astype(jnp.float32), (0, 128 - _D)),
    )
    return (out_flat.reshape(_SEQ, _NBT, _D, 128)
            .transpose(1, 3, 0, 2)
            .reshape(b, l, _D))

# --- scband reference (transcript-rebuilt; emitter-appended) ---
"""Pipeline reference for scband-tiny-model-867583394677 (READ-ONLY COPY).

The authoritative reference and input builder live on the scoring server;
editing this copy changes nothing except your own understanding.
"""

import jax, jax.numpy as jnp
import numpy as np


def setup_inputs(seed: int = 0) -> dict:
    key = jax.random.key(seed)
    k_x, k_tab, k_w, k_b = jax.random.split(key, 4)
    x = jax.random.randint(k_x, (16384, 200), 0, 16, dtype=jnp.int64)
    # nn.Embedding(16, 8): weight ~ N(0, 1)
    embed_weight = jax.random.normal(k_tab, (16, 8), dtype=jnp.float32)
    # nn.Linear(8, 8): weight [out, in], bias [out]
    bound = 1.0 / np.sqrt(8.0)
    proj_weight = jax.random.uniform(k_w, (8, 8), dtype=jnp.float32, minval=-bound, maxval=bound)
    proj_bias = jax.random.uniform(k_b, (8,), dtype=jnp.float32, minval=-bound, maxval=bound)
    return {"x": x, "embed_weight": embed_weight, "proj_weight": proj_weight, "proj_bias": proj_bias}


def reference(x, embed_weight, proj_weight, proj_bias):
    # self.embed(x): gather rows from the embedding table
    emb = jnp.take(embed_weight, x, axis=0)  # [B, L, 8]
    # self.proj(emb): Linear -> emb @ W.T + b
    out = jnp.einsum("bld,od->blo", emb, proj_weight) + proj_bias
    return out

if __name__ == "__main__":
    import jax
    _d = setup_inputs()
    print(jax.jit(kernel)(*tuple(_d.values())))

</pallas_src>

<mosaic_0001>
#map = affine_map<(d0, d1) -> (0)>
module attributes {stable_mosaic.version = 14 : i64} {
  func.func @_tiny_model_body(%arg0: i32, %arg1: i32, %arg2: memref<3276800xi32, #tpu.memory_space<hbm>>, %arg3: memref<128xf32, #tpu.memory_space<hbm>>, %arg4: memref<128xf32, #tpu.memory_space<hbm>>, %arg5: memref<128xf32, #tpu.memory_space<hbm>>, %arg6: memref<26214400xf32, #tpu.memory_space<hbm>>, %arg7: memref<128xf32, #tpu.memory_space<vmem>>, %arg8: memref<10240xi32, #tpu.memory_space<vmem>>, %arg9: memref<81920xf32, #tpu.memory_space<vmem>>, %arg10: memref<!tpu.dma_semaphore, #tpu.memory_space<semaphore_mem>>, %arg11: memref<!tpu.dma_semaphore, #tpu.memory_space<semaphore_mem>>, %arg12: memref<!tpu.dma_semaphore, #tpu.memory_space<semaphore_mem>>, %arg13: memref<!tpu.dma_semaphore, #tpu.memory_space<semaphore_mem>>) attributes {dimension_semantics = [#tpu.dimension_semantics<core_parallel>, #tpu.dimension_semantics<subcore_parallel>], iteration_bounds = array<i64: 2, 16>, scalar_prefetch = 0 : i64, scratch_operands = 7 : i64, tpu.core_type = #tpu.core_type<sc_vector_subcore>, window_params = [{transform_indices = #map}, {transform_indices = #map}, {transform_indices = #map}, {transform_indices = #map}, {transform_indices = #map}]} {
    %mul3A = arith.constant 2 : i32
    %mul3A_0 = arith.muli %arg1, %mul3A : i32
    %add3A = arith.addi %mul3A_0, %arg0 : i32
    %mul3A_1 = arith.constant 4 : i32
    %mul3A_2 = arith.muli %add3A, %mul3A_1 : i32
    %iota3A = tpu.iota {dimensions = array<i32: 0>} : vector<16xi32>
    %and3A = arith.constant 7 : i32
    %and3A_3 = vector.broadcast %and3A : i32 to vector<16xi32>
    %and3A_4 = arith.andi %iota3A, %and3A_3 : vector<16xi32>
    %shift_right_arithmetic3A = arith.constant 3 : i32
    %shift_right_arithmetic3A_5 = vector.broadcast %shift_right_arithmetic3A : i32 to vector<16xi32>
    %shift_right_arithmetic3A_6 = arith.shrsi %iota3A, %shift_right_arithmetic3A_5 : vector<16xi32>
    "tpu.region"() ({
      %run_scoped3A = memref.alloca() : memref<128xf32, #tpu.memory_space<vmem>>
      %run_scoped3A_304 = memref.alloca() : memref<128xf32, #tpu.memory_space<vmem>>
      %run_scoped3A_305 = memref.alloca() : memref<128xf32, #tpu.memory_space<vmem>>
      "tpu.region"() ({
        %run_scoped3A_312 = tpu.sem_alloc : memref<!tpu.dma_semaphore, #tpu.memory_space<semaphore_mem>>
        tpu.enqueue_dma source(%arg3 : memref<128xf32, #tpu.memory_space<hbm>>) target(%run_scoped3A : memref<128xf32, #tpu.memory_space<vmem>>) target_semaphore(%run_scoped3A_312 : memref<!tpu.dma_semaphore, #tpu.memory_space<semaphore_mem>>)
        tpu.wait_dma2 semaphore(%run_scoped3A_312 : memref<!tpu.dma_semaphore, #tpu.memory_space<semaphore_mem>>) src(%arg3 : memref<128xf32, #tpu.memory_space<hbm>>) dst(%run_scoped3A : memref<128xf32, #tpu.memory_space<vmem>>)
        tpu.yield
      }) : () -> ()
      "tpu.region"() ({
        %run_scoped3A_312 = tpu.sem_alloc : memref<!tpu.dma_semaphore, #tpu.memory_space<semaphore_mem>>
        tpu.enqueue_dma source(%arg4 : memref<128xf32, #tpu.memory_space<hbm>>) target(%run_scoped3A_304 : memref<128xf32, #tpu.memory_space<vmem>>) target_semaphore(%run_scoped3A_312 : memref<!tpu.dma_semaphore, #tpu.memory_space<semaphore_mem>>)
        tpu.wait_dma2 semaphore(%run_scoped3A_312 : memref<!tpu.dma_semaphore, #tpu.memory_space<semaphore_mem>>) src(%arg4 : memref<128xf32, #tpu.memory_space<hbm>>) dst(%run_scoped3A_304 : memref<128xf32, #tpu.memory_space<vmem>>)
        tpu.yield
      }) : () -> ()
      "tpu.region"() ({
        %run_scoped3A_312 = tpu.sem_alloc : memref<!tpu.dma_semaphore, #tpu.memory_space<semaphore_mem>>
        tpu.enqueue_dma source(%arg5 : memref<128xf32, #tpu.memory_space<hbm>>) target(%run_scoped3A_305 : memref<128xf32, #tpu.memory_space<vmem>>) target_semaphore(%run_scoped3A_312 : memref<!tpu.dma_semaphore, #tpu.memory_space<semaphore_mem>>)
        tpu.wait_dma2 semaphore(%run_scoped3A_312 : memref<!tpu.dma_semaphore, #tpu.memory_space<semaphore_mem>>) src(%arg5 : memref<128xf32, #tpu.memory_space<hbm>>) dst(%run_scoped3A_305 : memref<128xf32, #tpu.memory_space<vmem>>)
        tpu.yield
      }) : () -> ()
      %scan3A_306 = arith.constant 0 : i32
      %scan3A_307 = arith.constant 0 : i32
      %scan3A_308 = arith.constant 8 : i32
      %scan3A_309 = arith.addi %scan3A_307, %scan3A_308 : i32
      %scan3A_310 = arith.constant 1 : i32
      scf.for %scan3A_312 = %scan3A_307 to %scan3A_309 step %scan3A_310  : i32 {
        %mul3A_313 = arith.constant 2 : i32
        %mul3A_314 = arith.muli %mul3A_313, %scan3A_312 : i32
        %add3A_315 = vector.broadcast %mul3A_314 : i32 to vector<16xi32>
        %add3A_316 = arith.addi %add3A_315, %shift_right_arithmetic3A_6 : vector<16xi32>
        %gather3A_317 = tpu.vector_load_idx %run_scoped3A_305[%and3A_4] : memref<128xf32, #tpu.memory_space<vmem>>[vector<16xi32>], vector<16xf32>,
        %mul3A_318 = arith.constant 8 : i32
        %mul3A_319 = vector.broadcast %mul3A_318 : i32 to vector<16xi32>
        %mul3A_320 = arith.muli %add3A_316, %mul3A_319 : vector<16xi32>
        %add3A_321 = arith.constant 0 : i32
        %add3A_322 = vector.broadcast %add3A_321 : i32 to vector<16xi32>
        %add3A_323 = arith.addi %mul3A_320, %add3A_322 : vector<16xi32>
        %gather3A_324 = tpu.vector_load_idx %run_scoped3A[%add3A_323] : memref<128xf32, #tpu.memory_space<vmem>>[vector<16xi32>], vector<16xf32>,
        %mul3A_325 = arith.constant 8 : i32
        %mul3A_326 = vector.broadcast %mul3A_325 : i32 to vector<16xi32>
        %mul3A_327 = arith.muli %and3A_4, %mul3A_326 : vector<16xi32>
        %add3A_328 = arith.constant 0 : i32
        %add3A_329 = vector.broadcast %add3A_328 : i32 to vector<16xi32>
        %add3A_330 = arith.addi %mul3A_327, %add3A_329 : vector<16xi32>
        %gather3A_331 = tpu.vector_load_idx %run_scoped3A_304[%add3A_330] : memref<128xf32, #tpu.memory_space<vmem>>[vector<16xi32>], vector<16xf32>,
        %mul3A_332 = arith.mulf %gather3A_324, %gather3A_331 : vector<16xf32>
        %add3A_333 = arith.addf %gather3A_317, %mul3A_332 : vector<16xf32>
        %mul3A_334 = arith.constant 8 : i32
        %mul3A_335 = vector.broadcast %mul3A_334 : i32 to vector<16xi32>
        %mul3A_336 = arith.muli %add3A_316, %mul3A_335 : vector<16xi32>
        %add3A_337 = arith.constant 1 : i32
        %add3A_338 = vector.broadcast %add3A_337 : i32 to vector<16xi32>
        %add3A_339 = arith.addi %mul3A_336, %add3A_338 : vector<16xi32>
        %gather3A_340 = tpu.vector_load_idx %run_scoped3A[%add3A_339] : memref<128xf32, #tpu.memory_space<vmem>>[vector<16xi32>], vector<16xf32>,
        %mul3A_341 = arith.constant 8 : i32
        %mul3A_342 = vector.broadcast %mul3A_341 : i32 to vector<16xi32>
        %mul3A_343 = arith.muli %and3A_4, %mul3A_342 : vector<16xi32>
        %add3A_344 = arith.constant 1 : i32
        %add3A_345 = vector.broadcast %add3A_344 : i32 to vector<16xi32>
        %add3A_346 = arith.addi %mul3A_343, %add3A_345 : vector<16xi32>
        %gather3A_347 = tpu.vector_load_idx %run_scoped3A_304[%add3A_346] : memref<128xf32, #tpu.memory_space<vmem>>[vector<16xi32>], vector<16xf32>,
        %mul3A_348 = arith.mulf %gather3A_340, %gather3A_347 : vector<16xf32>
        %add3A_349 = arith.addf %add3A_333, %mul3A_348 : vector<16xf32>
        %mul3A_350 = arith.constant 8 : i32
        %mul3A_351 = vector.broadcast %mul3A_350 : i32 to vector<16xi32>
        %mul3A_352 = arith.muli %add3A_316, %mul3A_351 : vector<16xi32>
        %add3A_353 = arith.constant 2 : i32
        %add3A_354 = vector.broadcast %add3A_353 : i32 to vector<16xi32>
        %add3A_355 = arith.addi %mul3A_352, %add3A_354 : vector<16xi32>
        %gather3A_356 = tpu.vector_load_idx %run_scoped3A[%add3A_355] : memref<128xf32, #tpu.memory_space<vmem>>[vector<16xi32>], vector<16xf32>,
        %mul3A_357 = arith.constant 8 : i32
        %mul3A_358 = vector.broadcast %mul3A_357 : i32 to vector<16xi32>
        %mul3A_359 = arith.muli %and3A_4, %mul3A_358 : vector<16xi32>
        %add3A_360 = arith.constant 2 : i32
        %add3A_361 = vector.broadcast %add3A_360 : i32 to vector<16xi32>
        %add3A_362 = arith.addi %mul3A_359, %add3A_361 : vector<16xi32>
        %gather3A_363 = tpu.vector_load_idx %run_scoped3A_304[%add3A_362] : memref<128xf32, #tpu.memory_space<vmem>>[vector<16xi32>], vector<16xf32>,
        %mul3A_364 = arith.mulf %gather3A_356, %gather3A_363 : vector<16xf32>
        %add3A_365 = arith.addf %add3A_349, %mul3A_364 : vector<16xf32>
        %mul3A_366 = arith.constant 8 : i32
        %mul3A_367 = vector.broadcast %mul3A_366 : i32 to vector<16xi32>
        %mul3A_368 = arith.muli %add3A_316, %mul3A_367 : vector<16xi32>
        %add3A_369 = arith.constant 3 : i32
        %add3A_370 = vector.broadcast %add3A_369 : i32 to vector<16xi32>
        %add3A_371 = arith.addi %mul3A_368, %add3A_370 : vector<16xi32>
        %gather3A_372 = tpu.vector_load_idx %run_scoped3A[%add3A_371] : memref<128xf32, #tpu.memory_space<vmem>>[vector<16xi32>], vector<16xf32>,
        %mul3A_373 = arith.constant 8 : i32
        %mul3A_374 = vector.broadcast %mul3A_373 : i32 to vector<16xi32>
        %mul3A_375 = arith.muli %and3A_4, %mul3A_374 : vector<16xi32>
        %add3A_376 = arith.constant 3 : i32
        %add3A_377 = vector.broadcast %add3A_376 : i32 to vector<16xi32>
        %add3A_378 = arith.addi %mul3A_375, %add3A_377 : vector<16xi32>
        %gather3A_379 = tpu.vector_load_idx %run_scoped3A_304[%add3A_378] : memref<128xf32, #tpu.memory_space<vmem>>[vector<16xi32>], vector<16xf32>,
        %mul3A_380 = arith.mulf %gather3A_372, %gather3A_379 : vector<16xf32>
        %add3A_381 = arith.addf %add3A_365, %mul3A_380 : vector<16xf32>
        %mul3A_382 = arith.constant 8 : i32
        %mul3A_383 = vector.broadcast %mul3A_382 : i32 to vector<16xi32>
        %mul3A_384 = arith.muli %add3A_316, %mul3A_383 : vector<16xi32>
        %add3A_385 = arith.constant 4 : i32
        %add3A_386 = vector.broadcast %add3A_385 : i32 to vector<16xi32>
        %add3A_387 = arith.addi %mul3A_384, %add3A_386 : vector<16xi32>
        %gather3A_388 = tpu.vector_load_idx %run_scoped3A[%add3A_387] : memref<128xf32, #tpu.memory_space<vmem>>[vector<16xi32>], vector<16xf32>,
        %mul3A_389 = arith.constant 8 : i32
        %mul3A_390 = vector.broadcast %mul3A_389 : i32 to vector<16xi32>
        %mul3A_391 = arith.muli %and3A_4, %mul3A_390 : vector<16xi32>
        %add3A_392 = arith.constant 4 : i32
        %add3A_393 = vector.broadcast %add3A_392 : i32 to vector<16xi32>
        %add3A_394 = arith.addi %mul3A_391, %add3A_393 : vector<16xi32>
        %gather3A_395 = tpu.vector_load_idx %run_scoped3A_304[%add3A_394] : memref<128xf32, #tpu.memory_space<vmem>>[vector<16xi32>], vector<16xf32>,
        %mul3A_396 = arith.mulf %gather3A_388, %gather3A_395 : vector<16xf32>
        %add3A_397 = arith.addf %add3A_381, %mul3A_396 : vector<16xf32>
        %mul3A_398 = arith.constant 8 : i32
        %mul3A_399 = vector.broadcast %mul3A_398 : i32 to vector<16xi32>
        %mul3A_400 = arith.muli %add3A_316, %mul3A_399 : vector<16xi32>
        %add3A_401 = arith.constant 5 : i32
        %add3A_402 = vector.broadcast %add3A_401 : i32 to vector<16xi32>
        %add3A_403 = arith.addi %mul3A_400, %add3A_402 : vector<16xi32>
        %gather3A_404 = tpu.vector_load_idx %run_scoped3A[%add3A_403] : memref<128xf32, #tpu.memory_space<vmem>>[vector<16xi32>], vector<16xf32>,
        %mul3A_405 = arith.constant 8 : i32
        %mul3A_406 = vector.broadcast %mul3A_405 : i32 to vector<16xi32>
        %mul3A_407 = arith.muli %and3A_4, %mul3A_406 : vector<16xi32>
        %add3A_408 = arith.constant 5 : i32
        %add3A_409 = vector.broadcast %add3A_408 : i32 to vector<16xi32>
        %add3A_410 = arith.addi %mul3A_407, %add3A_409 : vector<16xi32>
        %gather3A_411 = tpu.vector_load_idx %run_scoped3A_304[%add3A_410] : memref<128xf32, #tpu.memory_space<vmem>>[vector<16xi32>], vector<16xf32>,
        %mul3A_412 = arith.mulf %gather3A_404, %gather3A_411 : vector<16xf32>
        %add3A_413 = arith.addf %add3A_397, %mul3A_412 : vector<16xf32>
        %mul3A_414 = arith.constant 8 : i32
        %mul3A_415 = vector.broadcast %mul3A_414 : i32 to vector<16xi32>
        %mul3A_416 = arith.muli %add3A_316, %mul3A_415 : vector<16xi32>
        %add3A_417 = arith.constant 6 : i32
        %add3A_418 = vector.broadcast %add3A_417 : i32 to vector<16xi32>
        %add3A_419 = arith.addi %mul3A_416, %add3A_418 : vector<16xi32>
        %gather3A_420 = tpu.vector_load_idx %run_scoped3A[%add3A_419] : memref<128xf32, #tpu.memory_space<vmem>>[vector<16xi32>], vector<16xf32>,
        %mul3A_421 = arith.constant 8 : i32
        %mul3A_422 = vector.broadcast %mul3A_421 : i32 to vector<16xi32>
        %mul3A_423 = arith.muli %and3A_4, %mul3A_422 : vector<16xi32>
        %add3A_424 = arith.constant 6 : i32
        %add3A_425 = vector.broadcast %add3A_424 : i32 to vector<16xi32>
        %add3A_426 = arith.addi %mul3A_423, %add3A_425 : vector<16xi32>
        %gather3A_427 = tpu.vector_load_idx %run_scoped3A_304[%add3A_426] : memref<128xf32, #tpu.memory_space<vmem>>[vector<16xi32>], vector<16xf32>,
        %mul3A_428 = arith.mulf %gather3A_420, %gather3A_427 : vector<16xf32>
        %add3A_429 = arith.addf %add3A_413, %mul3A_428 : vector<16xf32>
        %mul3A_430 = arith.constant 8 : i32
        %mul3A_431 = vector.broadcast %mul3A_430 : i32 to vector<16xi32>
        %mul3A_432 = arith.muli %add3A_316, %mul3A_431 : vector<16xi32>
        %add3A_433 = arith.constant 7 : i32
        %add3A_434 = vector.broadcast %add3A_433 : i32 to vector<16xi32>
        %add3A_435 = arith.addi %mul3A_432, %add3A_434 : vector<16xi32>
        %gather3A_436 = tpu.vector_load_idx %run_scoped3A[%add3A_435] : memref<128xf32, #tpu.memory_space<vmem>>[vector<16xi32>], vector<16xf32>,
        %mul3A_437 = arith.constant 8 : i32
        %mul3A_438 = vector.broadcast %mul3A_437 : i32 to vector<16xi32>
        %mul3A_439 = arith.muli %and3A_4, %mul3A_438 : vector<16xi32>
        %add3A_440 = arith.constant 7 : i32
        %add3A_441 = vector.broadcast %add3A_440 : i32 to vector<16xi32>
        %add3A_442 = arith.addi %mul3A_439, %add3A_441 : vector<16xi32>
        %gather3A_443 = tpu.vector_load_idx %run_scoped3A_304[%add3A_442] : memref<128xf32, #tpu.memory_space<vmem>>[vector<16xi32>], vector<16xf32>,
        %mul3A_444 = arith.mulf %gather3A_436, %gather3A_443 : vector<16xf32>
        %add3A_445 = arith.addf %add3A_429, %mul3A_444 : vector<16xf32>
        %mul3A_446 = arith.constant 16 : i32
        %mul3A_447 = arith.muli %scan3A_312, %mul3A_446 : i32
        %swap3A = arith.index_cast %mul3A_447 : i32 to index
        %swap3A_448 = tpu.vector_load %arg7[%swap3A] {strides = array<i32>} : memref<128xf32, #tpu.memory_space<vmem>>, vector<16xf32>,
        tpu.vector_store %arg7[%swap3A], %add3A_445 {strides = array<i32>} : memref<128xf32, #tpu.memory_space<vmem>>, vector<16xf32>,
      }
      %scan3A_311 = arith.constant 8 : i32
      tpu.yield
    }) : () -> ()
    %mul3A_7 = arith.constant 8 : i32
    %mul3A_8 = vector.broadcast %mul3A_7 : i32 to vector<16xi32>
    %mul3A_9 = arith.muli %iota3A, %mul3A_8 : vector<16xi32>
    %add3A_10 = arith.constant 0 : i32
    %add3A_11 = vector.broadcast %add3A_10 : i32 to vector<16xi32>
    %add3A_12 = arith.addi %mul3A_9, %add3A_11 : vector<16xi32>
    %gather3A = tpu.vector_load_idx %arg7[%add3A_12] : memref<128xf32, #tpu.memory_space<vmem>>[vector<16xi32>], vector<16xf32>,
    %mul3A_13 = arith.constant 8 : i32
    %mul3A_14 = vector.broadcast %mul3A_13 : i32 to vector<16xi32>
    %mul3A_15 = arith.muli %iota3A, %mul3A_14 : vector<16xi32>
    %add3A_16 = arith.constant 1 : i32
    %add3A_17 = vector.broadcast %add3A_16 : i32 to vector<16xi32>
    %add3A_18 = arith.addi %mul3A_15, %add3A_17 : vector<16xi32>
    %gather3A_19 = tpu.vector_load_idx %arg7[%add3A_18] : memref<128xf32, #tpu.memory_space<vmem>>[vector<16xi32>], vector<16xf32>,
    %mul3A_20 = arith.constant 8 : i32
    %mul3A_21 = vector.broadcast %mul3A_20 : i32 to vector<16xi32>
    %mul3A_22 = arith.muli %iota3A, %mul3A_21 : vector<16xi32>
    %add3A_23 = arith.constant 2 : i32
    %add3A_24 = vector.broadcast %add3A_23 : i32 to vector<16xi32>
    %add3A_25 = arith.addi %mul3A_22, %add3A_24 : vector<16xi32>
    %gather3A_26 = tpu.vector_load_idx %arg7[%add3A_25] : memref<128xf32, #tpu.memory_space<vmem>>[vector<16xi32>], vector<16xf32>,
    %mul3A_27 = arith.constant 8 : i32
    %mul3A_28 = vector.broadcast %mul3A_27 : i32 to vector<16xi32>
    %mul3A_29 = arith.muli %iota3A, %mul3A_28 : vector<16xi32>
    %add3A_30 = arith.constant 3 : i32
    %add3A_31 = vector.broadcast %add3A_30 : i32 to vector<16xi32>
    %add3A_32 = arith.addi %mul3A_29, %add3A_31 : vector<16xi32>
    %gather3A_33 = tpu.vector_load_idx %arg7[%add3A_32] : memref<128xf32, #tpu.memory_space<vmem>>[vector<16xi32>], vector<16xf32>,
    %mul3A_34 = arith.constant 8 : i32
    %mul3A_35 = vector.broadcast %mul3A_34 : i32 to vector<16xi32>
    %mul3A_36 = arith.muli %iota3A, %mul3A_35 : vector<16xi32>
    %add3A_37 = arith.constant 4 : i32
    %add3A_38 = vector.broadcast %add3A_37 : i32 to vector<16xi32>
    %add3A_39 = arith.addi %mul3A_36, %add3A_38 : vector<16xi32>
    %gather3A_40 = tpu.vector_load_idx %arg7[%add3A_39] : memref<128xf32, #tpu.memory_space<vmem>>[vector<16xi32>], vector<16xf32>,
    %mul3A_41 = arith.constant 8 : i32
    %mul3A_42 = vector.broadcast %mul3A_41 : i32 to vector<16xi32>
    %mul3A_43 = arith.muli %iota3A, %mul3A_42 : vector<16xi32>
    %add3A_44 = arith.constant 5 : i32
    %add3A_45 = vector.broadcast %add3A_44 : i32 to vector<16xi32>
    %add3A_46 = arith.addi %mul3A_43, %add3A_45 : vector<16xi32>
    %gather3A_47 = tpu.vector_load_idx %arg7[%add3A_46] : memref<128xf32, #tpu.memory_space<vmem>>[vector<16xi32>], vector<16xf32>,
    %mul3A_48 = arith.constant 8 : i32
    %mul3A_49 = vector.broadcast %mul3A_48 : i32 to vector<16xi32>
    %mul3A_50 = arith.muli %iota3A, %mul3A_49 : vector<16xi32>
    %add3A_51 = arith.constant 6 : i32
    %add3A_52 = vector.broadcast %add3A_51 : i32 to vector<16xi32>
    %add3A_53 = arith.addi %mul3A_50, %add3A_52 : vector<16xi32>
    %gather3A_54 = tpu.vector_load_idx %arg7[%add3A_53] : memref<128xf32, #tpu.memory_space<vmem>>[vector<16xi32>], vector<16xf32>,
    %mul3A_55 = arith.constant 8 : i32
    %mul3A_56 = vector.broadcast %mul3A_55 : i32 to vector<16xi32>
    %mul3A_57 = arith.muli %iota3A, %mul3A_56 : vector<16xi32>
    %add3A_58 = arith.constant 7 : i32
    %add3A_59 = vector.broadcast %add3A_58 : i32 to vector<16xi32>
    %add3A_60 = arith.addi %mul3A_57, %add3A_59 : vector<16xi32>
    %gather3A_61 = tpu.vector_load_idx %arg7[%add3A_60] : memref<128xf32, #tpu.memory_space<vmem>>[vector<16xi32>], vector<16xf32>,
    %add3A_62 = arith.constant 0 : i32
    %add3A_63 = arith.constant 0 : i32
    %add3A_64 = arith.addi %add3A_62, %add3A_63 : i32
    %min3A = arith.constant 99 : i32
    %min3A_65 = arith.minsi %add3A_64, %min3A : i32
    %rem3A = arith.constant 25 : i32
    %rem3A_66 = arith.remsi %min3A_65, %rem3A : i32
    %div3A = arith.constant 25 : i32
    %div3A_67 = arith.divsi %min3A_65, %div3A : i32
    %add3A_68 = arith.addi %mul3A_2, %div3A_67 : i32
    %mul3A_69 = arith.constant 128 : i32
    %mul3A_70 = arith.muli %rem3A_66, %mul3A_69 : i32
    %add3A_71 = arith.addi %mul3A_70, %add3A_68 : i32
    %mul3A_72 = arith.constant 1024 : i32
    %mul3A_73 = arith.muli %add3A_71, %mul3A_72 : i32
    %dma_start3A = arith.constant 0 : i32
    %dma_start3A_74 = tpu.memref_slice %arg8[%dma_start3A] : memref<10240xi32, #tpu.memory_space<vmem>> -> memref<1024xi32, #tpu.memory_space<vmem>>
    %dma_start3A_75 = tpu.memref_slice %arg2[%mul3A_73] : memref<3276800xi32, #tpu.memory_space<hbm>> -> memref<1024xi32, #tpu.memory_space<hbm>>
    %dma_start3A_76 = arith.constant 0 : i32
    %dma_start3A_77 = tpu.memref_slice %arg8[%dma_start3A_76] : memref<10240xi32, #tpu.memory_space<vmem>> -> memref<1024xi32, #tpu.memory_space<vmem>>
    %dma_start3A_78 = tpu.memref_slice %arg2[%mul3A_73] : memref<3276800xi32, #tpu.memory_space<hbm>> -> memref<1024xi32, #tpu.memory_space<hbm>>
    tpu.enqueue_dma source(%dma_start3A_78 : memref<1024xi32, #tpu.memory_space<hbm>>) target(%dma_start3A_77 : memref<1024xi32, #tpu.memory_space<vmem>>) target_semaphore(%arg10 : memref<!tpu.dma_semaphore, #tpu.memory_space<semaphore_mem>>)
    %add3A_79 = arith.constant 0 : i32
    %add3A_80 = arith.constant 1 : i32
    %add3A_81 = arith.addi %add3A_79, %add3A_80 : i32
    %min3A_82 = arith.constant 99 : i32
    %min3A_83 = arith.minsi %add3A_81, %min3A_82 : i32
    %rem3A_84 = arith.constant 25 : i32
    %rem3A_85 = arith.remsi %min3A_83, %rem3A_84 : i32
    %div3A_86 = arith.constant 25 : i32
    %div3A_87 = arith.divsi %min3A_83, %div3A_86 : i32
    %add3A_88 = arith.addi %mul3A_2, %div3A_87 : i32
    %mul3A_89 = arith.constant 128 : i32
    %mul3A_90 = arith.muli %rem3A_85, %mul3A_89 : i32
    %add3A_91 = arith.addi %mul3A_90, %add3A_88 : i32
    %mul3A_92 = arith.constant 1024 : i32
    %mul3A_93 = arith.muli %add3A_91, %mul3A_92 : i32
    %dma_start3A_94 = arith.constant 1024 : i32
    %dma_start3A_95 = tpu.memref_slice %arg8[%dma_start3A_94] : memref<10240xi32, #tpu.memory_space<vmem>> -> memref<1024xi32, #tpu.memory_space<vmem>>
    %dma_start3A_96 = tpu.memref_slice %arg2[%mul3A_93] : memref<3276800xi32, #tpu.memory_space<hbm>> -> memref<1024xi32, #tpu.memory_space<hbm>>
    %dma_start3A_97 = arith.constant 1024 : i32
    %dma_start3A_98 = tpu.memref_slice %arg8[%dma_start3A_97] : memref<10240xi32, #tpu.memory_space<vmem>> -> memref<1024xi32, #tpu.memory_space<vmem>>
    %dma_start3A_99 = tpu.memref_slice %arg2[%mul3A_93] : memref<3276800xi32, #tpu.memory_space<hbm>> -> memref<1024xi32, #tpu.memory_space<hbm>>
    tpu.enqueue_dma source(%dma_start3A_99 : memref<1024xi32, #tpu.memory_space<hbm>>) target(%dma_start3A_98 : memref<1024xi32, #tpu.memory_space<vmem>>) target_semaphore(%arg10 : memref<!tpu.dma_semaphore, #tpu.memory_space<semaphore_mem>>)
    %add3A_100 = arith.constant 0 : i32
    %add3A_101 = arith.constant 2 : i32
    %add3A_102 = arith.addi %add3A_100, %add3A_101 : i32
    %min3A_103 = arith.constant 99 : i32
    %min3A_104 = arith.minsi %add3A_102, %min3A_103 : i32
    %rem3A_105 = arith.constant 25 : i32
    %rem3A_106 = arith.remsi %min3A_104, %rem3A_105 : i32
    %div3A_107 = arith.constant 25 : i32
    %div3A_108 = arith.divsi %min3A_104, %div3A_107 : i32
    %add3A_109 = arith.addi %mul3A_2, %div3A_108 : i32
    %mul3A_110 = arith.constant 128 : i32
    %mul3A_111 = arith.muli %rem3A_106, %mul3A_110 : i32
    %add3A_112 = arith.addi %mul3A_111, %add3A_109 : i32
    %mul3A_113 = arith.constant 1024 : i32
    %mul3A_114 = arith.muli %add3A_112, %mul3A_113 : i32
    %dma_start3A_115 = arith.constant 2048 : i32
    %dma_start3A_116 = tpu.memref_slice %arg8[%dma_start3A_115] : memref<10240xi32, #tpu.memory_space<vmem>> -> memref<1024xi32, #tpu.memory_space<vmem>>
    %dma_start3A_117 = tpu.memref_slice %arg2[%mul3A_114] : memref<3276800xi32, #tpu.memory_space<hbm>> -> memref<1024xi32, #tpu.memory_space<hbm>>
    %dma_start3A_118 = arith.constant 2048 : i32
    %dma_start3A_119 = tpu.memref_slice %arg8[%dma_start3A_118] : memref<10240xi32, #tpu.memory_space<vmem>> -> memref<1024xi32, #tpu.memory_space<vmem>>
    %dma_start3A_120 = tpu.memref_slice %arg2[%mul3A_114] : memref<3276800xi32, #tpu.memory_space<hbm>> -> memref<1024xi32, #tpu.memory_space<hbm>>
    tpu.enqueue_dma source(%dma_start3A_120 : memref<1024xi32, #tpu.memory_space<hbm>>) target(%dma_start3A_119 : memref<1024xi32, #tpu.memory_space<vmem>>) target_semaphore(%arg10 : memref<!tpu.dma_semaphore, #tpu.memory_space<semaphore_mem>>)
    %add3A_121 = arith.constant 0 : i32
    %add3A_122 = arith.constant 3 : i32
    %add3A_123 = arith.addi %add3A_121, %add3A_122 : i32
    %min3A_124 = arith.constant 99 : i32
    %min3A_125 = arith.minsi %add3A_123, %min3A_124 : i32
    %rem3A_126 = arith.constant 25 : i32
    %rem3A_127 = arith.remsi %min3A_125, %rem3A_126 : i32
    %div3A_128 = arith.constant 25 : i32
    %div3A_129 = arith.divsi %min3A_125, %div3A_128 : i32
    %add3A_130 = arith.addi %mul3A_2, %div3A_129 : i32
    %mul3A_131 = arith.constant 128 : i32
    %mul3A_132 = arith.muli %rem3A_127, %mul3A_131 : i32
    %add3A_133 = arith.addi %mul3A_132, %add3A_130 : i32
    %mul3A_134 = arith.constant 1024 : i32
    %mul3A_135 = arith.muli %add3A_133, %mul3A_134 : i32
    %dma_start3A_136 = arith.constant 3072 : i32
    %dma_start3A_137 = tpu.memref_slice %arg8[%dma_start3A_136] : memref<10240xi32, #tpu.memory_space<vmem>> -> memref<1024xi32, #tpu.memory_space<vmem>>
    %dma_start3A_138 = tpu.memref_slice %arg2[%mul3A_135] : memref<3276800xi32, #tpu.memory_space<hbm>> -> memref<1024xi32, #tpu.memory_space<hbm>>
    %dma_start3A_139 = arith.constant 3072 : i32
    %dma_start3A_140 = tpu.memref_slice %arg8[%dma_start3A_139] : memref<10240xi32, #tpu.memory_space<vmem>> -> memref<1024xi32, #tpu.memory_space<vmem>>
    %dma_start3A_141 = tpu.memref_slice %arg2[%mul3A_135] : memref<3276800xi32, #tpu.memory_space<hbm>> -> memref<1024xi32, #tpu.memory_space<hbm>>
    tpu.enqueue_dma source(%dma_start3A_141 : memref<1024xi32, #tpu.memory_space<hbm>>) target(%dma_start3A_140 : memref<1024xi32, #tpu.memory_space<vmem>>) target_semaphore(%arg10 : memref<!tpu.dma_semaphore, #tpu.memory_space<semaphore_mem>>)
    %add3A_142 = arith.constant 0 : i32
    %add3A_143 = arith.constant 4 : i32
    %add3A_144 = arith.addi %add3A_142, %add3A_143 : i32
    %min3A_145 = arith.constant 99 : i32
    %min3A_146 = arith.minsi %add3A_144, %min3A_145 : i32
    %rem3A_147 = arith.constant 25 : i32
    %rem3A_148 = arith.remsi %min3A_146, %rem3A_147 : i32
    %div3A_149 = arith.constant 25 : i32
    %div3A_150 = arith.divsi %min3A_146, %div3A_149 : i32
    %add3A_151 = arith.addi %mul3A_2, %div3A_150 : i32
    %mul3A_152 = arith.constant 128 : i32
    %mul3A_153 = arith.muli %rem3A_148, %mul3A_152 : i32
    %add3A_154 = arith.addi %mul3A_153, %add3A_151 : i32
    %mul3A_155 = arith.constant 1024 : i32
    %mul3A_156 = arith.muli %add3A_154, %mul3A_155 : i32
    %dma_start3A_157 = arith.constant 4096 : i32
    %dma_start3A_158 = tpu.memref_slice %arg8[%dma_start3A_157] : memref<10240xi32, #tpu.memory_space<vmem>> -> memref<1024xi32, #tpu.memory_space<vmem>>
    %dma_start3A_159 = tpu.memref_slice %arg2[%mul3A_156] : memref<3276800xi32, #tpu.memory_space<hbm>> -> memref<1024xi32, #tpu.memory_space<hbm>>
    %dma_start3A_160 = arith.constant 4096 : i32
    %dma_start3A_161 = tpu.memref_slice %arg8[%dma_start3A_160] : memref<10240xi32, #tpu.memory_space<vmem>> -> memref<1024xi32, #tpu.memory_space<vmem>>
    %dma_start3A_162 = tpu.memref_slice %arg2[%mul3A_156] : memref<3276800xi32, #tpu.memory_space<hbm>> -> memref<1024xi32, #tpu.memory_space<hbm>>
    tpu.enqueue_dma source(%dma_start3A_162 : memref<1024xi32, #tpu.memory_space<hbm>>) target(%dma_start3A_161 : memref<1024xi32, #tpu.memory_space<vmem>>) target_semaphore(%arg10 : memref<!tpu.dma_semaphore, #tpu.memory_space<semaphore_mem>>)
    %add3A_163 = arith.constant 5 : i32
    %add3A_164 = arith.constant 0 : i32
    %add3A_165 = arith.addi %add3A_163, %add3A_164 : i32
    %min3A_166 = arith.constant 99 : i32
    %min3A_167 = arith.minsi %add3A_165, %min3A_166 : i32
    %rem3A_168 = arith.constant 25 : i32
    %rem3A_169 = arith.remsi %min3A_167, %rem3A_168 : i32
    %div3A_170 = arith.constant 25 : i32
    %div3A_171 = arith.divsi %min3A_167, %div3A_170 : i32
    %add3A_172 = arith.addi %mul3A_2, %div3A_171 : i32
    %mul3A_173 = arith.constant 128 : i32
    %mul3A_174 = arith.muli %rem3A_169, %mul3A_173 : i32
    %add3A_175 = arith.addi %mul3A_174, %add3A_172 : i32
    %mul3A_176 = arith.constant 1024 : i32
    %mul3A_177 = arith.muli %add3A_175, %mul3A_176 : i32
    %dma_start3A_178 = arith.constant 5120 : i32
    %dma_start3A_179 = tpu.memref_slice %arg8[%dma_start3A_178] : memref<10240xi32, #tpu.memory_space<vmem>> -> memref<1024xi32, #tpu.memory_space<vmem>>
    %dma_start3A_180 = tpu.memref_slice %arg2[%mul3A_177] : memref<3276800xi32, #tpu.memory_space<hbm>> -> memref<1024xi32, #tpu.memory_space<hbm>>
    %dma_start3A_181 = arith.constant 5120 : i32
    %dma_start3A_182 = tpu.memref_slice %arg8[%dma_start3A_181] : memref<10240xi32, #tpu.memory_space<vmem>> -> memref<1024xi32, #tpu.memory_space<vmem>>
    %dma_start3A_183 = tpu.memref_slice %arg2[%mul3A_177] : memref<3276800xi32, #tpu.memory_space<hbm>> -> memref<1024xi32, #tpu.memory_space<hbm>>
    tpu.enqueue_dma source(%dma_start3A_183 : memref<1024xi32, #tpu.memory_space<hbm>>) target(%dma_start3A_182 : memref<1024xi32, #tpu.memory_space<vmem>>) target_semaphore(%arg11 : memref<!tpu.dma_semaphore, #tpu.memory_space<semaphore_mem>>)
    %add3A_184 = arith.constant 5 : i32
    %add3A_185 = arith.constant 1 : i32
    %add3A_186 = arith.addi %add3A_184, %add3A_185 : i32
    %min3A_187 = arith.constant 99 : i32
    %min3A_188 = arith.minsi %add3A_186, %min3A_187 : i32
    %rem3A_189 = arith.constant 25 : i32
    %rem3A_190 = arith.remsi %min3A_188, %rem3A_189 : i32
    %div3A_191 = arith.constant 25 : i32
    %div3A_192 = arith.divsi %min3A_188, %div3A_191 : i32
    %add3A_193 = arith.addi %mul3A_2, %div3A_192 : i32
    %mul3A_194 = arith.constant 128 : i32
    %mul3A_195 = arith.muli %rem3A_190, %mul3A_194 : i32
    %add3A_196 = arith.addi %mul3A_195, %add3A_193 : i32
    %mul3A_197 = arith.constant 1024 : i32
    %mul3A_198 = arith.muli %add3A_196, %mul3A_197 : i32
    %dma_start3A_199 = arith.constant 6144 : i32
    %dma_start3A_200 = tpu.memref_slice %arg8[%dma_start3A_199] : memref<10240xi32, #tpu.memory_space<vmem>> -> memref<1024xi32, #tpu.memory_space<vmem>>
    %dma_start3A_201 = tpu.memref_slice %arg2[%mul3A_198] : memref<3276800xi32, #tpu.memory_space<hbm>> -> memref<1024xi32, #tpu.memory_space<hbm>>
    %dma_start3A_202 = arith.constant 6144 : i32
    %dma_start3A_203 = tpu.memref_slice %arg8[%dma_start3A_202] : memref<10240xi32, #tpu.memory_space<vmem>> -> memref<1024xi32, #tpu.memory_space<vmem>>
    %dma_start3A_204 = tpu.memref_slice %arg2[%mul3A_198] : memref<3276800xi32, #tpu.memory_space<hbm>> -> memref<1024xi32, #tpu.memory_space<hbm>>
    tpu.enqueue_dma source(%dma_start3A_204 : memref<1024xi32, #tpu.memory_space<hbm>>) target(%dma_start3A_203 : memref<1024xi32, #tpu.memory_space<vmem>>) target_semaphore(%arg11 : memref<!tpu.dma_semaphore, #tpu.memory_space<semaphore_mem>>)
    %add3A_205 = arith.constant 5 : i32
    %add3A_206 = arith.constant 2 : i32
    %add3A_207 = arith.addi %add3A_205, %add3A_206 : i32
    %min3A_208 = arith.constant 99 : i32
    %min3A_209 = arith.minsi %add3A_207, %min3A_208 : i32
    %rem3A_210 = arith.constant 25 : i32
    %rem3A_211 = arith.remsi %min3A_209, %rem3A_210 : i32
    %div3A_212 = arith.constant 25 : i32
    %div3A_213 = arith.divsi %min3A_209, %div3A_212 : i32
    %add3A_214 = arith.addi %mul3A_2, %div3A_213 : i32
    %mul3A_215 = arith.constant 128 : i32
    %mul3A_216 = arith.muli %rem3A_211, %mul3A_215 : i32
    %add3A_217 = arith.addi %mul3A_216, %add3A_214 : i32
    %mul3A_218 = arith.constant 1024 : i32
    %mul3A_219 = arith.muli %add3A_217, %mul3A_218 : i32
    %dma_start3A_220 = arith.constant 7168 : i32
    %dma_start3A_221 = tpu.memref_slice %arg8[%dma_start3A_220] : memref<10240xi32, #tpu.memory_space<vmem>> -> memref<1024xi32, #tpu.memory_space<vmem>>
    %dma_start3A_222 = tpu.memref_slice %arg2[%mul3A_219] : memref<3276800xi32, #tpu.memory_space<hbm>> -> memref<1024xi32, #tpu.memory_space<hbm>>
    %dma_start3A_223 = arith.constant 7168 : i32
    %dma_start3A_224 = tpu.memref_slice %arg8[%dma_start3A_223] : memref<10240xi32, #tpu.memory_space<vmem>> -> memref<1024xi32, #tpu.memory_space<vmem>>
    %dma_start3A_225 = tpu.memref_slice %arg2[%mul3A_219] : memref<3276800xi32, #tpu.memory_space<hbm>> -> memref<1024xi32, #tpu.memory_space<hbm>>
    tpu.enqueue_dma source(%dma_start3A_225 : memref<1024xi32, #tpu.memory_space<hbm>>) target(%dma_start3A_224 : memref<1024xi32, #tpu.memory_space<vmem>>) target_semaphore(%arg11 : memref<!tpu.dma_semaphore, #tpu.memory_space<semaphore_mem>>)
    %add3A_226 = arith.constant 5 : i32
    %add3A_227 = arith.constant 3 : i32
    %add3A_228 = arith.addi %add3A_226, %add3A_227 : i32
    %min3A_229 = arith.constant 99 : i32
    %min3A_230 = arith.minsi %add3A_228, %min3A_229 : i32
    %rem3A_231 = arith.constant 25 : i32
    %rem3A_232 = arith.remsi %min3A_230, %rem3A_231 : i32
    %div3A_233 = arith.constant 25 : i32
    %div3A_234 = arith.divsi %min3A_230, %div3A_233 : i32
    %add3A_235 = arith.addi %mul3A_2, %div3A_234 : i32
    %mul3A_236 = arith.constant 128 : i32
    %mul3A_237 = arith.muli %rem3A_232, %mul3A_236 : i32
    %add3A_238 = arith.addi %mul3A_237, %add3A_235 : i32
    %mul3A_239 = arith.constant 1024 : i32
    %mul3A_240 = arith.muli %add3A_238, %mul3A_239 : i32
    %dma_start3A_241 = arith.constant 8192 : i32
    %dma_start3A_242 = tpu.memref_slice %arg8[%dma_start3A_241] : memref<10240xi32, #tpu.memory_space<vmem>> -> memref<1024xi32, #tpu.memory_space<vmem>>
    %dma_start3A_243 = tpu.memref_slice %arg2[%mul3A_240] : memref<3276800xi32, #tpu.memory_space<hbm>> -> memref<1024xi32, #tpu.memory_space<hbm>>
    %dma_start3A_244 = arith.constant 8192 : i32
    %dma_start3A_245 = tpu.memref_slice %arg8[%dma_start3A_244] : memref<10240xi32, #tpu.memory_space<vmem>> -> memref<1024xi32, #tpu.memory_space<vmem>>
    %dma_start3A_246 = tpu.memref_slice %arg2[%mul3A_240] : memref<3276800xi32, #tpu.memory_space<hbm>> -> memref<1024xi32, #tpu.memory_space<hbm>>
    tpu.enqueue_dma source(%dma_start3A_246 : memref<1024xi32, #tpu.memory_space<hbm>>) target(%dma_start3A_245 : memref<1024xi32, #tpu.memory_space<vmem>>) target_semaphore(%arg11 : memref<!tpu.dma_semaphore, #tpu.memory_space<semaphore_mem>>)
    %add3A_247 = arith.constant 5 : i32
    %add3A_248 = arith.constant 4 : i32
    %add3A_249 = arith.addi %add3A_247, %add3A_248 : i32
    %min3A_250 = arith.constant 99 : i32
    %min3A_251 = arith.minsi %add3A_249, %min3A_250 : i32
    %rem3A_252 = arith.constant 25 : i32
    %rem3A_253 = arith.remsi %min3A_251, %rem3A_252 : i32
    %div3A_254 = arith.constant 25 : i32
    %div3A_255 = arith.divsi %min3A_251, %div3A_254 : i32
    %add3A_256 = arith.addi %mul3A_2, %div3A_255 : i32
    %mul3A_257 = arith.constant 128 : i32
    %mul3A_258 = arith.muli %rem3A_253, %mul3A_257 : i32
    %add3A_259 = arith.addi %mul3A_258, %add3A_256 : i32
    %mul3A_260 = arith.constant 1024 : i32
    %mul3A_261 = arith.muli %add3A_259, %mul3A_260 : i32
    %dma_start3A_262 = arith.constant 9216 : i32
    %dma_start3A_263 = tpu.memref_slice %arg8[%dma_start3A_262] : memref<10240xi32, #tpu.memory_space<vmem>> -> memref<1024xi32, #tpu.memory_space<vmem>>
    %dma_start3A_264 = tpu.memref_slice %arg2[%mul3A_261] : memref<3276800xi32, #tpu.memory_space<hbm>> -> memref<1024xi32, #tpu.memory_space<hbm>>
    %dma_start3A_265 = arith.constant 9216 : i32
    %dma_start3A_266 = tpu.memref_slice %arg8[%dma_start3A_265] : memref<10240xi32, #tpu.memory_space<vmem>> -> memref<1024xi32, #tpu.memory_space<vmem>>
    %dma_start3A_267 = tpu.memref_slice %arg2[%mul3A_261] : memref<3276800xi32, #tpu.memory_space<hbm>> -> memref<1024xi32, #tpu.memory_space<hbm>>
    tpu.enqueue_dma source(%dma_start3A_267 : memref<1024xi32, #tpu.memory_space<hbm>>) target(%dma_start3A_266 : memref<1024xi32, #tpu.memory_space<vmem>>) target_semaphore(%arg11 : memref<!tpu.dma_semaphore, #tpu.memory_space<semaphore_mem>>)
    %scan3A = arith.constant 0 : i32
    %scan3A_268 = arith.constant 0 : i32
    %scan3A_269 = arith.constant 10 : i32
    %scan3A_270 = arith.addi %scan3A_268, %scan3A_269 : i32
    %scan3A_271 = arith.constant 1 : i32
    scf.for %scan3A_304 = %scan3A_268 to %scan3A_270 step %scan3A_271  : i32 {
      %mul3A_305 = arith.constant 2 : i32
      %mul3A_306 = arith.muli %scan3A_304, %mul3A_305 : i32
      %add3A_307 = arith.constant 0 : i32
      %add3A_308 = arith.addi %mul3A_306, %add3A_307 : i32
      %mul3A_309 = arith.constant 5 : i32
      %mul3A_310 = arith.muli %add3A_308, %mul3A_309 : i32
      %dma_wait3A_311 = arith.constant 0 : i32
      %dma_wait3A_312 = tpu.memref_slice %arg8[%dma_wait3A_311] : memref<10240xi32, #tpu.memory_space<vmem>> -> memref<5120xi32, #tpu.memory_space<vmem>>
      %dma_wait3A_313 = arith.constant 0 : i32
      %dma_wait3A_314 = tpu.memref_slice %arg2[%dma_wait3A_313] : memref<3276800xi32, #tpu.memory_space<hbm>> -> memref<5120xi32, #tpu.memory_space<hbm>>
      %dma_wait3A_315 = arith.constant 0 : i32
      %dma_wait3A_316 = tpu.memref_slice %arg8[%dma_wait3A_315] : memref<10240xi32, #tpu.memory_space<vmem>> -> memref<5120xi32, #tpu.memory_space<vmem>>
      %dma_wait3A_317 = arith.constant 0 : i32
      %dma_wait3A_318 = tpu.memref_slice %arg2[%dma_wait3A_317] : memref<3276800xi32, #tpu.memory_space<hbm>> -> memref<5120xi32, #tpu.memory_space<hbm>>
      tpu.wait_dma2 semaphore(%arg10 : memref<!tpu.dma_semaphore, #tpu.memory_space<semaphore_mem>>) src(%dma_wait3A_318 : memref<5120xi32, #tpu.memory_space<hbm>>) dst(%dma_wait3A_316 : memref<5120xi32, #tpu.memory_space<vmem>>)
      %ge3A = arith.constant 1 : i32
      %ge3A_319 = arith.cmpi sge, %scan3A_304, %ge3A : i32
      %convert_element_type3A = arith.extui %ge3A_319 : i1 to i32
      %cond3A = arith.constant 0 : i32
      %cond3A_320 = arith.cmpi ne, %convert_element_type3A, %cond3A : i32
      scf.if %cond3A_320 {
        %dma_wait3A_1819 = arith.constant 0 : i32
        %dma_wait3A_1820 = tpu.memref_slice %arg9[%dma_wait3A_1819] : memref<81920xf32, #tpu.memory_space<vmem>> -> memref<40960xf32, #tpu.memory_space<vmem>>
        %dma_wait3A_1821 = arith.constant 0 : i32
        %dma_wait3A_1822 = tpu.memref_slice %arg6[%dma_wait3A_1821] : memref<26214400xf32, #tpu.memory_space<hbm>> -> memref<40960xf32, #tpu.memory_space<hbm>>
        %dma_wait3A_1823 = arith.constant 0 : i32
        %dma_wait3A_1824 = tpu.memref_slice %arg9[%dma_wait3A_1823] : memref<81920xf32, #tpu.memory_space<vmem>> -> memref<40960xf32, #tpu.memory_space<vmem>>
        %dma_wait3A_1825 = arith.constant 0 : i32
        %dma_wait3A_1826 = tpu.memref_slice %arg6[%dma_wait3A_1825] : memref<26214400xf32, #tpu.memory_space<hbm>> -> memref<40960xf32, #tpu.memory_space<hbm>>
        tpu.wait_dma2 semaphore(%arg12 : memref<!tpu.dma_semaphore, #tpu.memory_space<semaphore_mem>>) src(%dma_wait3A_1826 : memref<40960xf32, #tpu.memory_space<hbm>>) dst(%dma_wait3A_1824 : memref<40960xf32, #tpu.memory_space<vmem>>)
      } else {
      }
      %parallel_loop3A = arith.constant 0 : i32
      %parallel_loop3A_321 = arith.constant 320 : i32
      %parallel_loop3A_322 = arith.constant 1 : i32
      scf.for %parallel_loop3A_1819 = %parallel_loop3A to %parallel_loop3A_321 step %parallel_loop3A_322  : i32 {
        %parallel_loop3A_1820 = arith.constant 6 : i32
        %parallel_loop3A_1821 = arith.shrsi %parallel_loop3A_1819, %parallel_loop3A_1820 : i32
        %parallel_loop3A_1822 = arith.constant 3 : i32
        %parallel_loop3A_1823 = arith.shrsi %parallel_loop3A_1819, %parallel_loop3A_1822 : i32
        %parallel_loop3A_1824 = arith.constant 7 : i32
        %parallel_loop3A_1825 = arith.andi %parallel_loop3A_1823, %parallel_loop3A_1824 : i32
        %parallel_loop3A_1826 = arith.constant 7 : i32
        %parallel_loop3A_1827 = arith.andi %parallel_loop3A_1819, %parallel_loop3A_1826 : i32
        %parallel_loop3A_1828 = arith.constant 1024 : i32
        %parallel_loop3A_1829 = arith.muli %parallel_loop3A_1821, %parallel_loop3A_1828 : i32
        %parallel_loop3A_1830 = arith.constant 0 : i32
        %parallel_loop3A_1831 = arith.addi %parallel_loop3A_1830, %parallel_loop3A_1829 : i32
        %parallel_loop3A_1832 = arith.constant 128 : i32
        %parallel_loop3A_1833 = arith.muli %parallel_loop3A_1825, %parallel_loop3A_1832 : i32
        %parallel_loop3A_1834 = arith.addi %parallel_loop3A_1831, %parallel_loop3A_1833 : i32
        %parallel_loop3A_1835 = arith.constant 16 : i32
        %parallel_loop3A_1836 = arith.muli %parallel_loop3A_1827, %parallel_loop3A_1835 : i32
        %parallel_loop3A_1837 = arith.addi %parallel_loop3A_1834, %parallel_loop3A_1836 : i32
        %parallel_loop3A_1838 = arith.index_cast %parallel_loop3A_1837 : i32 to index
        %parallel_loop3A_1839 = tpu.vector_load %arg8[%parallel_loop3A_1838] {strides = array<i32>} : memref<10240xi32, #tpu.memory_space<vmem>>, vector<16xi32>,
        %parallel_loop3A_1840 = vector.shape_cast %parallel_loop3A_1839 : vector<16xi32> to vector<16x1xi32>
        %parallel_loop3A_1841 = vector.shape_cast %parallel_loop3A_1840 : vector<16x1xi32> to vector<16xi32>
        %parallel_loop3A_1842 = tpu.dynamic_gather %gather3A[%parallel_loop3A_1841] in [0] : vector<16xf32>, vector<16xi32> -> vector<16xf32>
        %parallel_loop3A_1843 = arith.constant 8192 : i32
        %parallel_loop3A_1844 = arith.muli %parallel_loop3A_1821, %parallel_loop3A_1843 : i32
        %parallel_loop3A_1845 = arith.constant 0 : i32
        %parallel_loop3A_1846 = arith.addi %parallel_loop3A_1845, %parallel_loop3A_1844 : i32
        %parallel_loop3A_1847 = arith.constant 1024 : i32
        %parallel_loop3A_1848 = arith.muli %parallel_loop3A_1825, %parallel_loop3A_1847 : i32
        %parallel_loop3A_1849 = arith.addi %parallel_loop3A_1846, %parallel_loop3A_1848 : i32
        %parallel_loop3A_1850 = arith.constant 0 : i32
        %parallel_loop3A_1851 = arith.addi %parallel_loop3A_1849, %parallel_loop3A_1850 : i32
        %parallel_loop3A_1852 = arith.constant 16 : i32
        %parallel_loop3A_1853 = arith.muli %parallel_loop3A_1827, %parallel_loop3A_1852 : i32
        %parallel_loop3A_1854 = arith.addi %parallel_loop3A_1851, %parallel_loop3A_1853 : i32
        %parallel_loop3A_1855 = arith.index_cast %parallel_loop3A_1854 : i32 to index
        %parallel_loop3A_1856 = tpu.vector_load %arg9[%parallel_loop3A_1855] {strides = array<i32>} : memref<81920xf32, #tpu.memory_space<vmem>>, vector<16xf32>,
        tpu.vector_store %arg9[%parallel_loop3A_1855], %parallel_loop3A_1842 {strides = array<i32>} : memref<81920xf32, #tpu.memory_space<vmem>>, vector<16xf32>,
        %parallel_loop3A_1857 = vector.shape_cast %parallel_loop3A_1839 : vector<16xi32> to vector<16x1xi32>
        %parallel_loop3A_1858 = vector.shape_cast %parallel_loop3A_1857 : vector<16x1xi32> to vector<16xi32>
        %parallel_loop3A_1859 = tpu.dynamic_gather %gather3A_19[%parallel_loop3A_1858] in [0] : vector<16xf32>, vector<16xi32> -> vector<16xf32>
        %parallel_loop3A_1860 = arith.constant 8192 : i32
        %parallel_loop3A_1861 = arith.muli %parallel_loop3A_1821, %parallel_loop3A_1860 : i32
        %parallel_loop3A_1862 = arith.constant 0 : i32
        %parallel_loop3A_1863 = arith.addi %parallel_loop3A_1862, %parallel_loop3A_1861 : i32
        %parallel_loop3A_1864 = arith.constant 1024 : i32
        %parallel_loop3A_1865 = arith.muli %parallel_loop3A_1825, %parallel_loop3A_1864 : i32
        %parallel_loop3A_1866 = arith.addi %parallel_loop3A_1863, %parallel_loop3A_1865 : i32
        %parallel_loop3A_1867 = arith.constant 128 : i32
        %parallel_loop3A_1868 = arith.addi %parallel_loop3A_1866, %parallel_loop3A_1867 : i32
        %parallel_loop3A_1869 = arith.constant 16 : i32
        %parallel_loop3A_1870 = arith.muli %parallel_loop3A_1827, %parallel_loop3A_1869 : i32
        %parallel_loop3A_1871 = arith.addi %parallel_loop3A_1868, %parallel_loop3A_1870 : i32
        %parallel_loop3A_1872 = arith.index_cast %parallel_loop3A_1871 : i32 to index
        %parallel_loop3A_1873 = tpu.vector_load %arg9[%parallel_loop3A_1872] {strides = array<i32>} : memref<81920xf32, #tpu.memory_space<vmem>>, vector<16xf32>,
        tpu.vector_store %arg9[%parallel_loop3A_1872], %parallel_loop3A_1859 {strides = array<i32>} : memref<81920xf32, #tpu.memory_space<vmem>>, vector<16xf32>,
        %parallel_loop3A_1874 = vector.shape_cast %parallel_loop3A_1839 : vector<16xi32> to vector<16x1xi32>
        %parallel_loop3A_1875 = vector.shape_cast %parallel_loop3A_1874 : vector<16x1xi32> to vector<16xi32>
        %parallel_loop3A_1876 = tpu.dynamic_gather %gather3A_26[%parallel_loop3A_1875] in [0] : vector<16xf32>, vector<16xi32> -> vector<16xf32>
        %parallel_loop3A_1877 = arith.constant 8192 : i32
        %parallel_loop3A_1878 = arith.muli %parallel_loop3A_1821, %parallel_loop3A_1877 : i32
        %parallel_loop3A_1879 = arith.constant 0 : i32
        %parallel_loop3A_1880 = arith.addi %parallel_loop3A_1879, %parallel_loop3A_1878 : i32
        %parallel_loop3A_1881 = arith.constant 1024 : i32
        %parallel_loop3A_1882 = arith.muli %parallel_loop3A_1825, %parallel_loop3A_1881 : i32
        %parallel_loop3A_1883 = arith.addi %parallel_loop3A_1880, %parallel_loop3A_1882 : i32
        %parallel_loop3A_1884 = arith.constant 256 : i32
        %parallel_loop3A_1885 = arith.addi %parallel_loop3A_1883, %parallel_loop3A_1884 : i32
        %parallel_loop3A_1886 = arith.constant 16 : i32
        %parallel_loop3A_1887 = arith.muli %parallel_loop3A_1827, %parallel_loop3A_1886 : i32
        %parallel_loop3A_1888 = arith.addi %parallel_loop3A_1885, %parallel_loop3A_1887 : i32
        %parallel_loop3A_1889 = arith.index_cast %parallel_loop3A_1888 : i32 to index
        %parallel_loop3A_1890 = tpu.vector_load %arg9[%parallel_loop3A_1889] {strides = array<i32>} : memref<81920xf32, #tpu.memory_space<vmem>>, vector<16xf32>,
        tpu.vector_store %arg9[%parallel_loop3A_1889], %parallel_loop3A_1876 {strides = array<i32>} : memref<81920xf32, #tpu.memory_space<vmem>>, vector<16xf32>,
        %parallel_loop3A_1891 = vector.shape_cast %parallel_loop3A_1839 : vector<16xi32> to vector<16x1xi32>
        %parallel_loop3A_1892 = vector.shape_cast %parallel_loop3A_1891 : vector<16x1xi32> to vector<16xi32>
        %parallel_loop3A_1893 = tpu.dynamic_gather %gather3A_33[%parallel_loop3A_1892] in [0] : vector<16xf32>, vector<16xi32> -> vector<16xf32>
        %parallel_loop3A_1894 = arith.constant 8192 : i32
        %parallel_loop3A_1895 = arith.muli %parallel_loop3A_1821, %parallel_loop3A_1894 : i32
        %parallel_loop3A_1896 = arith.constant 0 : i32
        %parallel_loop3A_1897 = arith.addi %parallel_loop3A_1896, %parallel_loop3A_1895 : i32
        %parallel_loop3A_1898 = arith.constant 1024 : i32
        %parallel_loop3A_1899 = arith.muli %parallel_loop3A_1825, %parallel_loop3A_1898 : i32
        %parallel_loop3A_1900 = arith.addi %parallel_loop3A_1897, %parallel_loop3A_1899 : i32
        %parallel_loop3A_1901 = arith.constant 384 : i32
        %parallel_loop3A_1902 = arith.addi %parallel_loop3A_1900, %parallel_loop3A_1901 : i32
        %parallel_loop3A_1903 = arith.constant 16 : i32
        %parallel_loop3A_1904 = arith.muli %parallel_loop3A_1827, %parallel_loop3A_1903 : i32
        %parallel_loop3A_1905 = arith.addi %parallel_loop3A_1902, %parallel_loop3A_1904 : i32
        %parallel_loop3A_1906 = arith.index_cast %parallel_loop3A_1905 : i32 to index
        %parallel_loop3A_1907 = tpu.vector_load %arg9[%parallel_loop3A_1906] {strides = array<i32>} : memref<81920xf32, #tpu.memory_space<vmem>>, vector<16xf32>,
        tpu.vector_store %arg9[%parallel_loop3A_1906], %parallel_loop3A_1893 {strides = array<i32>} : memref<81920xf32, #tpu.memory_space<vmem>>, vector<16xf32>,
        %parallel_loop3A_1908 = vector.shape_cast %parallel_loop3A_1839 : vector<16xi32> to vector<16x1xi32>
        %parallel_loop3A_1909 = vector.shape_cast %parallel_loop3A_1908 : vector<16x1xi32> to vector<16xi32>
        %parallel_loop3A_1910 = tpu.dynamic_gather %gather3A_40[%parallel_loop3A_1909] in [0] : vector<16xf32>, vector<16xi32> -> vector<16xf32>
        %parallel_loop3A_1911 = arith.constant 8192 : i32
        %parallel_loop3A_1912 = arith.muli %parallel_loop3A_1821, %parallel_loop3A_1911 : i32
        %parallel_loop3A_1913 = arith.constant 0 : i32
        %parallel_loop3A_1914 = arith.addi %parallel_loop3A_1913, %parallel_loop3A_1912 : i32
        %parallel_loop3A_1915 = arith.constant 1024 : i32
        %parallel_loop3A_1916 = arith.muli %parallel_loop3A_1825, %parallel_loop3A_1915 : i32
        %parallel_loop3A_1917 = arith.addi %parallel_loop3A_1914, %parallel_loop3A_1916 : i32
        %parallel_loop3A_1918 = arith.constant 512 : i32
        %parallel_loop3A_1919 = arith.addi %parallel_loop3A_1917, %parallel_loop3A_1918 : i32
        %parallel_loop3A_1920 = arith.constant 16 : i32
        %parallel_loop3A_1921 = arith.muli %parallel_loop3A_1827, %parallel_loop3A_1920 : i32
        %parallel_loop3A_1922 = arith.addi %parallel_loop3A_1919, %parallel_loop3A_1921 : i32
        %parallel_loop3A_1923 = arith.index_cast %parallel_loop3A_1922 : i32 to index
        %parallel_loop3A_1924 = tpu.vector_load %arg9[%parallel_loop3A_1923] {strides = array<i32>} : memref<81920xf32, #tpu.memory_space<vmem>>, vector<16xf32>,
        tpu.vector_store %arg9[%parallel_loop3A_1923], %parallel_loop3A_1910 {strides = array<i32>} : memref<81920xf32, #tpu.memory_space<vmem>>, vector<16xf32>,
        %parallel_loop3A_1925 = vector.shape_cast %parallel_loop3A_1839 : vector<16xi32> to vector<16x1xi32>
        %parallel_loop3A_1926 = vector.shape_cast %parallel_loop3A_1925 : vector<16x1xi32> to vector<16xi32>
        %parallel_loop3A_1927 = tpu.dynamic_gather %gather3A_47[%parallel_loop3A_1926] in [0] : vector<16xf32>, vector<16xi32> -> vector<16xf32>
        %parallel_loop3A_1928 = arith.constant 8192 : i32
        %parallel_loop3A_1929 = arith.muli %parallel_loop3A_1821, %parallel_loop3A_1928 : i32
        %parallel_loop3A_1930 = arith.constant 0 : i32
        %parallel_loop3A_1931 = arith.addi %parallel_loop3A_1930, %parallel_loop3A_1929 : i32
        %parallel_loop3A_1932 = arith.constant 1024 : i32
        %parallel_loop3A_1933 = arith.muli %parallel_loop3A_1825, %parallel_loop3A_1932 : i32
        %parallel_loop3A_1934 = arith.addi %parallel_loop3A_1931, %parallel_loop3A_1933 : i32
        %parallel_loop3A_1935 = arith.constant 640 : i32
        %parallel_loop3A_1936 = arith.addi %parallel_loop3A_1934, %parallel_loop3A_1935 : i32
        %parallel_loop3A_1937 = arith.constant 16 : i32
        %parallel_loop3A_1938 = arith.muli %parallel_loop3A_1827, %parallel_loop3A_1937 : i32
        %parallel_loop3A_1939 = arith.addi %parallel_loop3A_1936, %parallel_loop3A_1938 : i32
        %parallel_loop3A_1940 = arith.index_cast %parallel_loop3A_1939 : i32 to index
        %parallel_loop3A_1941 = tpu.vector_load %arg9[%parallel_loop3A_1940] {strides = array<i32>} : memref<81920xf32, #tpu.memory_space<vmem>>, vector<16xf32>,
        tpu.vector_store %arg9[%parallel_loop3A_1940], %parallel_loop3A_1927 {strides = array<i32>} : memref<81920xf32, #tpu.memory_space<vmem>>, vector<16xf32>,
        %parallel_loop3A_1942 = vector.shape_cast %parallel_loop3A_1839 : vector<16xi32> to vector<16x1xi32>
        %parallel_loop3A_1943 = vector.shape_cast %parallel_loop3A_1942 : vector<16x1xi32> to vector<16xi32>
        %parallel_loop3A_1944 = tpu.dynamic_gather %gather3A_54[%parallel_loop3A_1943] in [0] : vector<16xf32>, vector<16xi32> -> vector<16xf32>
        %parallel_loop3A_1945 = arith.constant 8192 : i32
        %parallel_loop3A_1946 = arith.muli %parallel_loop3A_1821, %parallel_loop3A_1945 : i32
        %parallel_loop3A_1947 = arith.constant 0 : i32
        %parallel_loop3A_1948 = arith.addi %parallel_loop3A_1947, %parallel_loop3A_1946 : i32
        %parallel_loop3A_1949 = arith.constant 1024 : i32
        %parallel_loop3A_1950 = arith.muli %parallel_loop3A_1825, %parallel_loop3A_1949 : i32
        %parallel_loop3A_1951 = arith.addi %parallel_loop3A_1948, %parallel_loop3A_1950 : i32
        %parallel_loop3A_1952 = arith.constant 768 : i32
        %parallel_loop3A_1953 = arith.addi %parallel_loop3A_1951, %parallel_loop3A_1952 : i32
        %parallel_loop3A_1954 = arith.constant 16 : i32
        %parallel_loop3A_1955 = arith.muli %parallel_loop3A_1827, %parallel_loop3A_1954 : i32
        %parallel_loop3A_1956 = arith.addi %parallel_loop3A_1953, %parallel_loop3A_1955 : i32
        %parallel_loop3A_1957 = arith.index_cast %parallel_loop3A_1956 : i32 to index
        %parallel_loop3A_1958 = tpu.vector_load %arg9[%parallel_loop3A_1957] {strides = array<i32>} : memref<81920xf32, #tpu.memory_space<vmem>>, vector<16xf32>,
        tpu.vector_store %arg9[%parallel_loop3A_1957], %parallel_loop3A_1944 {strides = array<i32>} : memref<81920xf32, #tpu.memory_space<vmem>>, vector<16xf32>,
        %parallel_loop3A_1959 = vector.shape_cast %parallel_loop3A_1839 : vector<16xi32> to vector<16x1xi32>
        %parallel_loop3A_1960 = vector.shape_cast %parallel_loop3A_1959 : vector<16x1xi32> to vector<16xi32>
        %parallel_loop3A_1961 = tpu.dynamic_gather %gather3A_61[%parallel_loop3A_1960] in [0] : vector<16xf32>, vector<16xi32> -> vector<16xf32>
        %parallel_loop3A_1962 = arith.constant 8192 : i32
        %parallel_loop3A_1963 = arith.muli %parallel_loop3A_1821, %parallel_loop3A_1962 : i32
        %parallel_loop3A_1964 = arith.constant 0 : i32
        %parallel_loop3A_1965 = arith.addi %parallel_loop3A_1964, %parallel_loop3A_1963 : i32
        %parallel_loop3A_1966 = arith.constant 1024 : i32
        %parallel_loop3A_1967 = arith.muli %parallel_loop3A_1825, %parallel_loop3A_1966 : i32
        %parallel_loop3A_1968 = arith.addi %parallel_loop3A_1965, %parallel_loop3A_1967 : i32
        %parallel_loop3A_1969 = arith.constant 896 : i32
        %parallel_loop3A_1970 = arith.addi %parallel_loop3A_1968, %parallel_loop3A_1969 : i32
        %parallel_loop3A_1971 = arith.constant 16 : i32
        %parallel_loop3A_1972 = arith.muli %parallel_loop3A_1827, %parallel_loop3A_1971 : i32
        %parallel_loop3A_1973 = arith.addi %parallel_loop3A_1970, %parallel_loop3A_1972 : i32
        %parallel_loop3A_1974 = arith.index_cast %parallel_loop3A_1973 : i32 to index
        %parallel_loop3A_1975 = tpu.vector_load %arg9[%parallel_loop3A_1974] {strides = array<i32>} : memref<81920xf32, #tpu.memory_space<vmem>>, vector<16xf32>,
        tpu.vector_store %arg9[%parallel_loop3A_1974], %parallel_loop3A_1961 {strides = array<i32>} : memref<81920xf32, #tpu.memory_space<vmem>>, vector<16xf32>,
      } {sc.loop_unroll_factor = 8 : i64, sc.parallel_access}
      %add3A_323 = arith.constant 10 : i32
      %add3A_324 = arith.addi %mul3A_310, %add3A_323 : i32
      %add3A_325 = arith.constant 0 : i32
      %add3A_326 = arith.addi %add3A_324, %add3A_325 : i32
      %min3A_327 = arith.constant 99 : i32
      %min3A_328 = arith.minsi %add3A_326, %min3A_327 : i32
      %rem3A_329 = arith.constant 25 : i32
      %rem3A_330 = arith.remsi %min3A_328, %rem3A_329 : i32
      %div3A_331 = arith.constant 25 : i32
      %div3A_332 = arith.divsi %min3A_328, %div3A_331 : i32
      %add3A_333 = arith.addi %mul3A_2, %div3A_332 : i32
      %mul3A_334 = arith.constant 128 : i32
      %mul3A_335 = arith.muli %rem3A_330, %mul3A_334 : i32
      %add3A_336 = arith.addi %mul3A_335, %add3A_333 : i32
      %mul3A_337 = arith.constant 1024 : i32
      %mul3A_338 = arith.muli %add3A_336, %mul3A_337 : i32
      %dma_start3A_339 = arith.constant 0 : i32
      %dma_start3A_340 = tpu.memref_slice %arg8[%dma_start3A_339] : memref<10240xi32, #tpu.memory_space<vmem>> -> memref<1024xi32, #tpu.memory_space<vmem>>
      %dma_start3A_341 = tpu.memref_slice %arg2[%mul3A_338] : memref<3276800xi32, #tpu.memory_space<hbm>> -> memref<1024xi32, #tpu.memory_space<hbm>>
      %dma_start3A_342 = arith.constant 0 : i32
      %dma_start3A_343 = tpu.memref_slice %arg8[%dma_start3A_342] : memref<10240xi32, #tpu.memory_space<vmem>> -> memref<1024xi32, #tpu.memory_space<vmem>>
      %dma_start3A_344 = tpu.memref_slice %arg2[%mul3A_338] : memref<3276800xi32, #tpu.memory_space<hbm>> -> memref<1024xi32, #tpu.memory_space<hbm>>
      tpu.enqueue_dma source(%dma_start3A_344 : memref<1024xi32, #tpu.memory_space<hbm>>) target(%dma_start3A_343 : memref<1024xi32, #tpu.memory_space<vmem>>) target_semaphore(%arg10 : memref<!tpu.dma_semaphore, #tpu.memory_space<semaphore_mem>>)
      %add3A_345 = arith.constant 1 : i32
      %add3A_346 = arith.addi %add3A_324, %add3A_345 : i32
      %min3A_347 = arith.constant 99 : i32
      %min3A_348 = arith.minsi %add3A_346, %min3A_347 : i32
      %rem3A_349 = arith.constant 25 : i32
      %rem3A_350 = arith.remsi %min3A_348, %rem3A_349 : i32
      %div3A_351 = arith.constant 25 : i32
      %div3A_352 = arith.divsi %min3A_348, %div3A_351 : i32
      %add3A_353 = arith.addi %mul3A_2, %div3A_352 : i32
      %mul3A_354 = arith.constant 128 : i32
      %mul3A_355 = arith.muli %rem3A_350, %mul3A_354 : i32
      %add3A_356 = arith.addi %mul3A_355, %add3A_353 : i32
      %mul3A_357 = arith.constant 1024 : i32
      %mul3A_358 = arith.muli %add3A_356, %mul3A_357 : i32
      %dma_start3A_359 = arith.constant 1024 : i32
      %dma_start3A_360 = tpu.memref_slice %arg8[%dma_start3A_359] : memref<10240xi32, #tpu.memory_space<vmem>> -> memref<1024xi32, #tpu.memory_space<vmem>>
      %dma_start3A_361 = tpu.memref_slice %arg2[%mul3A_358] : memref<3276800xi32, #tpu.memory_space<hbm>> -> memref<1024xi32, #tpu.memory_space<hbm>>
      %dma_start3A_362 = arith.constant 1024 : i32
      %dma_start3A_363 = tpu.memref_slice %arg8[%dma_start3A_362] : memref<10240xi32, #tpu.memory_space<vmem>> -> memref<1024xi32, #tpu.memory_space<vmem>>
      %dma_start3A_364 = tpu.memref_slice %arg2[%mul3A_358] : memref<3276800xi32, #tpu.memory_space<hbm>> -> memref<1024xi32, #tpu.memory_space<hbm>>
      tpu.enqueue_dma source(%dma_start3A_364 : memref<1024xi32, #tpu.memory_space<hbm>>) target(%dma_start3A_363 : memref<1024xi32, #tpu.memory_space<vmem>>) target_semaphore(%arg10 : memref<!tpu.dma_semaphore, #tpu.memory_space<semaphore_mem>>)
      %add3A_365 = arith.constant 2 : i32
      %add3A_366 = arith.addi %add3A_324, %add3A_365 : i32
      %min3A_367 = arith.constant 99 : i32
      %min3A_368 = arith.minsi %add3A_366, %min3A_367 : i32
      %rem3A_369 = arith.constant 25 : i32
      %rem3A_370 = arith.remsi %min3A_368, %rem3A_369 : i32
      %div3A_371 = arith.constant 25 : i32
      %div3A_372 = arith.divsi %min3A_368, %div3A_371 : i32
      %add3A_373 = arith.addi %mul3A_2, %div3A_372 : i32
      %mul3A_374 = arith.constant 128 : i32
      %mul3A_375 = arith.muli %rem3A_370, %mul3A_374 : i32
      %add3A_376 = arith.addi %mul3A_375, %add3A_373 : i32
      %mul3A_377 = arith.constant 1024 : i32
      %mul3A_378 = arith.muli %add3A_376, %mul3A_377 : i32
      %dma_start3A_379 = arith.constant 2048 : i32
      %dma_start3A_380 = tpu.memref_slice %arg8[%dma_start3A_379] : memref<10240xi32, #tpu.memory_space<vmem>> -> memref<1024xi32, #tpu.memory_space<vmem>>
      %dma_start3A_381 = tpu.memref_slice %arg2[%mul3A_378] : memref<3276800xi32, #tpu.memory_space<hbm>> -> memref<1024xi32, #tpu.memory_space<hbm>>
      %dma_start3A_382 = arith.constant 2048 : i32
      %dma_start3A_383 = tpu.memref_slice %arg8[%dma_start3A_382] : memref<10240xi32, #tpu.memory_space<vmem>> -> memref<1024xi32, #tpu.memory_space<vmem>>
      %dma_start3A_384 = tpu.memref_slice %arg2[%mul3A_378] : memref<3276800xi32, #tpu.memory_space<hbm>> -> memref<1024xi32, #tpu.memory_space<hbm>>
      tpu.enqueue_dma source(%dma_start3A_384 : memref<1024xi32, #tpu.memory_space<hbm>>) target(%dma_start3A_383 : memref<1024xi32, #tpu.memory_space<vmem>>) target_semaphore(%arg10 : memref<!tpu.dma_semaphore, #tpu.memory_space<semaphore_mem>>)
      %add3A_385 = arith.constant 3 : i32
      %add3A_386 = arith.addi %add3A_324, %add3A_385 : i32
      %min3A_387 = arith.constant 99 : i32
      %min3A_388 = arith.minsi %add3A_386, %min3A_387 : i32
      %rem3A_389 = arith.constant 25 : i32
      %rem3A_390 = arith.remsi %min3A_388, %rem3A_389 : i32
      %div3A_391 = arith.constant 25 : i32
      %div3A_392 = arith.divsi %min3A_388, %div3A_391 : i32
      %add3A_393 = arith.addi %mul3A_2, %div3A_392 : i32
      %mul3A_394 = arith.constant 128 : i32
      %mul3A_395 = arith.muli %rem3A_390, %mul3A_394 : i32
      %add3A_396 = arith.addi %mul3A_395, %add3A_393 : i32
      %mul3A_397 = arith.constant 1024 : i32
      %mul3A_398 = arith.muli %add3A_396, %mul3A_397 : i32
      %dma_start3A_399 = arith.constant 3072 : i32
      %dma_start3A_400 = tpu.memref_slice %arg8[%dma_start3A_399] : memref<10240xi32, #tpu.memory_space<vmem>> -> memref<1024xi32, #tpu.memory_space<vmem>>
      %dma_start3A_401 = tpu.memref_slice %arg2[%mul3A_398] : memref<3276800xi32, #tpu.memory_space<hbm>> -> memref<1024xi32, #tpu.memory_space<hbm>>
      %dma_start3A_402 = arith.constant 3072 : i32
      %dma_start3A_403 = tpu.memref_slice %arg8[%dma_start3A_402] : memref<10240xi32, #tpu.memory_space<vmem>> -> memref<1024xi32, #tpu.memory_space<vmem>>
      %dma_start3A_404 = tpu.memref_slice %arg2[%mul3A_398] : memref<3276800xi32, #tpu.memory_space<hbm>> -> memref<1024xi32, #tpu.memory_space<hbm>>
      tpu.enqueue_dma source(%dma_start3A_404 : memref<1024xi32, #tpu.memory_space<hbm>>) target(%dma_start3A_403 : memref<1024xi32, #tpu.memory_space<vmem>>) target_semaphore(%arg10 : memref<!tpu.dma_semaphore, #tpu.memory_space<semaphore_mem>>)
      %add3A_405 = arith.constant 4 : i32
      %add3A_406 = arith.addi %add3A_324, %add3A_405 : i32
      %min3A_407 = arith.constant 99 : i32
      %min3A_408 = arith.minsi %add3A_406, %min3A_407 : i32
      %rem3A_409 = arith.constant 25 : i32
      %rem3A_410 = arith.remsi %min3A_408, %rem3A_409 : i32
      %div3A_411 = arith.constant 25 : i32
      %div3A_412 = arith.divsi %min3A_408, %div3A_411 : i32
      %add3A_413 = arith.addi %mul3A_2, %div3A_412 : i32
      %mul3A_414 = arith.constant 128 : i32
      %mul3A_415 = arith.muli %rem3A_410, %mul3A_414 : i32
      %add3A_416 = arith.addi %mul3A_415, %add3A_413 : i32
      %mul3A_417 = arith.constant 1024 : i32
      %mul3A_418 = arith.muli %add3A_416, %mul3A_417 : i32
      %dma_start3A_419 = arith.constant 4096 : i32
      %dma_start3A_420 = tpu.memref_slice %arg8[%dma_start3A_419] : memref<10240xi32, #tpu.memory_space<vmem>> -> memref<1024xi32, #tpu.memory_space<vmem>>
      %dma_start3A_421 = tpu.memref_slice %arg2[%mul3A_418] : memref<3276800xi32, #tpu.memory_space<hbm>> -> memref<1024xi32, #tpu.memory_space<hbm>>
      %dma_start3A_422 = arith.constant 4096 : i32
      %dma_start3A_423 = tpu.memref_slice %arg8[%dma_start3A_422] : memref<10240xi32, #tpu.memory_space<vmem>> -> memref<1024xi32, #tpu.memory_space<vmem>>
      %dma_start3A_424 = tpu.memref_slice %arg2[%mul3A_418] : memref<3276800xi32, #tpu.memory_space<hbm>> -> memref<1024xi32, #tpu.memory_space<hbm>>
      tpu.enqueue_dma source(%dma_start3A_424 : memref<1024xi32, #tpu.memory_space<hbm>>) target(%dma_start3A_423 : memref<1024xi32, #tpu.memory_space<vmem>>) target_semaphore(%arg10 : memref<!tpu.dma_semaphore, #tpu.memory_space<semaphore_mem>>)
      %add3A_425 = arith.constant 0 : i32
      %add3A_426 = arith.addi %mul3A_310, %add3A_425 : i32
      %rem3A_427 = arith.constant 25 : i32
      %rem3A_428 = arith.remsi %add3A_426, %rem3A_427 : i32
      %div3A_429 = arith.constant 25 : i32
      %div3A_430 = arith.divsi %add3A_426, %div3A_429 : i32
      %add3A_431 = arith.addi %mul3A_2, %div3A_430 : i32
      %mul3A_432 = arith.constant 8 : i32
      %mul3A_433 = arith.muli %rem3A_428, %mul3A_432 : i32
      %add3A_434 = arith.constant 0 : i32
      %add3A_435 = arith.addi %mul3A_433, %add3A_434 : i32
      %mul3A_436 = arith.constant 128 : i32
      %mul3A_437 = arith.muli %add3A_435, %mul3A_436 : i32
      %add3A_438 = arith.addi %mul3A_437, %add3A_431 : i32
      %mul3A_439 = arith.constant 1024 : i32
      %mul3A_440 = arith.muli %add3A_438, %mul3A_439 : i32
      %dma_start3A_441 = arith.constant 0 : i32
      %dma_start3A_442 = tpu.memref_slice %arg9[%dma_start3A_441] : memref<81920xf32, #tpu.memory_space<vmem>> -> memref<1024xf32, #tpu.memory_space<vmem>>
      %dma_start3A_443 = tpu.memref_slice %arg6[%mul3A_440] : memref<26214400xf32, #tpu.memory_space<hbm>> -> memref<1024xf32, #tpu.memory_space<hbm>>
      %dma_start3A_444 = tpu.memref_slice %arg6[%mul3A_440] : memref<26214400xf32, #tpu.memory_space<hbm>> -> memref<1024xf32, #tpu.memory_space<hbm>>
      %dma_start3A_445 = arith.constant 0 : i32
      %dma_start3A_446 = tpu.memref_slice %arg9[%dma_start3A_445] : memref<81920xf32, #tpu.memory_space<vmem>> -> memref<1024xf32, #tpu.memory_space<vmem>>
      tpu.enqueue_dma source(%dma_start3A_446 : memref<1024xf32, #tpu.memory_space<vmem>>) target(%dma_start3A_444 : memref<1024xf32, #tpu.memory_space<hbm>>) target_semaphore(%arg12 : memref<!tpu.dma_semaphore, #tpu.memory_space<semaphore_mem>>)
      %mul3A_447 = arith.constant 8 : i32
      %mul3A_448 = arith.muli %rem3A_428, %mul3A_447 : i32
      %add3A_449 = arith.constant 1 : i32
      %add3A_450 = arith.addi %mul3A_448, %add3A_449 : i32
      %mul3A_451 = arith.constant 128 : i32
      %mul3A_452 = arith.muli %add3A_450, %mul3A_451 : i32
      %add3A_453 = arith.addi %mul3A_452, %add3A_431 : i32
      %mul3A_454 = arith.constant 1024 : i32
      %mul3A_455 = arith.muli %add3A_453, %mul3A_454 : i32
      %dma_start3A_456 = arith.constant 1024 : i32
      %dma_start3A_457 = tpu.memref_slice %arg9[%dma_start3A_456] : memref<81920xf32, #tpu.memory_space<vmem>> -> memref<1024xf32, #tpu.memory_space<vmem>>
      %dma_start3A_458 = tpu.memref_slice %arg6[%mul3A_455] : memref<26214400xf32, #tpu.memory_space<hbm>> -> memref<1024xf32, #tpu.memory_space<hbm>>
      %dma_start3A_459 = tpu.memref_slice %arg6[%mul3A_455] : memref<26214400xf32, #tpu.memory_space<hbm>> -> memref<1024xf32, #tpu.memory_space<hbm>>
      %dma_start3A_460 = arith.constant 1024 : i32
      %dma_start3A_461 = tpu.memref_slice %arg9[%dma_start3A_460] : memref<81920xf32, #tpu.memory_space<vmem>> -> memref<1024xf32, #tpu.memory_space<vmem>>
      tpu.enqueue_dma source(%dma_start3A_461 : memref<1024xf32, #tpu.memory_space<vmem>>) target(%dma_start3A_459 : memref<1024xf32, #tpu.memory_space<hbm>>) target_semaphore(%arg12 : memref<!tpu.dma_semaphore, #tpu.memory_space<semaphore_mem>>)
      %mul3A_462 = arith.constant 8 : i32
      %mul3A_463 = arith.muli %rem3A_428, %mul3A_462 : i32
      %add3A_464 = arith.constant 2 : i32
      %add3A_465 = arith.addi %mul3A_463, %add3A_464 : i32
      %mul3A_466 = arith.constant 128 : i32
      %mul3A_467 = arith.muli %add3A_465, %mul3A_466 : i32
      %add3A_468 = arith.addi %mul3A_467, %add3A_431 : i32
      %mul3A_469 = arith.constant 1024 : i32
      %mul3A_470 = arith.muli %add3A_468, %mul3A_469 : i32
      %dma_start3A_471 = arith.constant 2048 : i32
      %dma_start3A_472 = tpu.memref_slice %arg9[%dma_start3A_471] : memref<81920xf32, #tpu.memory_space<vmem>> -> memref<1024xf32, #tpu.memory_space<vmem>>
      %dma_start3A_473 = tpu.memref_slice %arg6[%mul3A_470] : memref<26214400xf32, #tpu.memory_space<hbm>> -> memref<1024xf32, #tpu.memory_space<hbm>>
      %dma_start3A_474 = tpu.memref_slice %arg6[%mul3A_470] : memref<26214400xf32, #tpu.memory_space<hbm>> -> memref<1024xf32, #tpu.memory_space<hbm>>
      %dma_start3A_475 = arith.constant 2048 : i32
      %dma_start3A_476 = tpu.memref_slice %arg9[%dma_start3A_475] : memref<81920xf32, #tpu.memory_space<vmem>> -> memref<1024xf32, #tpu.memory_space<vmem>>
      tpu.enqueue_dma source(%dma_start3A_476 : memref<1024xf32, #tpu.memory_space<vmem>>) target(%dma_start3A_474 : memref<1024xf32, #tpu.memory_space<hbm>>) target_semaphore(%arg12 : memref<!tpu.dma_semaphore, #tpu.memory_space<semaphore_mem>>)
      %mul3A_477 = arith.constant 8 : i32
      %mul3A_478 = arith.muli %rem3A_428, %mul3A_477 : i32
      %add3A_479 = arith.constant 3 : i32
      %add3A_480 = arith.addi %mul3A_478, %add3A_479 : i32
      %mul3A_481 = arith.constant 128 : i32
      %mul3A_482 = arith.muli %add3A_480, %mul3A_481 : i32
      %add3A_483 = arith.addi %mul3A_482, %add3A_431 : i32
      %mul3A_484 = arith.constant 1024 : i32
      %mul3A_485 = arith.muli %add3A_483, %mul3A_484 : i32
      %dma_start3A_486 = arith.constant 3072 : i32
      %dma_start3A_487 = tpu.memref_slice %arg9[%dma_start3A_486] : memref<81920xf32, #tpu.memory_space<vmem>> -> memref<1024xf32, #tpu.memory_space<vmem>>
      %dma_start3A_488 = tpu.memref_slice %arg6[%mul3A_485] : memref<26214400xf32, #tpu.memory_space<hbm>> -> memref<1024xf32, #tpu.memory_space<hbm>>
      %dma_start3A_489 = tpu.memref_slice %arg6[%mul3A_485] : memref<26214400xf32, #tpu.memory_space<hbm>> -> memref<1024xf32, #tpu.memory_space<hbm>>
      %dma_start3A_490 = arith.constant 3072 : i32
      %dma_start3A_491 = tpu.memref_slice %arg9[%dma_start3A_490] : memref<81920xf32, #tpu.memory_space<vmem>> -> memref<1024xf32, #tpu.memory_space<vmem>>
      tpu.enqueue_dma source(%dma_start3A_491 : memref<1024xf32, #tpu.memory_space<vmem>>) target(%dma_start3A_489 : memref<1024xf32, #tpu.memory_space<hbm>>) target_semaphore(%arg12 : memref<!tpu.dma_semaphore, #tpu.memory_space<semaphore_mem>>)
      %mul3A_492 = arith.constant 8 : i32
      %mul3A_493 = arith.muli %rem3A_428, %mul3A_492 : i32
      %add3A_494 = arith.constant 4 : i32
      %add3A_495 = arith.addi %mul3A_493, %add3A_494 : i32
      %mul3A_496 = arith.constant 128 : i32
      %mul3A_497 = arith.muli %add3A_495, %mul3A_496 : i32
      %add3A_498 = arith.addi %mul3A_497, %add3A_431 : i32
      %mul3A_499 = arith.constant 1024 : i32
      %mul3A_500 = arith.muli %add3A_498, %mul3A_499 : i32
      %dma_start3A_501 = arith.constant 4096 : i32
      %dma_start3A_502 = tpu.memref_slice %arg9[%dma_start3A_501] : memref<81920xf32, #tpu.memory_space<vmem>> -> memref<1024xf32, #tpu.memory_space<vmem>>
      %dma_start3A_503 = tpu.memref_slice %arg6[%mul3A_500] : memref<26214400xf32, #tpu.memory_space<hbm>> -> memref<1024xf32, #tpu.memory_space<hbm>>
      %dma_start3A_504 = tpu.memref_slice %arg6[%mul3A_500] : memref<26214400xf32, #tpu.memory_space<hbm>> -> memref<1024xf32, #tpu.memory_space<hbm>>
      %dma_start3A_505 = arith.constant 4096 : i32
      %dma_start3A_506 = tpu.memref_slice %arg9[%dma_start3A_505] : memref<81920xf32, #tpu.memory_space<vmem>> -> memref<1024xf32, #tpu.memory_space<vmem>>
      tpu.enqueue_dma source(%dma_start3A_506 : memref<1024xf32, #tpu.memory_space<vmem>>) target(%dma_start3A_504 : memref<1024xf32, #tpu.memory_space<hbm>>) target_semaphore(%arg12 : memref<!tpu.dma_semaphore, #tpu.memory_space<semaphore_mem>>)
      %mul3A_507 = arith.constant 8 : i32
      %mul3A_508 = arith.muli %rem3A_428, %mul3A_507 : i32
      %add3A_509 = arith.constant 5 : i32
      %add3A_510 = arith.addi %mul3A_508, %add3A_509 : i32
      %mul3A_511 = arith.constant 128 : i32
      %mul3A_512 = arith.muli %add3A_510, %mul3A_511 : i32
      %add3A_513 = arith.addi %mul3A_512, %add3A_431 : i32
      %mul3A_514 = arith.constant 1024 : i32
      %mul3A_515 = arith.muli %add3A_513, %mul3A_514 : i32
      %dma_start3A_516 = arith.constant 5120 : i32
      %dma_start3A_517 = tpu.memref_slice %arg9[%dma_start3A_516] : memref<81920xf32, #tpu.memory_space<vmem>> -> memref<1024xf32, #tpu.memory_space<vmem>>
      %dma_start3A_518 = tpu.memref_slice %arg6[%mul3A_515] : memref<26214400xf32, #tpu.memory_space<hbm>> -> memref<1024xf32, #tpu.memory_space<hbm>>
      %dma_start3A_519 = tpu.memref_slice %arg6[%mul3A_515] : memref<26214400xf32, #tpu.memory_space<hbm>> -> memref<1024xf32, #tpu.memory_space<hbm>>
      %dma_start3A_520 = arith.constant 5120 : i32
      %dma_start3A_521 = tpu.memref_slice %arg9[%dma_start3A_520] : memref<81920xf32, #tpu.memory_space<vmem>> -> memref<1024xf32, #tpu.memory_space<vmem>>
      tpu.enqueue_dma source(%dma_start3A_521 : memref<1024xf32, #tpu.memory_space<vmem>>) target(%dma_start3A_519 : memref<1024xf32, #tpu.memory_space<hbm>>) target_semaphore(%arg12 : memref<!tpu.dma_semaphore, #tpu.memory_space<semaphore_mem>>)
      %mul3A_522 = arith.constant 8 : i32
      %mul3A_523 = arith.muli %rem3A_428, %mul3A_522 : i32
      %add3A_524 = arith.constant 6 : i32
      %add3A_525 = arith.addi %mul3A_523, %add3A_524 : i32
      %mul3A_526 = arith.constant 128 : i32
      %mul3A_527 = arith.muli %add3A_525, %mul3A_526 : i32
      %add3A_528 = arith.addi %mul3A_527, %add3A_431 : i32
      %mul3A_529 = arith.constant 1024 : i32
      %mul3A_530 = arith.muli %add3A_528, %mul3A_529 : i32
      %dma_start3A_531 = arith.constant 6144 : i32
      %dma_start3A_532 = tpu.memref_slice %arg9[%dma_start3A_531] : memref<81920xf32, #tpu.memory_space<vmem>> -> memref<1024xf32, #tpu.memory_space<vmem>>
      %dma_start3A_533 = tpu.memref_slice %arg6[%mul3A_530] : memref<26214400xf32, #tpu.memory_space<hbm>> -> memref<1024xf32, #tpu.memory_space<hbm>>
      %dma_start3A_534 = tpu.memref_slice %arg6[%mul3A_530] : memref<26214400xf32, #tpu.memory_space<hbm>> -> memref<1024xf32, #tpu.memory_space<hbm>>
      %dma_start3A_535 = arith.constant 6144 : i32
      %dma_start3A_536 = tpu.memref_slice %arg9[%dma_start3A_535] : memref<81920xf32, #tpu.memory_space<vmem>> -> memref<1024xf32, #tpu.memory_space<vmem>>
      tpu.enqueue_dma source(%dma_start3A_536 : memref<1024xf32, #tpu.memory_space<vmem>>) target(%dma_start3A_534 : memref<1024xf32, #tpu.memory_space<hbm>>) target_semaphore(%arg12 : memref<!tpu.dma_semaphore, #tpu.memory_space<semaphore_mem>>)
      %mul3A_537 = arith.constant 8 : i32
      %mul3A_538 = arith.muli %rem3A_428, %mul3A_537 : i32
      %add3A_539 = arith.constant 7 : i32
      %add3A_540 = arith.addi %mul3A_538, %add3A_539 : i32
      %mul3A_541 = arith.constant 128 : i32
      %mul3A_542 = arith.muli %add3A_540, %mul3A_541 : i32
      %add3A_543 = arith.addi %mul3A_542, %add3A_431 : i32
      %mul3A_544 = arith.constant 1024 : i32
      %mul3A_545 = arith.muli %add3A_543, %mul3A_544 : i32
      %dma_start3A_546 = arith.constant 7168 : i32
      %dma_start3A_547 = tpu.memref_slice %arg9[%dma_start3A_546] : memref<81920xf32, #tpu.memory_space<vmem>> -> memref<1024xf32, #tpu.memory_space<vmem>>
      %dma_start3A_548 = tpu.memref_slice %arg6[%mul3A_545] : memref<26214400xf32, #tpu.memory_space<hbm>> -> memref<1024xf32, #tpu.memory_space<hbm>>
      %dma_start3A_549 = tpu.memref_slice %arg6[%mul3A_545] : memref<26214400xf32, #tpu.memory_space<hbm>> -> memref<1024xf32, #tpu.memory_space<hbm>>
      %dma_start3A_550 = arith.constant 7168 : i32
      %dma_start3A_551 = tpu.memref_slice %arg9[%dma_start3A_550] : memref<81920xf32, #tpu.memory_space<vmem>> -> memref<1024xf32, #tpu.memory_space<vmem>>
      tpu.enqueue_dma source(%dma_start3A_551 : memref<1024xf32, #tpu.memory_space<vmem>>) target(%dma_start3A_549 : memref<1024xf32, #tpu.memory_space<hbm>>) target_semaphore(%arg12 : memref<!tpu.dma_semaphore, #tpu.memory_space<semaphore_mem>>)
      %add3A_552 = arith.constant 1 : i32
      %add3A_553 = arith.addi %mul3A_310, %add3A_552 : i32
      %rem3A_554 = arith.constant 25 : i32
      %rem3A_555 = arith.remsi %add3A_553, %rem3A_554 : i32
      %div3A_556 = arith.constant 25 : i32
      %div3A_557 = arith.divsi %add3A_553, %div3A_556 : i32
      %add3A_558 = arith.addi %mul3A_2, %div3A_557 : i32
      %mul3A_559 = arith.constant 8 : i32
      %mul3A_560 = arith.muli %rem3A_555, %mul3A_559 : i32
      %add3A_561 = arith.constant 0 : i32
      %add3A_562 = arith.addi %mul3A_560, %add3A_561 : i32
      %mul3A_563 = arith.constant 128 : i32
      %mul3A_564 = arith.muli %add3A_562, %mul3A_563 : i32
      %add3A_565 = arith.addi %mul3A_564, %add3A_558 : i32
      %mul3A_566 = arith.constant 1024 : i32
      %mul3A_567 = arith.muli %add3A_565, %mul3A_566 : i32
      %dma_start3A_568 = arith.constant 8192 : i32
      %dma_start3A_569 = tpu.memref_slice %arg9[%dma_start3A_568] : memref<81920xf32, #tpu.memory_space<vmem>> -> memref<1024xf32, #tpu.memory_space<vmem>>
      %dma_start3A_570 = tpu.memref_slice %arg6[%mul3A_567] : memref<26214400xf32, #tpu.memory_space<hbm>> -> memref<1024xf32, #tpu.memory_space<hbm>>
      %dma_start3A_571 = tpu.memref_slice %arg6[%mul3A_567] : memref<26214400xf32, #tpu.memory_space<hbm>> -> memref<1024xf32, #tpu.memory_space<hbm>>
      %dma_start3A_572 = arith.constant 8192 : i32
      %dma_start3A_573 = tpu.memref_slice %arg9[%dma_start3A_572] : memref<81920xf32, #tpu.memory_space<vmem>> -> memref<1024xf32, #tpu.memory_space<vmem>>
      tpu.enqueue_dma source(%dma_start3A_573 : memref<1024xf32, #tpu.memory_space<vmem>>) target(%dma_start3A_571 : memref<1024xf32, #tpu.memory_space<hbm>>) target_semaphore(%arg12 : memref<!tpu.dma_semaphore, #tpu.memory_space<semaphore_mem>>)
      %mul3A_574 = arith.constant 8 : i32
      %mul3A_575 = arith.muli %rem3A_555, %mul3A_574 : i32
      %add3A_576 = arith.constant 1 : i32
      %add3A_577 = arith.addi %mul3A_575, %add3A_576 : i32
      %mul3A_578 = arith.constant 128 : i32
      %mul3A_579 = arith.muli %add3A_577, %mul3A_578 : i32
      %add3A_580 = arith.addi %mul3A_579, %add3A_558 : i32
      %mul3A_581 = arith.constant 1024 : i32
      %mul3A_582 = arith.muli %add3A_580, %mul3A_581 : i32
      %dma_start3A_583 = arith.constant 9216 : i32
      %dma_start3A_584 = tpu.memref_slice %arg9[%dma_start3A_583] : memref<81920xf32, #tpu.memory_space<vmem>> -> memref<1024xf32, #tpu.memory_space<vmem>>
      %dma_start3A_585 = tpu.memref_slice %arg6[%mul3A_582] : memref<26214400xf32, #tpu.memory_space<hbm>> -> memref<1024xf32, #tpu.memory_space<hbm>>
      %dma_start3A_586 = tpu.memref_slice %arg6[%mul3A_582] : memref<26214400xf32, #tpu.memory_space<hbm>> -> memref<1024xf32, #tpu.memory_space<hbm>>
      %dma_start3A_587 = arith.constant 9216 : i32
      %dma_start3A_588 = tpu.memref_slice %arg9[%dma_start3A_587] : memref<81920xf32, #tpu.memory_space<vmem>> -> memref<1024xf32, #tpu.memory_space<vmem>>
      tpu.enqueue_dma source(%dma_start3A_588 : memref<1024xf32, #tpu.memory_space<vmem>>) target(%dma_start3A_586 : memref<1024xf32, #tpu.memory_space<hbm>>) target_semaphore(%arg12 : memref<!tpu.dma_semaphore, #tpu.memory_space<semaphore_mem>>)
      %mul3A_589 = arith.constant 8 : i32
      %mul3A_590 = arith.muli %rem3A_555, %mul3A_589 : i32
      %add3A_591 = arith.constant 2 : i32
      %add3A_592 = arith.addi %mul3A_590, %add3A_591 : i32
      %mul3A_593 = arith.constant 128 : i32
      %mul3A_594 = arith.muli %add3A_592, %mul3A_593 : i32
      %add3A_595 = arith.addi %mul3A_594, %add3A_558 : i32
      %mul3A_596 = arith.constant 1024 : i32
      %mul3A_597 = arith.muli %add3A_595, %mul3A_596 : i32
      %dma_start3A_598 = arith.constant 10240 : i32
      %dma_start3A_599 = tpu.memref_slice %arg9[%dma_start3A_598] : memref<81920xf32, #tpu.memory_space<vmem>> -> memref<1024xf32, #tpu.memory_space<vmem>>
      %dma_start3A_600 = tpu.memref_slice %arg6[%mul3A_597] : memref<26214400xf32, #tpu.memory_space<hbm>> -> memref<1024xf32, #tpu.memory_space<hbm>>
      %dma_start3A_601 = tpu.memref_slice %arg6[%mul3A_597] : memref<26214400xf32, #tpu.memory_space<hbm>> -> memref<1024xf32, #tpu.memory_space<hbm>>
      %dma_start3A_602 = arith.constant 10240 : i32
      %dma_start3A_603 = tpu.memref_slice %arg9[%dma_start3A_602] : memref<81920xf32, #tpu.memory_space<vmem>> -> memref<1024xf32, #tpu.memory_space<vmem>>
      tpu.enqueue_dma source(%dma_start3A_603 : memref<1024xf32, #tpu.memory_space<vmem>>) target(%dma_start3A_601 : memref<1024xf32, #tpu.memory_space<hbm>>) target_semaphore(%arg12 : memref<!tpu.dma_semaphore, #tpu.memory_space<semaphore_mem>>)
      %mul3A_604 = arith.constant 8 : i32
      %mul3A_605 = arith.muli %rem3A_555, %mul3A_604 : i32
      %add3A_606 = arith.constant 3 : i32
      %add3A_607 = arith.addi %mul3A_605, %add3A_606 : i32
      %mul3A_608 = arith.constant 128 : i32
      %mul3A_609 = arith.muli %add3A_607, %mul3A_608 : i32
      %add3A_610 = arith.addi %mul3A_609, %add3A_558 : i32
      %mul3A_611 = arith.constant 1024 : i32
      %mul3A_612 = arith.muli %add3A_610, %mul3A_611 : i32
      %dma_start3A_613 = arith.constant 11264 : i32
      %dma_start3A_614 = tpu.memref_slice %arg9[%dma_start3A_613] : memref<81920xf32, #tpu.memory_space<vmem>> -> memref<1024xf32, #tpu.memory_space<vmem>>
      %dma_start3A_615 = tpu.memref_slice %arg6[%mul3A_612] : memref<26214400xf32, #tpu.memory_space<hbm>> -> memref<1024xf32, #tpu.memory_space<hbm>>
      %dma_start3A_616 = tpu.memref_slice %arg6[%mul3A_612] : memref<26214400xf32, #tpu.memory_space<hbm>> -> memref<1024xf32, #tpu.memory_space<hbm>>
      %dma_start3A_617 = arith.constant 11264 : i32
      %dma_start3A_618 = tpu.memref_slice %arg9[%dma_start3A_617] : memref<81920xf32, #tpu.memory_space<vmem>> -> memref<1024xf32, #tpu.memory_space<vmem>>
      tpu.enqueue_dma source(%dma_start3A_618 : memref<1024xf32, #tpu.memory_space<vmem>>) target(%dma_start3A_616 : memref<1024xf32, #tpu.memory_space<hbm>>) target_semaphore(%arg12 : memref<!tpu.dma_semaphore, #tpu.memory_space<semaphore_mem>>)
      %mul3A_619 = arith.constant 8 : i32
      %mul3A_620 = arith.muli %rem3A_555, %mul3A_619 : i32
      %add3A_621 = arith.constant 4 : i32
      %add3A_622 = arith.addi %mul3A_620, %add3A_621 : i32
      %mul3A_623 = arith.constant 128 : i32
      %mul3A_624 = arith.muli %add3A_622, %mul3A_623 : i32
      %add3A_625 = arith.addi %mul3A_624, %add3A_558 : i32
      %mul3A_626 = arith.constant 1024 : i32
      %mul3A_627 = arith.muli %add3A_625, %mul3A_626 : i32
      %dma_start3A_628 = arith.constant 12288 : i32
      %dma_start3A_629 = tpu.memref_slice %arg9[%dma_start3A_628] : memref<81920xf32, #tpu.memory_space<vmem>> -> memref<1024xf32, #tpu.memory_space<vmem>>
      %dma_start3A_630 = tpu.memref_slice %arg6[%mul3A_627] : memref<26214400xf32, #tpu.memory_space<hbm>> -> memref<1024xf32, #tpu.memory_space<hbm>>
      %dma_start3A_631 = tpu.memref_slice %arg6[%mul3A_627] : memref<26214400xf32, #tpu.memory_space<hbm>> -> memref<1024xf32, #tpu.memory_space<hbm>>
      %dma_start3A_632 = arith.constant 12288 : i32
      %dma_start3A_633 = tpu.memref_slice %arg9[%dma_start3A_632] : memref<81920xf32, #tpu.memory_space<vmem>> -> memref<1024xf32, #tpu.memory_space<vmem>>
      tpu.enqueue_dma source(%dma_start3A_633 : memref<1024xf32, #tpu.memory_space<vmem>>) target(%dma_start3A_631 : memref<1024xf32, #tpu.memory_space<hbm>>) target_semaphore(%arg12 : memref<!tpu.dma_semaphore, #tpu.memory_space<semaphore_mem>>)
      %mul3A_634 = arith.constant 8 : i32
      %mul3A_635 = arith.muli %rem3A_555, %mul3A_634 : i32
      %add3A_636 = arith.constant 5 : i32
      %add3A_637 = arith.addi %mul3A_635, %add3A_636 : i32
      %mul3A_638 = arith.constant 128 : i32
      %mul3A_639 = arith.muli %add3A_637, %mul3A_638 : i32
      %add3A_640 = arith.addi %mul3A_639, %add3A_558 : i32
      %mul3A_641 = arith.constant 1024 : i32
      %mul3A_642 = arith.muli %add3A_640, %mul3A_641 : i32
      %dma_start3A_643 = arith.constant 13312 : i32
      %dma_start3A_644 = tpu.memref_slice %arg9[%dma_start3A_643] : memref<81920xf32, #tpu.memory_space<vmem>> -> memref<1024xf32, #tpu.memory_space<vmem>>
      %dma_start3A_645 = tpu.memref_slice %arg6[%mul3A_642] : memref<26214400xf32, #tpu.memory_space<hbm>> -> memref<1024xf32, #tpu.memory_space<hbm>>
      %dma_start3A_646 = tpu.memref_slice %arg6[%mul3A_642] : memref<26214400xf32, #tpu.memory_space<hbm>> -> memref<1024xf32, #tpu.memory_space<hbm>>
      %dma_start3A_647 = arith.constant 13312 : i32
      %dma_start3A_648 = tpu.memref_slice %arg9[%dma_start3A_647] : memref<81920xf32, #tpu.memory_space<vmem>> -> memref<1024xf32, #tpu.memory_space<vmem>>
      tpu.enqueue_dma source(%dma_start3A_648 : memref<1024xf32, #tpu.memory_space<vmem>>) target(%dma_start3A_646 : memref<1024xf32, #tpu.memory_space<hbm>>) target_semaphore(%arg12 : memref<!tpu.dma_semaphore, #tpu.memory_space<semaphore_mem>>)
      %mul3A_649 = arith.constant 8 : i32
      %mul3A_650 = arith.muli %rem3A_555, %mul3A_649 : i32
      %add3A_651 = arith.constant 6 : i32
      %add3A_652 = arith.addi %mul3A_650, %add3A_651 : i32
      %mul3A_653 = arith.constant 128 : i32
      %mul3A_654 = arith.muli %add3A_652, %mul3A_653 : i32
      %add3A_655 = arith.addi %mul3A_654, %add3A_558 : i32
      %mul3A_656 = arith.constant 1024 : i32
      %mul3A_657 = arith.muli %add3A_655, %mul3A_656 : i32
      %dma_start3A_658 = arith.constant 14336 : i32
      %dma_start3A_659 = tpu.memref_slice %arg9[%dma_start3A_658] : memref<81920xf32, #tpu.memory_space<vmem>> -> memref<1024xf32, #tpu.memory_space<vmem>>
      %dma_start3A_660 = tpu.memref_slice %arg6[%mul3A_657] : memref<26214400xf32, #tpu.memory_space<hbm>> -> memref<1024xf32, #tpu.memory_space<hbm>>
      %dma_start3A_661 = tpu.memref_slice %arg6[%mul3A_657] : memref<26214400xf32, #tpu.memory_space<hbm>> -> memref<1024xf32, #tpu.memory_space<hbm>>
      %dma_start3A_662 = arith.constant 14336 : i32
      %dma_start3A_663 = tpu.memref_slice %arg9[%dma_start3A_662] : memref<81920xf32, #tpu.memory_space<vmem>> -> memref<1024xf32, #tpu.memory_space<vmem>>
      tpu.enqueue_dma source(%dma_start3A_663 : memref<1024xf32, #tpu.memory_space<vmem>>) target(%dma_start3A_661 : memref<1024xf32, #tpu.memory_space<hbm>>) target_semaphore(%arg12 : memref<!tpu.dma_semaphore, #tpu.memory_space<semaphore_mem>>)
      %mul3A_664 = arith.constant 8 : i32
      %mul3A_665 = arith.muli %rem3A_555, %mul3A_664 : i32
      %add3A_666 = arith.constant 7 : i32
      %add3A_667 = arith.addi %mul3A_665, %add3A_666 : i32
      %mul3A_668 = arith.constant 128 : i32
      %mul3A_669 = arith.muli %add3A_667, %mul3A_668 : i32
      %add3A_670 = arith.addi %mul3A_669, %add3A_558 : i32
      %mul3A_671 = arith.constant 1024 : i32
      %mul3A_672 = arith.muli %add3A_670, %mul3A_671 : i32
      %dma_start3A_673 = arith.constant 15360 : i32
      %dma_start3A_674 = tpu.memref_slice %arg9[%dma_start3A_673] : memref<81920xf32, #tpu.memory_space<vmem>> -> memref<1024xf32, #tpu.memory_space<vmem>>
      %dma_start3A_675 = tpu.memref_slice %arg6[%mul3A_672] : memref<26214400xf32, #tpu.memory_space<hbm>> -> memref<1024xf32, #tpu.memory_space<hbm>>
      %dma_start3A_676 = tpu.memref_slice %arg6[%mul3A_672] : memref<26214400xf32, #tpu.memory_space<hbm>> -> memref<1024xf32, #tpu.memory_space<hbm>>
      %dma_start3A_677 = arith.constant 15360 : i32
      %dma_start3A_678 = tpu.memref_slice %arg9[%dma_start3A_677] : memref<81920xf32, #tpu.memory_space<vmem>> -> memref<1024xf32, #tpu.memory_space<vmem>>
      tpu.enqueue_dma source(%dma_start3A_678 : memref<1024xf32, #tpu.memory_space<vmem>>) target(%dma_start3A_676 : memref<1024xf32, #tpu.memory_space<hbm>>) target_semaphore(%arg12 : memref<!tpu.dma_semaphore, #tpu.memory_space<semaphore_mem>>)
      %add3A_679 = arith.constant 2 : i32
      %add3A_680 = arith.addi %mul3A_310, %add3A_679 : i32
      %rem3A_681 = arith.constant 25 : i32
      %rem3A_682 = arith.remsi %add3A_680, %rem3A_681 : i32
      %div3A_683 = arith.constant 25 : i32
      %div3A_684 = arith.divsi %add3A_680, %div3A_683 : i32
      %add3A_685 = arith.addi %mul3A_2, %div3A_684 : i32
      %mul3A_686 = arith.constant 8 : i32
      %mul3A_687 = arith.muli %rem3A_682, %mul3A_686 : i32
      %add3A_688 = arith.constant 0 : i32
      %add3A_689 = arith.addi %mul3A_687, %add3A_688 : i32
      %mul3A_690 = arith.constant 128 : i32
      %mul3A_691 = arith.muli %add3A_689, %mul3A_690 : i32
      %add3A_692 = arith.addi %mul3A_691, %add3A_685 : i32
      %mul3A_693 = arith.constant 1024 : i32
      %mul3A_694 = arith.muli %add3A_692, %mul3A_693 : i32
      %dma_start3A_695 = arith.constant 16384 : i32
      %dma_start3A_696 = tpu.memref_slice %arg9[%dma_start3A_695] : memref<81920xf32, #tpu.memory_space<vmem>> -> memref<1024xf32, #tpu.memory_space<vmem>>
      %dma_start3A_697 = tpu.memref_slice %arg6[%mul3A_694] : memref<26214400xf32, #tpu.memory_space<hbm>> -> memref<1024xf32, #tpu.memory_space<hbm>>
      %dma_start3A_698 = tpu.memref_slice %arg6[%mul3A_694] : memref<26214400xf32, #tpu.memory_space<hbm>> -> memref<1024xf32, #tpu.memory_space<hbm>>
      %dma_start3A_699 = arith.constant 16384 : i32
      %dma_start3A_700 = tpu.memref_slice %arg9[%dma_start3A_699] : memref<81920xf32, #tpu.memory_space<vmem>> -> memref<1024xf32, #tpu.memory_space<vmem>>
      tpu.enqueue_dma source(%dma_start3A_700 : memref<1024xf32, #tpu.memory_space<vmem>>) target(%dma_start3A_698 : memref<1024xf32, #tpu.memory_space<hbm>>) target_semaphore(%arg12 : memref<!tpu.dma_semaphore, #tpu.memory_space<semaphore_mem>>)
      %mul3A_701 = arith.constant 8 : i32
      %mul3A_702 = arith.muli %rem3A_682, %mul3A_701 : i32
      %add3A_703 = arith.constant 1 : i32
      %add3A_704 = arith.addi %mul3A_702, %add3A_703 : i32
      %mul3A_705 = arith.constant 128 : i32
      %mul3A_706 = arith.muli %add3A_704, %mul3A_705 : i32
      %add3A_707 = arith.addi %mul3A_706, %add3A_685 : i32
      %mul3A_708 = arith.constant 1024 : i32
      %mul3A_709 = arith.muli %add3A_707, %mul3A_708 : i32
      %dma_start3A_710 = arith.constant 17408 : i32
      %dma_start3A_711 = tpu.memref_slice %arg9[%dma_start3A_710] : memref<81920xf32, #tpu.memory_space<vmem>> -> memref<1024xf32, #tpu.memory_space<vmem>>
      %dma_start3A_712 = tpu.memref_slice %arg6[%mul3A_709] : memref<26214400xf32, #tpu.memory_space<hbm>> -> memref<1024xf32, #tpu.memory_space<hbm>>
      %dma_start3A_713 = tpu.memref_slice %arg6[%mul3A_709] : memref<26214400xf32, #tpu.memory_space<hbm>> -> memref<1024xf32, #tpu.memory_space<hbm>>
      %dma_start3A_714 = arith.constant 17408 : i32
      %dma_start3A_715 = tpu.memref_slice %arg9[%dma_start3A_714] : memref<81920xf32, #tpu.memory_space<vmem>> -> memref<1024xf32, #tpu.memory_space<vmem>>
      tpu.enqueue_dma source(%dma_start3A_715 : memref<1024xf32, #tpu.memory_space<vmem>>) target(%dma_start3A_713 : memref<1024xf32, #tpu.memory_space<hbm>>) target_semaphore(%arg12 : memref<!tpu.dma_semaphore, #tpu.memory_space<semaphore_mem>>)
      %mul3A_716 = arith.constant 8 : i32
      %mul3A_717 = arith.muli %rem3A_682, %mul3A_716 : i32
      %add3A_718 = arith.constant 2 : i32
      %add3A_719 = arith.addi %mul3A_717, %add3A_718 : i32
      %mul3A_720 = arith.constant 128 : i32
      %mul3A_721 = arith.muli %add3A_719, %mul3A_720 : i32
      %add3A_722 = arith.addi %mul3A_721, %add3A_685 : i32
      %mul3A_723 = arith.constant 1024 : i32
      %mul3A_724 = arith.muli %add3A_722, %mul3A_723 : i32
      %dma_start3A_725 = arith.constant 18432 : i32
      %dma_start3A_726 = tpu.memref_slice %arg9[%dma_start3A_725] : memref<81920xf32, #tpu.memory_space<vmem>> -> memref<1024xf32, #tpu.memory_space<vmem>>
      %dma_start3A_727 = tpu.memref_slice %arg6[%mul3A_724] : memref<26214400xf32, #tpu.memory_space<hbm>> -> memref<1024xf32, #tpu.memory_space<hbm>>
      %dma_start3A_728 = tpu.memref_slice %arg6[%mul3A_724] : memref<26214400xf32, #tpu.memory_space<hbm>> -> memref<1024xf32, #tpu.memory_space<hbm>>
      %dma_start3A_729 = arith.constant 18432 : i32
      %dma_start3A_730 = tpu.memref_slice %arg9[%dma_start3A_729] : memref<81920xf32, #tpu.memory_space<vmem>> -> memref<1024xf32, #tpu.memory_space<vmem>>
      tpu.enqueue_dma source(%dma_start3A_730 : memref<1024xf32, #tpu.memory_space<vmem>>) target(%dma_start3A_728 : memref<1024xf32, #tpu.memory_space<hbm>>) target_semaphore(%arg12 : memref<!tpu.dma_semaphore, #tpu.memory_space<semaphore_mem>>)
      %mul3A_731 = arith.constant 8 : i32
      %mul3A_732 = arith.muli %rem3A_682, %mul3A_731 : i32
      %add3A_733 = arith.constant 3 : i32
      %add3A_734 = arith.addi %mul3A_732, %add3A_733 : i32
      %mul3A_735 = arith.constant 128 : i32
      %mul3A_736 = arith.muli %add3A_734, %mul3A_735 : i32
      %add3A_737 = arith.addi %mul3A_736, %add3A_685 : i32
      %mul3A_738 = arith.constant 1024 : i32
      %mul3A_739 = arith.muli %add3A_737, %mul3A_738 : i32
      %dma_start3A_740 = arith.constant 19456 : i32
      %dma_start3A_741 = tpu.memref_slice %arg9[%dma_start3A_740] : memref<81920xf32, #tpu.memory_space<vmem>> -> memref<1024xf32, #tpu.memory_space<vmem>>
      %dma_start3A_742 = tpu.memref_slice %arg6[%mul3A_739] : memref<26214400xf32, #tpu.memory_space<hbm>> -> memref<1024xf32, #tpu.memory_space<hbm>>
      %dma_start3A_743 = tpu.memref_slice %arg6[%mul3A_739] : memref<26214400xf32, #tpu.memory_space<hbm>> -> memref<1024xf32, #tpu.memory_space<hbm>>
      %dma_start3A_744 = arith.constant 19456 : i32
      %dma_start3A_745 = tpu.memref_slice %arg9[%dma_start3A_744] : memref<81920xf32, #tpu.memory_space<vmem>> -> memref<1024xf32, #tpu.memory_space<vmem>>
      tpu.enqueue_dma source(%dma_start3A_745 : memref<1024xf32, #tpu.memory_space<vmem>>) target(%dma_start3A_743 : memref<1024xf32, #tpu.memory_space<hbm>>) target_semaphore(%arg12 : memref<!tpu.dma_semaphore, #tpu.memory_space<semaphore_mem>>)
      %mul3A_746 = arith.constant 8 : i32
      %mul3A_747 = arith.muli %rem3A_682, %mul3A_746 : i32
      %add3A_748 = arith.constant 4 : i32
      %add3A_749 = arith.addi %mul3A_747, %add3A_748 : i32
      %mul3A_750 = arith.constant 128 : i32
      %mul3A_751 = arith.muli %add3A_749, %mul3A_750 : i32
      %add3A_752 = arith.addi %mul3A_751, %add3A_685 : i32
      %mul3A_753 = arith.constant 1024 : i32
      %mul3A_754 = arith.muli %add3A_752, %mul3A_753 : i32
      %dma_start3A_755 = arith.constant 20480 : i32
      %dma_start3A_756 = tpu.memref_slice %arg9[%dma_start3A_755] : memref<81920xf32, #tpu.memory_space<vmem>> -> memref<1024xf32, #tpu.memory_space<vmem>>
      %dma_start3A_757 = tpu.memref_slice %arg6[%mul3A_754] : memref<26214400xf32, #tpu.memory_space<hbm>> -> memref<1024xf32, #tpu.memory_space<hbm>>
      %dma_start3A_758 = tpu.memref_slice %arg6[%mul3A_754] : memref<26214400xf32, #tpu.memory_space<hbm>> -> memref<1024xf32, #tpu.memory_space<hbm>>
      %dma_start3A_759 = arith.constant 20480 : i32
      %dma_start3A_760 = tpu.memref_slice %arg9[%dma_start3A_759] : memref<81920xf32, #tpu.memory_space<vmem>> -> memref<1024xf32, #tpu.memory_space<vmem>>
      tpu.enqueue_dma source(%dma_start3A_760 : memref<1024xf32, #tpu.memory_space<vmem>>) target(%dma_start3A_758 : memref<1024xf32, #tpu.memory_space<hbm>>) target_semaphore(%arg12 : memref<!tpu.dma_semaphore, #tpu.memory_space<semaphore_mem>>)
      %mul3A_761 = arith.constant 8 : i32
      %mul3A_762 = arith.muli %rem3A_682, %mul3A_761 : i32
      %add3A_763 = arith.constant 5 : i32
      %add3A_764 = arith.addi %mul3A_762, %add3A_763 : i32
      %mul3A_765 = arith.constant 128 : i32
      %mul3A_766 = arith.muli %add3A_764, %mul3A_765 : i32
      %add3A_767 = arith.addi %mul3A_766, %add3A_685 : i32
      %mul3A_768 = arith.constant 1024 : i32
      %mul3A_769 = arith.muli %add3A_767, %mul3A_768 : i32
      %dma_start3A_770 = arith.constant 21504 : i32
      %dma_start3A_771 = tpu.memref_slice %arg9[%dma_start3A_770] : memref<81920xf32, #tpu.memory_space<vmem>> -> memref<1024xf32, #tpu.memory_space<vmem>>
      %dma_start3A_772 = tpu.memref_slice %arg6[%mul3A_769] : memref<26214400xf32, #tpu.memory_space<hbm>> -> memref<1024xf32, #tpu.memory_space<hbm>>
      %dma_start3A_773 = tpu.memref_slice %arg6[%mul3A_769] : memref<26214400xf32, #tpu.memory_space<hbm>> -> memref<1024xf32, #tpu.memory_space<hbm>>
      %dma_start3A_774 = arith.constant 21504 : i32
      %dma_start3A_775 = tpu.memref_slice %arg9[%dma_start3A_774] : memref<81920xf32, #tpu.memory_space<vmem>> -> memref<1024xf32, #tpu.memory_space<vmem>>
      tpu.enqueue_dma source(%dma_start3A_775 : memref<1024xf32, #tpu.memory_space<vmem>>) target(%dma_start3A_773 : memref<1024xf32, #tpu.memory_space<hbm>>) target_semaphore(%arg12 : memref<!tpu.dma_semaphore, #tpu.memory_space<semaphore_mem>>)
      %mul3A_776 = arith.constant 8 : i32
      %mul3A_777 = arith.muli %rem3A_682, %mul3A_776 : i32
      %add3A_778 = arith.constant 6 : i32
      %add3A_779 = arith.addi %mul3A_777, %add3A_778 : i32
      %mul3A_780 = arith.constant 128 : i32
      %mul3A_781 = arith.muli %add3A_779, %mul3A_780 : i32
      %add3A_782 = arith.addi %mul3A_781, %add3A_685 : i32
      %mul3A_783 = arith.constant 1024 : i32
      %mul3A_784 = arith.muli %add3A_782, %mul3A_783 : i32
      %dma_start3A_785 = arith.constant 22528 : i32
      %dma_start3A_786 = tpu.memref_slice %arg9[%dma_start3A_785] : memref<81920xf32, #tpu.memory_space<vmem>> -> memref<1024xf32, #tpu.memory_space<vmem>>
      %dma_start3A_787 = tpu.memref_slice %arg6[%mul3A_784] : memref<26214400xf32, #tpu.memory_space<hbm>> -> memref<1024xf32, #tpu.memory_space<hbm>>
      %dma_start3A_788 = tpu.memref_slice %arg6[%mul3A_784] : memref<26214400xf32, #tpu.memory_space<hbm>> -> memref<1024xf32, #tpu.memory_space<hbm>>
      %dma_start3A_789 = arith.constant 22528 : i32
      %dma_start3A_790 = tpu.memref_slice %arg9[%dma_start3A_789] : memref<81920xf32, #tpu.memory_space<vmem>> -> memref<1024xf32, #tpu.memory_space<vmem>>
      tpu.enqueue_dma source(%dma_start3A_790 : memref<1024xf32, #tpu.memory_space<vmem>>) target(%dma_start3A_788 : memref<1024xf32, #tpu.memory_space<hbm>>) target_semaphore(%arg12 : memref<!tpu.dma_semaphore, #tpu.memory_space<semaphore_mem>>)
      %mul3A_791 = arith.constant 8 : i32
      %mul3A_792 = arith.muli %rem3A_682, %mul3A_791 : i32
      %add3A_793 = arith.constant 7 : i32
      %add3A_794 = arith.addi %mul3A_792, %add3A_793 : i32
      %mul3A_795 = arith.constant 128 : i32
      %mul3A_796 = arith.muli %add3A_794, %mul3A_795 : i32
      %add3A_797 = arith.addi %mul3A_796, %add3A_685 : i32
      %mul3A_798 = arith.constant 1024 : i32
      %mul3A_799 = arith.muli %add3A_797, %mul3A_798 : i32
      %dma_start3A_800 = arith.constant 23552 : i32
      %dma_start3A_801 = tpu.memref_slice %arg9[%dma_start3A_800] : memref<81920xf32, #tpu.memory_space<vmem>> -> memref<1024xf32, #tpu.memory_space<vmem>>
      %dma_start3A_802 = tpu.memref_slice %arg6[%mul3A_799] : memref<26214400xf32, #tpu.memory_space<hbm>> -> memref<1024xf32, #tpu.memory_space<hbm>>
      %dma_start3A_803 = tpu.memref_slice %arg6[%mul3A_799] : memref<26214400xf32, #tpu.memory_space<hbm>> -> memref<1024xf32, #tpu.memory_space<hbm>>
      %dma_start3A_804 = arith.constant 23552 : i32
      %dma_start3A_805 = tpu.memref_slice %arg9[%dma_start3A_804] : memref<81920xf32, #tpu.memory_space<vmem>> -> memref<1024xf32, #tpu.memory_space<vmem>>
      tpu.enqueue_dma source(%dma_start3A_805 : memref<1024xf32, #tpu.memory_space<vmem>>) target(%dma_start3A_803 : memref<1024xf32, #tpu.memory_space<hbm>>) target_semaphore(%arg12 : memref<!tpu.dma_semaphore, #tpu.memory_space<semaphore_mem>>)
      %add3A_806 = arith.constant 3 : i32
      %add3A_807 = arith.addi %mul3A_310, %add3A_806 : i32
      %rem3A_808 = arith.constant 25 : i32
      %rem3A_809 = arith.remsi %add3A_807, %rem3A_808 : i32
      %div3A_810 = arith.constant 25 : i32
      %div3A_811 = arith.divsi %add3A_807, %div3A_810 : i32
      %add3A_812 = arith.addi %mul3A_2, %div3A_811 : i32
      %mul3A_813 = arith.constant 8 : i32
      %mul3A_814 = arith.muli %rem3A_809, %mul3A_813 : i32
      %add3A_815 = arith.constant 0 : i32
      %add3A_816 = arith.addi %mul3A_814, %add3A_815 : i32
      %mul3A_817 = arith.constant 128 : i32
      %mul3A_818 = arith.muli %add3A_816, %mul3A_817 : i32
      %add3A_819 = arith.addi %mul3A_818, %add3A_812 : i32
      %mul3A_820 = arith.constant 1024 : i32
      %mul3A_821 = arith.muli %add3A_819, %mul3A_820 : i32
      %dma_start3A_822 = arith.constant 24576 : i32
      %dma_start3A_823 = tpu.memref_slice %arg9[%dma_start3A_822] : memref<81920xf32, #tpu.memory_space<vmem>> -> memref<1024xf32, #tpu.memory_space<vmem>>
      %dma_start3A_824 = tpu.memref_slice %arg6[%mul3A_821] : memref<26214400xf32, #tpu.memory_space<hbm>> -> memref<1024xf32, #tpu.memory_space<hbm>>
      %dma_start3A_825 = tpu.memref_slice %arg6[%mul3A_821] : memref<26214400xf32, #tpu.memory_space<hbm>> -> memref<1024xf32, #tpu.memory_space<hbm>>
      %dma_start3A_826 = arith.constant 24576 : i32
      %dma_start3A_827 = tpu.memref_slice %arg9[%dma_start3A_826] : memref<81920xf32, #tpu.memory_space<vmem>> -> memref<1024xf32, #tpu.memory_space<vmem>>
      tpu.enqueue_dma source(%dma_start3A_827 : memref<1024xf32, #tpu.memory_space<vmem>>) target(%dma_start3A_825 : memref<1024xf32, #tpu.memory_space<hbm>>) target_semaphore(%arg12 : memref<!tpu.dma_semaphore, #tpu.memory_space<semaphore_mem>>)
      %mul3A_828 = arith.constant 8 : i32
      %mul3A_829 = arith.muli %rem3A_809, %mul3A_828 : i32
      %add3A_830 = arith.constant 1 : i32
      %add3A_831 = arith.addi %mul3A_829, %add3A_830 : i32
      %mul3A_832 = arith.constant 128 : i32
      %mul3A_833 = arith.muli %add3A_831, %mul3A_832 : i32
      %add3A_834 = arith.addi %mul3A_833, %add3A_812 : i32
      %mul3A_835 = arith.constant 1024 : i32
      %mul3A_836 = arith.muli %add3A_834, %mul3A_835 : i32
      %dma_start3A_837 = arith.constant 25600 : i32
      %dma_start3A_838 = tpu.memref_slice %arg9[%dma_start3A_837] : memref<81920xf32, #tpu.memory_space<vmem>> -> memref<1024xf32, #tpu.memory_space<vmem>>
      %dma_start3A_839 = tpu.memref_slice %arg6[%mul3A_836] : memref<26214400xf32, #tpu.memory_space<hbm>> -> memref<1024xf32, #tpu.memory_space<hbm>>
      %dma_start3A_840 = tpu.memref_slice %arg6[%mul3A_836] : memref<26214400xf32, #tpu.memory_space<hbm>> -> memref<1024xf32, #tpu.memory_space<hbm>>
      %dma_start3A_841 = arith.constant 25600 : i32
      %dma_start3A_842 = tpu.memref_slice %arg9[%dma_start3A_841] : memref<81920xf32, #tpu.memory_space<vmem>> -> memref<1024xf32, #tpu.memory_space<vmem>>
      tpu.enqueue_dma source(%dma_start3A_842 : memref<1024xf32, #tpu.memory_space<vmem>>) target(%dma_start3A_840 : memref<1024xf32, #tpu.memory_space<hbm>>) target_semaphore(%arg12 : memref<!tpu.dma_semaphore, #tpu.memory_space<semaphore_mem>>)
      %mul3A_843 = arith.constant 8 : i32
      %mul3A_844 = arith.muli %rem3A_809, %mul3A_843 : i32
      %add3A_845 = arith.constant 2 : i32
      %add3A_846 = arith.addi %mul3A_844, %add3A_845 : i32
      %mul3A_847 = arith.constant 128 : i32
      %mul3A_848 = arith.muli %add3A_846, %mul3A_847 : i32
      %add3A_849 = arith.addi %mul3A_848, %add3A_812 : i32
      %mul3A_850 = arith.constant 1024 : i32
      %mul3A_851 = arith.muli %add3A_849, %mul3A_850 : i32
      %dma_start3A_852 = arith.constant 26624 : i32
      %dma_start3A_853 = tpu.memref_slice %arg9[%dma_start3A_852] : memref<81920xf32, #tpu.memory_space<vmem>> -> memref<1024xf32, #tpu.memory_space<vmem>>
      %dma_start3A_854 = tpu.memref_slice %arg6[%mul3A_851] : memref<26214400xf32, #tpu.memory_space<hbm>> -> memref<1024xf32, #tpu.memory_space<hbm>>
      %dma_start3A_855 = tpu.memref_slice %arg6[%mul3A_851] : memref<26214400xf32, #tpu.memory_space<hbm>> -> memref<1024xf32, #tpu.memory_space<hbm>>
      %dma_start3A_856 = arith.constant 26624 : i32
      %dma_start3A_857 = tpu.memref_slice %arg9[%dma_start3A_856] : memref<81920xf32, #tpu.memory_space<vmem>> -> memref<1024xf32, #tpu.memory_space<vmem>>
      tpu.enqueue_dma source(%dma_start3A_857 : memref<1024xf32, #tpu.memory_space<vmem>>) target(%dma_start3A_855 : memref<1024xf32, #tpu.memory_space<hbm>>) target_semaphore(%arg12 : memref<!tpu.dma_semaphore, #tpu.memory_space<semaphore_mem>>)
      %mul3A_858 = arith.constant 8 : i32
      %mul3A_859 = arith.muli %rem3A_809, %mul3A_858 : i32
      %add3A_860 = arith.constant 3 : i32
      %add3A_861 = arith.addi %mul3A_859, %add3A_860 : i32
      %mul3A_862 = arith.constant 128 : i32
      %mul3A_863 = arith.muli %add3A_861, %mul3A_862 : i32
      %add3A_864 = arith.addi %mul3A_863, %add3A_812 : i32
      %mul3A_865 = arith.constant 1024 : i32
      %mul3A_866 = arith.muli %add3A_864, %mul3A_865 : i32
      %dma_start3A_867 = arith.constant 27648 : i32
      %dma_start3A_868 = tpu.memref_slice %arg9[%dma_start3A_867] : memref<81920xf32, #tpu.memory_space<vmem>> -> memref<1024xf32, #tpu.memory_space<vmem>>
      %dma_start3A_869 = tpu.memref_slice %arg6[%mul3A_866] : memref<26214400xf32, #tpu.memory_space<hbm>> -> memref<1024xf32, #tpu.memory_space<hbm>>
      %dma_start3A_870 = tpu.memref_slice %arg6[%mul3A_866] : memref<26214400xf32, #tpu.memory_space<hbm>> -> memref<1024xf32, #tpu.memory_space<hbm>>
      %dma_start3A_871 = arith.constant 27648 : i32
      %dma_start3A_872 = tpu.memref_slice %arg9[%dma_start3A_871] : memref<81920xf32, #tpu.memory_space<vmem>> -> memref<1024xf32, #tpu.memory_space<vmem>>
      tpu.enqueue_dma source(%dma_start3A_872 : memref<1024xf32, #tpu.memory_space<vmem>>) target(%dma_start3A_870 : memref<1024xf32, #tpu.memory_space<hbm>>) target_semaphore(%arg12 : memref<!tpu.dma_semaphore, #tpu.memory_space<semaphore_mem>>)
      %mul3A_873 = arith.constant 8 : i32
      %mul3A_874 = arith.muli %rem3A_809, %mul3A_873 : i32
      %add3A_875 = arith.constant 4 : i32
      %add3A_876 = arith.addi %mul3A_874, %add3A_875 : i32
      %mul3A_877 = arith.constant 128 : i32
      %mul3A_878 = arith.muli %add3A_876, %mul3A_877 : i32
      %add3A_879 = arith.addi %mul3A_878, %add3A_812 : i32
      %mul3A_880 = arith.constant 1024 : i32
      %mul3A_881 = arith.muli %add3A_879, %mul3A_880 : i32
      %dma_start3A_882 = arith.constant 28672 : i32
      %dma_start3A_883 = tpu.memref_slice %arg9[%dma_start3A_882] : memref<81920xf32, #tpu.memory_space<vmem>> -> memref<1024xf32, #tpu.memory_space<vmem>>
      %dma_start3A_884 = tpu.memref_slice %arg6[%mul3A_881] : memref<26214400xf32, #tpu.memory_space<hbm>> -> memref<1024xf32, #tpu.memory_space<hbm>>
      %dma_start3A_885 = tpu.memref_slice %arg6[%mul3A_881] : memref<26214400xf32, #tpu.memory_space<hbm>> -> memref<1024xf32, #tpu.memory_space<hbm>>
      %dma_start3A_886 = arith.constant 28672 : i32
      %dma_start3A_887 = tpu.memref_slice %arg9[%dma_start3A_886] : memref<81920xf32, #tpu.memory_space<vmem>> -> memref<1024xf32, #tpu.memory_space<vmem>>
      tpu.enqueue_dma source(%dma_start3A_887 : memref<1024xf32, #tpu.memory_space<vmem>>) target(%dma_start3A_885 : memref<1024xf32, #tpu.memory_space<hbm>>) target_semaphore(%arg12 : memref<!tpu.dma_semaphore, #tpu.memory_space<semaphore_mem>>)
      %mul3A_888 = arith.constant 8 : i32
      %mul3A_889 = arith.muli %rem3A_809, %mul3A_888 : i32
      %add3A_890 = arith.constant 5 : i32
      %add3A_891 = arith.addi %mul3A_889, %add3A_890 : i32
      %mul3A_892 = arith.constant 128 : i32
      %mul3A_893 = arith.muli %add3A_891, %mul3A_892 : i32
      %add3A_894 = arith.addi %mul3A_893, %add3A_812 : i32
      %mul3A_895 = arith.constant 1024 : i32
      %mul3A_896 = arith.muli %add3A_894, %mul3A_895 : i32
      %dma_start3A_897 = arith.constant 29696 : i32
      %dma_start3A_898 = tpu.memref_slice %arg9[%dma_start3A_897] : memref<81920xf32, #tpu.memory_space<vmem>> -> memref<1024xf32, #tpu.memory_space<vmem>>
      %dma_start3A_899 = tpu.memref_slice %arg6[%mul3A_896] : memref<26214400xf32, #tpu.memory_space<hbm>> -> memref<1024xf32, #tpu.memory_space<hbm>>
      %dma_start3A_900 = tpu.memref_slice %arg6[%mul3A_896] : memref<26214400xf32, #tpu.memory_space<hbm>> -> memref<1024xf32, #tpu.memory_space<hbm>>
      %dma_start3A_901 = arith.constant 29696 : i32
      %dma_start3A_902 = tpu.memref_slice %arg9[%dma_start3A_901] : memref<81920xf32, #tpu.memory_space<vmem>> -> memref<1024xf32, #tpu.memory_space<vmem>>
      tpu.enqueue_dma source(%dma_start3A_902 : memref<1024xf32, #tpu.memory_space<vmem>>) target(%dma_start3A_900 : memref<1024xf32, #tpu.memory_space<hbm>>) target_semaphore(%arg12 : memref<!tpu.dma_semaphore, #tpu.memory_space<semaphore_mem>>)
      %mul3A_903 = arith.constant 8 : i32
      %mul3A_904 = arith.muli %rem3A_809, %mul3A_903 : i32
      %add3A_905 = arith.constant 6 : i32
      %add3A_906 = arith.addi %mul3A_904, %add3A_905 : i32
      %mul3A_907 = arith.constant 128 : i32
      %mul3A_908 = arith.muli %add3A_906, %mul3A_907 : i32
      %add3A_909 = arith.addi %mul3A_908, %add3A_812 : i32
      %mul3A_910 = arith.constant 1024 : i32
      %mul3A_911 = arith.muli %add3A_909, %mul3A_910 : i32
      %dma_start3A_912 = arith.constant 30720 : i32
      %dma_start3A_913 = tpu.memref_slice %arg9[%dma_start3A_912] : memref<81920xf32, #tpu.memory_space<vmem>> -> memref<1024xf32, #tpu.memory_space<vmem>>
      %dma_start3A_914 = tpu.memref_slice %arg6[%mul3A_911] : memref<26214400xf32, #tpu.memory_space<hbm>> -> memref<1024xf32, #tpu.memory_space<hbm>>
      %dma_start3A_915 = tpu.memref_slice %arg6[%mul3A_911] : memref<26214400xf32, #tpu.memory_space<hbm>> -> memref<1024xf32, #tpu.memory_space<hbm>>
      %dma_start3A_916 = arith.constant 30720 : i32
      %dma_start3A_917 = tpu.memref_slice %arg9[%dma_start3A_916] : memref<81920xf32, #tpu.memory_space<vmem>> -> memref<1024xf32, #tpu.memory_space<vmem>>
      tpu.enqueue_dma source(%dma_start3A_917 : memref<1024xf32, #tpu.memory_space<vmem>>) target(%dma_start3A_915 : memref<1024xf32, #tpu.memory_space<hbm>>) target_semaphore(%arg12 : memref<!tpu.dma_semaphore, #tpu.memory_space<semaphore_mem>>)
      %mul3A_918 = arith.constant 8 : i32
      %mul3A_919 = arith.muli %rem3A_809, %mul3A_918 : i32
      %add3A_920 = arith.constant 7 : i32
      %add3A_921 = arith.addi %mul3A_919, %add3A_920 : i32
      %mul3A_922 = arith.constant 128 : i32
      %mul3A_923 = arith.muli %add3A_921, %mul3A_922 : i32
      %add3A_924 = arith.addi %mul3A_923, %add3A_812 : i32
      %mul3A_925 = arith.constant 1024 : i32
      %mul3A_926 = arith.muli %add3A_924, %mul3A_925 : i32
      %dma_start3A_927 = arith.constant 31744 : i32
      %dma_start3A_928 = tpu.memref_slice %arg9[%dma_start3A_927] : memref<81920xf32, #tpu.memory_space<vmem>> -> memref<1024xf32, #tpu.memory_space<vmem>>
      %dma_start3A_929 = tpu.memref_slice %arg6[%mul3A_926] : memref<26214400xf32, #tpu.memory_space<hbm>> -> memref<1024xf32, #tpu.memory_space<hbm>>
      %dma_start3A_930 = tpu.memref_slice %arg6[%mul3A_926] : memref<26214400xf32, #tpu.memory_space<hbm>> -> memref<1024xf32, #tpu.memory_space<hbm>>
      %dma_start3A_931 = arith.constant 31744 : i32
      %dma_start3A_932 = tpu.memref_slice %arg9[%dma_start3A_931] : memref<81920xf32, #tpu.memory_space<vmem>> -> memref<1024xf32, #tpu.memory_space<vmem>>
      tpu.enqueue_dma source(%dma_start3A_932 : memref<1024xf32, #tpu.memory_space<vmem>>) target(%dma_start3A_930 : memref<1024xf32, #tpu.memory_space<hbm>>) target_semaphore(%arg12 : memref<!tpu.dma_semaphore, #tpu.memory_space<semaphore_mem>>)
      %add3A_933 = arith.constant 4 : i32
      %add3A_934 = arith.addi %mul3A_310, %add3A_933 : i32
      %rem3A_935 = arith.constant 25 : i32
      %rem3A_936 = arith.remsi %add3A_934, %rem3A_935 : i32
      %div3A_937 = arith.constant 25 : i32
      %div3A_938 = arith.divsi %add3A_934, %div3A_937 : i32
      %add3A_939 = arith.addi %mul3A_2, %div3A_938 : i32
      %mul3A_940 = arith.constant 8 : i32
      %mul3A_941 = arith.muli %rem3A_936, %mul3A_940 : i32
      %add3A_942 = arith.constant 0 : i32
      %add3A_943 = arith.addi %mul3A_941, %add3A_942 : i32
      %mul3A_944 = arith.constant 128 : i32
      %mul3A_945 = arith.muli %add3A_943, %mul3A_944 : i32
      %add3A_946 = arith.addi %mul3A_945, %add3A_939 : i32
      %mul3A_947 = arith.constant 1024 : i32
      %mul3A_948 = arith.muli %add3A_946, %mul3A_947 : i32
      %dma_start3A_949 = arith.constant 32768 : i32
      %dma_start3A_950 = tpu.memref_slice %arg9[%dma_start3A_949] : memref<81920xf32, #tpu.memory_space<vmem>> -> memref<1024xf32, #tpu.memory_space<vmem>>
      %dma_start3A_951 = tpu.memref_slice %arg6[%mul3A_948] : memref<26214400xf32, #tpu.memory_space<hbm>> -> memref<1024xf32, #tpu.memory_space<hbm>>
      %dma_start3A_952 = tpu.memref_slice %arg6[%mul3A_948] : memref<26214400xf32, #tpu.memory_space<hbm>> -> memref<1024xf32, #tpu.memory_space<hbm>>
      %dma_start3A_953 = arith.constant 32768 : i32
      %dma_start3A_954 = tpu.memref_slice %arg9[%dma_start3A_953] : memref<81920xf32, #tpu.memory_space<vmem>> -> memref<1024xf32, #tpu.memory_space<vmem>>
      tpu.enqueue_dma source(%dma_start3A_954 : memref<1024xf32, #tpu.memory_space<vmem>>) target(%dma_start3A_952 : memref<1024xf32, #tpu.memory_space<hbm>>) target_semaphore(%arg12 : memref<!tpu.dma_semaphore, #tpu.memory_space<semaphore_mem>>)
      %mul3A_955 = arith.constant 8 : i32
      %mul3A_956 = arith.muli %rem3A_936, %mul3A_955 : i32
      %add3A_957 = arith.constant 1 : i32
      %add3A_958 = arith.addi %mul3A_956, %add3A_957 : i32
      %mul3A_959 = arith.constant 128 : i32
      %mul3A_960 = arith.muli %add3A_958, %mul3A_959 : i32
      %add3A_961 = arith.addi %mul3A_960, %add3A_939 : i32
      %mul3A_962 = arith.constant 1024 : i32
      %mul3A_963 = arith.muli %add3A_961, %mul3A_962 : i32
      %dma_start3A_964 = arith.constant 33792 : i32
      %dma_start3A_965 = tpu.memref_slice %arg9[%dma_start3A_964] : memref<81920xf32, #tpu.memory_space<vmem>> -> memref<1024xf32, #tpu.memory_space<vmem>>
      %dma_start3A_966 = tpu.memref_slice %arg6[%mul3A_963] : memref<26214400xf32, #tpu.memory_space<hbm>> -> memref<1024xf32, #tpu.memory_space<hbm>>
      %dma_start3A_967 = tpu.memref_slice %arg6[%mul3A_963] : memref<26214400xf32, #tpu.memory_space<hbm>> -> memref<1024xf32, #tpu.memory_space<hbm>>
      %dma_start3A_968 = arith.constant 33792 : i32
      %dma_start3A_969 = tpu.memref_slice %arg9[%dma_start3A_968] : memref<81920xf32, #tpu.memory_space<vmem>> -> memref<1024xf32, #tpu.memory_space<vmem>>
      tpu.enqueue_dma source(%dma_start3A_969 : memref<1024xf32, #tpu.memory_space<vmem>>) target(%dma_start3A_967 : memref<1024xf32, #tpu.memory_space<hbm>>) target_semaphore(%arg12 : memref<!tpu.dma_semaphore, #tpu.memory_space<semaphore_mem>>)
      %mul3A_970 = arith.constant 8 : i32
      %mul3A_971 = arith.muli %rem3A_936, %mul3A_970 : i32
      %add3A_972 = arith.constant 2 : i32
      %add3A_973 = arith.addi %mul3A_971, %add3A_972 : i32
      %mul3A_974 = arith.constant 128 : i32
      %mul3A_975 = arith.muli %add3A_973, %mul3A_974 : i32
      %add3A_976 = arith.addi %mul3A_975, %add3A_939 : i32
      %mul3A_977 = arith.constant 1024 : i32
      %mul3A_978 = arith.muli %add3A_976, %mul3A_977 : i32
      %dma_start3A_979 = arith.constant 34816 : i32
      %dma_start3A_980 = tpu.memref_slice %arg9[%dma_start3A_979] : memref<81920xf32, #tpu.memory_space<vmem>> -> memref<1024xf32, #tpu.memory_space<vmem>>
      %dma_start3A_981 = tpu.memref_slice %arg6[%mul3A_978] : memref<26214400xf32, #tpu.memory_space<hbm>> -> memref<1024xf32, #tpu.memory_space<hbm>>
      %dma_start3A_982 = tpu.memref_slice %arg6[%mul3A_978] : memref<26214400xf32, #tpu.memory_space<hbm>> -> memref<1024xf32, #tpu.memory_space<hbm>>
      %dma_start3A_983 = arith.constant 34816 : i32
      %dma_start3A_984 = tpu.memref_slice %arg9[%dma_start3A_983] : memref<81920xf32, #tpu.memory_space<vmem>> -> memref<1024xf32, #tpu.memory_space<vmem>>
      tpu.enqueue_dma source(%dma_start3A_984 : memref<1024xf32, #tpu.memory_space<vmem>>) target(%dma_start3A_982 : memref<1024xf32, #tpu.memory_space<hbm>>) target_semaphore(%arg12 : memref<!tpu.dma_semaphore, #tpu.memory_space<semaphore_mem>>)
      %mul3A_985 = arith.constant 8 : i32
      %mul3A_986 = arith.muli %rem3A_936, %mul3A_985 : i32
      %add3A_987 = arith.constant 3 : i32
      %add3A_988 = arith.addi %mul3A_986, %add3A_987 : i32
      %mul3A_989 = arith.constant 128 : i32
      %mul3A_990 = arith.muli %add3A_988, %mul3A_989 : i32
      %add3A_991 = arith.addi %mul3A_990, %add3A_939 : i32
      %mul3A_992 = arith.constant 1024 : i32
      %mul3A_993 = arith.muli %add3A_991, %mul3A_992 : i32
      %dma_start3A_994 = arith.constant 35840 : i32
      %dma_start3A_995 = tpu.memref_slice %arg9[%dma_start3A_994] : memref<81920xf32, #tpu.memory_space<vmem>> -> memref<1024xf32, #tpu.memory_space<vmem>>
      %dma_start3A_996 = tpu.memref_slice %arg6[%mul3A_993] : memref<26214400xf32, #tpu.memory_space<hbm>> -> memref<1024xf32, #tpu.memory_space<hbm>>
      %dma_start3A_997 = tpu.memref_slice %arg6[%mul3A_993] : memref<26214400xf32, #tpu.memory_space<hbm>> -> memref<1024xf32, #tpu.memory_space<hbm>>
      %dma_start3A_998 = arith.constant 35840 : i32
      %dma_start3A_999 = tpu.memref_slice %arg9[%dma_start3A_998] : memref<81920xf32, #tpu.memory_space<vmem>> -> memref<1024xf32, #tpu.memory_space<vmem>>
      tpu.enqueue_dma source(%dma_start3A_999 : memref<1024xf32, #tpu.memory_space<vmem>>) target(%dma_start3A_997 : memref<1024xf32, #tpu.memory_space<hbm>>) target_semaphore(%arg12 : memref<!tpu.dma_semaphore, #tpu.memory_space<semaphore_mem>>)
      %mul3A_1000 = arith.constant 8 : i32
      %mul3A_1001 = arith.muli %rem3A_936, %mul3A_1000 : i32
      %add3A_1002 = arith.constant 4 : i32
      %add3A_1003 = arith.addi %mul3A_1001, %add3A_1002 : i32
      %mul3A_1004 = arith.constant 128 : i32
      %mul3A_1005 = arith.muli %add3A_1003, %mul3A_1004 : i32
      %add3A_1006 = arith.addi %mul3A_1005, %add3A_939 : i32
      %mul3A_1007 = arith.constant 1024 : i32
      %mul3A_1008 = arith.muli %add3A_1006, %mul3A_1007 : i32
      %dma_start3A_1009 = arith.constant 36864 : i32
      %dma_start3A_1010 = tpu.memref_slice %arg9[%dma_start3A_1009] : memref<81920xf32, #tpu.memory_space<vmem>> -> memref<1024xf32, #tpu.memory_space<vmem>>
      %dma_start3A_1011 = tpu.memref_slice %arg6[%mul3A_1008] : memref<26214400xf32, #tpu.memory_space<hbm>> -> memref<1024xf32, #tpu.memory_space<hbm>>
      %dma_start3A_1012 = tpu.memref_slice %arg6[%mul3A_1008] : memref<26214400xf32, #tpu.memory_space<hbm>> -> memref<1024xf32, #tpu.memory_space<hbm>>
      %dma_start3A_1013 = arith.constant 36864 : i32
      %dma_start3A_1014 = tpu.memref_slice %arg9[%dma_start3A_1013] : memref<81920xf32, #tpu.memory_space<vmem>> -> memref<1024xf32, #tpu.memory_space<vmem>>
      tpu.enqueue_dma source(%dma_start3A_1014 : memref<1024xf32, #tpu.memory_space<vmem>>) target(%dma_start3A_1012 : memref<1024xf32, #tpu.memory_space<hbm>>) target_semaphore(%arg12 : memref<!tpu.dma_semaphore, #tpu.memory_space<semaphore_mem>>)
      %mul3A_1015 = arith.constant 8 : i32
      %mul3A_1016 = arith.muli %rem3A_936, %mul3A_1015 : i32
      %add3A_1017 = arith.constant 5 : i32
      %add3A_1018 = arith.addi %mul3A_1016, %add3A_1017 : i32
      %mul3A_1019 = arith.constant 128 : i32
      %mul3A_1020 = arith.muli %add3A_1018, %mul3A_1019 : i32
      %add3A_1021 = arith.addi %mul3A_1020, %add3A_939 : i32
      %mul3A_1022 = arith.constant 1024 : i32
      %mul3A_1023 = arith.muli %add3A_1021, %mul3A_1022 : i32
      %dma_start3A_1024 = arith.constant 37888 : i32
      %dma_start3A_1025 = tpu.memref_slice %arg9[%dma_start3A_1024] : memref<81920xf32, #tpu.memory_space<vmem>> -> memref<1024xf32, #tpu.memory_space<vmem>>
      %dma_start3A_1026 = tpu.memref_slice %arg6[%mul3A_1023] : memref<26214400xf32, #tpu.memory_space<hbm>> -> memref<1024xf32, #tpu.memory_space<hbm>>
      %dma_start3A_1027 = tpu.memref_slice %arg6[%mul3A_1023] : memref<26214400xf32, #tpu.memory_space<hbm>> -> memref<1024xf32, #tpu.memory_space<hbm>>
      %dma_start3A_1028 = arith.constant 37888 : i32
      %dma_start3A_1029 = tpu.memref_slice %arg9[%dma_start3A_1028] : memref<81920xf32, #tpu.memory_space<vmem>> -> memref<1024xf32, #tpu.memory_space<vmem>>
      tpu.enqueue_dma source(%dma_start3A_1029 : memref<1024xf32, #tpu.memory_space<vmem>>) target(%dma_start3A_1027 : memref<1024xf32, #tpu.memory_space<hbm>>) target_semaphore(%arg12 : memref<!tpu.dma_semaphore, #tpu.memory_space<semaphore_mem>>)
      %mul3A_1030 = arith.constant 8 : i32
      %mul3A_1031 = arith.muli %rem3A_936, %mul3A_1030 : i32
      %add3A_1032 = arith.constant 6 : i32
      %add3A_1033 = arith.addi %mul3A_1031, %add3A_1032 : i32
      %mul3A_1034 = arith.constant 128 : i32
      %mul3A_1035 = arith.muli %add3A_1033, %mul3A_1034 : i32
      %add3A_1036 = arith.addi %mul3A_1035, %add3A_939 : i32
      %mul3A_1037 = arith.constant 1024 : i32
      %mul3A_1038 = arith.muli %add3A_1036, %mul3A_1037 : i32
      %dma_start3A_1039 = arith.constant 38912 : i32
      %dma_start3A_1040 = tpu.memref_slice %arg9[%dma_start3A_1039] : memref<81920xf32, #tpu.memory_space<vmem>> -> memref<1024xf32, #tpu.memory_space<vmem>>
      %dma_start3A_1041 = tpu.memref_slice %arg6[%mul3A_1038] : memref<26214400xf32, #tpu.memory_space<hbm>> -> memref<1024xf32, #tpu.memory_space<hbm>>
      %dma_start3A_1042 = tpu.memref_slice %arg6[%mul3A_1038] : memref<26214400xf32, #tpu.memory_space<hbm>> -> memref<1024xf32, #tpu.memory_space<hbm>>
      %dma_start3A_1043 = arith.constant 38912 : i32
      %dma_start3A_1044 = tpu.memref_slice %arg9[%dma_start3A_1043] : memref<81920xf32, #tpu.memory_space<vmem>> -> memref<1024xf32, #tpu.memory_space<vmem>>
      tpu.enqueue_dma source(%dma_start3A_1044 : memref<1024xf32, #tpu.memory_space<vmem>>) target(%dma_start3A_1042 : memref<1024xf32, #tpu.memory_space<hbm>>) target_semaphore(%arg12 : memref<!tpu.dma_semaphore, #tpu.memory_space<semaphore_mem>>)
      %mul3A_1045 = arith.constant 8 : i32
      %mul3A_1046 = arith.muli %rem3A_936, %mul3A_1045 : i32
      %add3A_1047 = arith.constant 7 : i32
      %add3A_1048 = arith.addi %mul3A_1046, %add3A_1047 : i32
      %mul3A_1049 = arith.constant 128 : i32
      %mul3A_1050 = arith.muli %add3A_1048, %mul3A_1049 : i32
      %add3A_1051 = arith.addi %mul3A_1050, %add3A_939 : i32
      %mul3A_1052 = arith.constant 1024 : i32
      %mul3A_1053 = arith.muli %add3A_1051, %mul3A_1052 : i32
      %dma_start3A_1054 = arith.constant 39936 : i32
      %dma_start3A_1055 = tpu.memref_slice %arg9[%dma_start3A_1054] : memref<81920xf32, #tpu.memory_space<vmem>> -> memref<1024xf32, #tpu.memory_space<vmem>>
      %dma_start3A_1056 = tpu.memref_slice %arg6[%mul3A_1053] : memref<26214400xf32, #tpu.memory_space<hbm>> -> memref<1024xf32, #tpu.memory_space<hbm>>
      %dma_start3A_1057 = tpu.memref_slice %arg6[%mul3A_1053] : memref<26214400xf32, #tpu.memory_space<hbm>> -> memref<1024xf32, #tpu.memory_space<hbm>>
      %dma_start3A_1058 = arith.constant 39936 : i32
      %dma_start3A_1059 = tpu.memref_slice %arg9[%dma_start3A_1058] : memref<81920xf32, #tpu.memory_space<vmem>> -> memref<1024xf32, #tpu.memory_space<vmem>>
      tpu.enqueue_dma source(%dma_start3A_1059 : memref<1024xf32, #tpu.memory_space<vmem>>) target(%dma_start3A_1057 : memref<1024xf32, #tpu.memory_space<hbm>>) target_semaphore(%arg12 : memref<!tpu.dma_semaphore, #tpu.memory_space<semaphore_mem>>)
      %mul3A_1060 = arith.constant 2 : i32
      %mul3A_1061 = arith.muli %scan3A_304, %mul3A_1060 : i32
      %add3A_1062 = arith.constant 1 : i32
      %add3A_1063 = arith.addi %mul3A_1061, %add3A_1062 : i32
      %mul3A_1064 = arith.constant 5 : i32
      %mul3A_1065 = arith.muli %add3A_1063, %mul3A_1064 : i32
      %dma_wait3A_1066 = arith.constant 5120 : i32
      %dma_wait3A_1067 = tpu.memref_slice %arg8[%dma_wait3A_1066] : memref<10240xi32, #tpu.memory_space<vmem>> -> memref<5120xi32, #tpu.memory_space<vmem>>
      %dma_wait3A_1068 = arith.constant 0 : i32
      %dma_wait3A_1069 = tpu.memref_slice %arg2[%dma_wait3A_1068] : memref<3276800xi32, #tpu.memory_space<hbm>> -> memref<5120xi32, #tpu.memory_space<hbm>>
      %dma_wait3A_1070 = arith.constant 5120 : i32
      %dma_wait3A_1071 = tpu.memref_slice %arg8[%dma_wait3A_1070] : memref<10240xi32, #tpu.memory_space<vmem>> -> memref<5120xi32, #tpu.memory_space<vmem>>
      %dma_wait3A_1072 = arith.constant 0 : i32
      %dma_wait3A_1073 = tpu.memref_slice %arg2[%dma_wait3A_1072] : memref<3276800xi32, #tpu.memory_space<hbm>> -> memref<5120xi32, #tpu.memory_space<hbm>>
      tpu.wait_dma2 semaphore(%arg11 : memref<!tpu.dma_semaphore, #tpu.memory_space<semaphore_mem>>) src(%dma_wait3A_1073 : memref<5120xi32, #tpu.memory_space<hbm>>) dst(%dma_wait3A_1071 : memref<5120xi32, #tpu.memory_space<vmem>>)
      %ge3A_1074 = arith.constant 1 : i32
      %ge3A_1075 = arith.cmpi sge, %scan3A_304, %ge3A_1074 : i32
      %convert_element_type3A_1076 = arith.extui %ge3A_1075 : i1 to i32
      %cond3A_1077 = arith.constant 0 : i32
      %cond3A_1078 = arith.cmpi ne, %convert_element_type3A_1076, %cond3A_1077 : i32
      scf.if %cond3A_1078 {
        %dma_wait3A_1819 = arith.constant 40960 : i32
        %dma_wait3A_1820 = tpu.memref_slice %arg9[%dma_wait3A_1819] : memref<81920xf32, #tpu.memory_space<vmem>> -> memref<40960xf32, #tpu.memory_space<vmem>>
        %dma_wait3A_1821 = arith.constant 0 : i32
        %dma_wait3A_1822 = tpu.memref_slice %arg6[%dma_wait3A_1821] : memref<26214400xf32, #tpu.memory_space<hbm>> -> memref<40960xf32, #tpu.memory_space<hbm>>
        %dma_wait3A_1823 = arith.constant 40960 : i32
        %dma_wait3A_1824 = tpu.memref_slice %arg9[%dma_wait3A_1823] : memref<81920xf32, #tpu.memory_space<vmem>> -> memref<40960xf32, #tpu.memory_space<vmem>>
        %dma_wait3A_1825 = arith.constant 0 : i32
        %dma_wait3A_1826 = tpu.memref_slice %arg6[%dma_wait3A_1825] : memref<26214400xf32, #tpu.memory_space<hbm>> -> memref<40960xf32, #tpu.memory_space<hbm>>
        tpu.wait_dma2 semaphore(%arg13 : memref<!tpu.dma_semaphore, #tpu.memory_space<semaphore_mem>>) src(%dma_wait3A_1826 : memref<40960xf32, #tpu.memory_space<hbm>>) dst(%dma_wait3A_1824 : memref<40960xf32, #tpu.memory_space<vmem>>)
      } else {
      }
      %parallel_loop3A_1079 = arith.constant 0 : i32
      %parallel_loop3A_1080 = arith.constant 320 : i32
      %parallel_loop3A_1081 = arith.constant 1 : i32
      scf.for %parallel_loop3A_1819 = %parallel_loop3A_1079 to %parallel_loop3A_1080 step %parallel_loop3A_1081  : i32 {
        %parallel_loop3A_1820 = arith.constant 6 : i32
        %parallel_loop3A_1821 = arith.shrsi %parallel_loop3A_1819, %parallel_loop3A_1820 : i32
        %parallel_loop3A_1822 = arith.constant 3 : i32
        %parallel_loop3A_1823 = arith.shrsi %parallel_loop3A_1819, %parallel_loop3A_1822 : i32
        %parallel_loop3A_1824 = arith.constant 7 : i32
        %parallel_loop3A_1825 = arith.andi %parallel_loop3A_1823, %parallel_loop3A_1824 : i32
        %parallel_loop3A_1826 = arith.constant 7 : i32
        %parallel_loop3A_1827 = arith.andi %parallel_loop3A_1819, %parallel_loop3A_1826 : i32
        %parallel_loop3A_1828 = arith.constant 1024 : i32
        %parallel_loop3A_1829 = arith.muli %parallel_loop3A_1821, %parallel_loop3A_1828 : i32
        %parallel_loop3A_1830 = arith.constant 5120 : i32
        %parallel_loop3A_1831 = arith.addi %parallel_loop3A_1830, %parallel_loop3A_1829 : i32
        %parallel_loop3A_1832 = arith.constant 128 : i32
        %parallel_loop3A_1833 = arith.muli %parallel_loop3A_1825, %parallel_loop3A_1832 : i32
        %parallel_loop3A_1834 = arith.addi %parallel_loop3A_1831, %parallel_loop3A_1833 : i32
        %parallel_loop3A_1835 = arith.constant 16 : i32
        %parallel_loop3A_1836 = arith.muli %parallel_loop3A_1827, %parallel_loop3A_1835 : i32
        %parallel_loop3A_1837 = arith.addi %parallel_loop3A_1834, %parallel_loop3A_1836 : i32
        %parallel_loop3A_1838 = arith.index_cast %parallel_loop3A_1837 : i32 to index
        %parallel_loop3A_1839 = tpu.vector_load %arg8[%parallel_loop3A_1838] {strides = array<i32>} : memref<10240xi32, #tpu.memory_space<vmem>>, vector<16xi32>,
        %parallel_loop3A_1840 = vector.shape_cast %parallel_loop3A_1839 : vector<16xi32> to vector<16x1xi32>
        %parallel_loop3A_1841 = vector.shape_cast %parallel_loop3A_1840 : vector<16x1xi32> to vector<16xi32>
        %parallel_loop3A_1842 = tpu.dynamic_gather %gather3A[%parallel_loop3A_1841] in [0] : vector<16xf32>, vector<16xi32> -> vector<16xf32>
        %parallel_loop3A_1843 = arith.constant 8192 : i32
        %parallel_loop3A_1844 = arith.muli %parallel_loop3A_1821, %parallel_loop3A_1843 : i32
        %parallel_loop3A_1845 = arith.constant 40960 : i32
        %parallel_loop3A_1846 = arith.addi %parallel_loop3A_1845, %parallel_loop3A_1844 : i32
        %parallel_loop3A_1847 = arith.constant 1024 : i32
        %parallel_loop3A_1848 = arith.muli %parallel_loop3A_1825, %parallel_loop3A_1847 : i32
        %parallel_loop3A_1849 = arith.addi %parallel_loop3A_1846, %parallel_loop3A_1848 : i32
        %parallel_loop3A_1850 = arith.constant 0 : i32
        %parallel_loop3A_1851 = arith.addi %parallel_loop3A_1849, %parallel_loop3A_1850 : i32
        %parallel_loop3A_1852 = arith.constant 16 : i32
        %parallel_loop3A_1853 = arith.muli %parallel_loop3A_1827, %parallel_loop3A_1852 : i32
        %parallel_loop3A_1854 = arith.addi %parallel_loop3A_1851, %parallel_loop3A_1853 : i32
        %parallel_loop3A_1855 = arith.index_cast %parallel_loop3A_1854 : i32 to index
        %parallel_loop3A_1856 = tpu.vector_load %arg9[%parallel_loop3A_1855] {strides = array<i32>} : memref<81920xf32, #tpu.memory_space<vmem>>, vector<16xf32>,
        tpu.vector_store %arg9[%parallel_loop3A_1855], %parallel_loop3A_1842 {strides = array<i32>} : memref<81920xf32, #tpu.memory_space<vmem>>, vector<16xf32>,
        %parallel_loop3A_1857 = vector.shape_cast %parallel_loop3A_1839 : vector<16xi32> to vector<16x1xi32>
        %parallel_loop3A_1858 = vector.shape_cast %parallel_loop3A_1857 : vector<16x1xi32> to vector<16xi32>
        %parallel_loop3A_1859 = tpu.dynamic_gather %gather3A_19[%parallel_loop3A_1858] in [0] : vector<16xf32>, vector<16xi32> -> vector<16xf32>
        %parallel_loop3A_1860 = arith.constant 8192 : i32
        %parallel_loop3A_1861 = arith.muli %parallel_loop3A_1821, %parallel_loop3A_1860 : i32
        %parallel_loop3A_1862 = arith.constant 40960 : i32
        %parallel_loop3A_1863 = arith.addi %parallel_loop3A_1862, %parallel_loop3A_1861 : i32
        %parallel_loop3A_1864 = arith.constant 1024 : i32
        %parallel_loop3A_1865 = arith.muli %parallel_loop3A_1825, %parallel_loop3A_1864 : i32
        %parallel_loop3A_1866 = arith.addi %parallel_loop3A_1863, %parallel_loop3A_1865 : i32
        %parallel_loop3A_1867 = arith.constant 128 : i32
        %parallel_loop3A_1868 = arith.addi %parallel_loop3A_1866, %parallel_loop3A_1867 : i32
        %parallel_loop3A_1869 = arith.constant 16 : i32
        %parallel_loop3A_1870 = arith.muli %parallel_loop3A_1827, %parallel_loop3A_1869 : i32
        %parallel_loop3A_1871 = arith.addi %parallel_loop3A_1868, %parallel_loop3A_1870 : i32
        %parallel_loop3A_1872 = arith.index_cast %parallel_loop3A_1871 : i32 to index
        %parallel_loop3A_1873 = tpu.vector_load %arg9[%parallel_loop3A_1872] {strides = array<i32>} : memref<81920xf32, #tpu.memory_space<vmem>>, vector<16xf32>,
        tpu.vector_store %arg9[%parallel_loop3A_1872], %parallel_loop3A_1859 {strides = array<i32>} : memref<81920xf32, #tpu.memory_space<vmem>>, vector<16xf32>,
        %parallel_loop3A_1874 = vector.shape_cast %parallel_loop3A_1839 : vector<16xi32> to vector<16x1xi32>
        %parallel_loop3A_1875 = vector.shape_cast %parallel_loop3A_1874 : vector<16x1xi32> to vector<16xi32>
        %parallel_loop3A_1876 = tpu.dynamic_gather %gather3A_26[%parallel_loop3A_1875] in [0] : vector<16xf32>, vector<16xi32> -> vector<16xf32>
        %parallel_loop3A_1877 = arith.constant 8192 : i32
        %parallel_loop3A_1878 = arith.muli %parallel_loop3A_1821, %parallel_loop3A_1877 : i32
        %parallel_loop3A_1879 = arith.constant 40960 : i32
        %parallel_loop3A_1880 = arith.addi %parallel_loop3A_1879, %parallel_loop3A_1878 : i32
        %parallel_loop3A_1881 = arith.constant 1024 : i32
        %parallel_loop3A_1882 = arith.muli %parallel_loop3A_1825, %parallel_loop3A_1881 : i32
        %parallel_loop3A_1883 = arith.addi %parallel_loop3A_1880, %parallel_loop3A_1882 : i32
        %parallel_loop3A_1884 = arith.constant 256 : i32
        %parallel_loop3A_1885 = arith.addi %parallel_loop3A_1883, %parallel_loop3A_1884 : i32
        %parallel_loop3A_1886 = arith.constant 16 : i32
        %parallel_loop3A_1887 = arith.muli %parallel_loop3A_1827, %parallel_loop3A_1886 : i32
        %parallel_loop3A_1888 = arith.addi %parallel_loop3A_1885, %parallel_loop3A_1887 : i32
        %parallel_loop3A_1889 = arith.index_cast %parallel_loop3A_1888 : i32 to index
        %parallel_loop3A_1890 = tpu.vector_load %arg9[%parallel_loop3A_1889] {strides = array<i32>} : memref<81920xf32, #tpu.memory_space<vmem>>, vector<16xf32>,
        tpu.vector_store %arg9[%parallel_loop3A_1889], %parallel_loop3A_1876 {strides = array<i32>} : memref<81920xf32, #tpu.memory_space<vmem>>, vector<16xf32>,
        %parallel_loop3A_1891 = vector.shape_cast %parallel_loop3A_1839 : vector<16xi32> to vector<16x1xi32>
        %parallel_loop3A_1892 = vector.shape_cast %parallel_loop3A_1891 : vector<16x1xi32> to vector<16xi32>
        %parallel_loop3A_1893 = tpu.dynamic_gather %gather3A_33[%parallel_loop3A_1892] in [0] : vector<16xf32>, vector<16xi32> -> vector<16xf32>
        %parallel_loop3A_1894 = arith.constant 8192 : i32
        %parallel_loop3A_1895 = arith.muli %parallel_loop3A_1821, %parallel_loop3A_1894 : i32
        %parallel_loop3A_1896 = arith.constant 40960 : i32
        %parallel_loop3A_1897 = arith.addi %parallel_loop3A_1896, %parallel_loop3A_1895 : i32
        %parallel_loop3A_1898 = arith.constant 1024 : i32
        %parallel_loop3A_1899 = arith.muli %parallel_loop3A_1825, %parallel_loop3A_1898 : i32
        %parallel_loop3A_1900 = arith.addi %parallel_loop3A_1897, %parallel_loop3A_1899 : i32
        %parallel_loop3A_1901 = arith.constant 384 : i32
        %parallel_loop3A_1902 = arith.addi %parallel_loop3A_1900, %parallel_loop3A_1901 : i32
        %parallel_loop3A_1903 = arith.constant 16 : i32
        %parallel_loop3A_1904 = arith.muli %parallel_loop3A_1827, %parallel_loop3A_1903 : i32
        %parallel_loop3A_1905 = arith.addi %parallel_loop3A_1902, %parallel_loop3A_1904 : i32
        %parallel_loop3A_1906 = arith.index_cast %parallel_loop3A_1905 : i32 to index
        %parallel_loop3A_1907 = tpu.vector_load %arg9[%parallel_loop3A_1906] {strides = array<i32>} : memref<81920xf32, #tpu.memory_space<vmem>>, vector<16xf32>,
        tpu.vector_store %arg9[%parallel_loop3A_1906], %parallel_loop3A_1893 {strides = array<i32>} : memref<81920xf32, #tpu.memory_space<vmem>>, vector<16xf32>,
        %parallel_loop3A_1908 = vector.shape_cast %parallel_loop3A_1839 : vector<16xi32> to vector<16x1xi32>
        %parallel_loop3A_1909 = vector.shape_cast %parallel_loop3A_1908 : vector<16x1xi32> to vector<16xi32>
        %parallel_loop3A_1910 = tpu.dynamic_gather %gather3A_40[%parallel_loop3A_1909] in [0] : vector<16xf32>, vector<16xi32> -> vector<16xf32>
        %parallel_loop3A_1911 = arith.constant 8192 : i32
        %parallel_loop3A_1912 = arith.muli %parallel_loop3A_1821, %parallel_loop3A_1911 : i32
        %parallel_loop3A_1913 = arith.constant 40960 : i32
        %parallel_loop3A_1914 = arith.addi %parallel_loop3A_1913, %parallel_loop3A_1912 : i32
        %parallel_loop3A_1915 = arith.constant 1024 : i32
        %parallel_loop3A_1916 = arith.muli %parallel_loop3A_1825, %parallel_loop3A_1915 : i32
        %parallel_loop3A_1917 = arith.addi %parallel_loop3A_1914, %parallel_loop3A_1916 : i32
        %parallel_loop3A_1918 = arith.constant 512 : i32
        %parallel_loop3A_1919 = arith.addi %parallel_loop3A_1917, %parallel_loop3A_1918 : i32
        %parallel_loop3A_1920 = arith.constant 16 : i32
        %parallel_loop3A_1921 = arith.muli %parallel_loop3A_1827, %parallel_loop3A_1920 : i32
        %parallel_loop3A_1922 = arith.addi %parallel_loop3A_1919, %parallel_loop3A_1921 : i32
        %parallel_loop3A_1923 = arith.index_cast %parallel_loop3A_1922 : i32 to index
        %parallel_loop3A_1924 = tpu.vector_load %arg9[%parallel_loop3A_1923] {strides = array<i32>} : memref<81920xf32, #tpu.memory_space<vmem>>, vector<16xf32>,
        tpu.vector_store %arg9[%parallel_loop3A_1923], %parallel_loop3A_1910 {strides = array<i32>} : memref<81920xf32, #tpu.memory_space<vmem>>, vector<16xf32>,
        %parallel_loop3A_1925 = vector.shape_cast %parallel_loop3A_1839 : vector<16xi32> to vector<16x1xi32>
        %parallel_loop3A_1926 = vector.shape_cast %parallel_loop3A_1925 : vector<16x1xi32> to vector<16xi32>
        %parallel_loop3A_1927 = tpu.dynamic_gather %gather3A_47[%parallel_loop3A_1926] in [0] : vector<16xf32>, vector<16xi32> -> vector<16xf32>
        %parallel_loop3A_1928 = arith.constant 8192 : i32
        %parallel_loop3A_1929 = arith.muli %parallel_loop3A_1821, %parallel_loop3A_1928 : i32
        %parallel_loop3A_1930 = arith.constant 40960 : i32
        %parallel_loop3A_1931 = arith.addi %parallel_loop3A_1930, %parallel_loop3A_1929 : i32
        %parallel_loop3A_1932 = arith.constant 1024 : i32
        %parallel_loop3A_1933 = arith.muli %parallel_loop3A_1825, %parallel_loop3A_1932 : i32
        %parallel_loop3A_1934 = arith.addi %parallel_loop3A_1931, %parallel_loop3A_1933 : i32
        %parallel_loop3A_1935 = arith.constant 640 : i32
        %parallel_loop3A_1936 = arith.addi %parallel_loop3A_1934, %parallel_loop3A_1935 : i32
        %parallel_loop3A_1937 = arith.constant 16 : i32
        %parallel_loop3A_1938 = arith.muli %parallel_loop3A_1827, %parallel_loop3A_1937 : i32
        %parallel_loop3A_1939 = arith.addi %parallel_loop3A_1936, %parallel_loop3A_1938 : i32
        %parallel_loop3A_1940 = arith.index_cast %parallel_loop3A_1939 : i32 to index
        %parallel_loop3A_1941 = tpu.vector_load %arg9[%parallel_loop3A_1940] {strides = array<i32>} : memref<81920xf32, #tpu.memory_space<vmem>>, vector<16xf32>,
        tpu.vector_store %arg9[%parallel_loop3A_1940], %parallel_loop3A_1927 {strides = array<i32>} : memref<81920xf32, #tpu.memory_space<vmem>>, vector<16xf32>,
        %parallel_loop3A_1942 = vector.shape_cast %parallel_loop3A_1839 : vector<16xi32> to vector<16x1xi32>
        %parallel_loop3A_1943 = vector.shape_cast %parallel_loop3A_1942 : vector<16x1xi32> to vector<16xi32>
        %parallel_loop3A_1944 = tpu.dynamic_gather %gather3A_54[%parallel_loop3A_1943] in [0] : vector<16xf32>, vector<16xi32> -> vector<16xf32>
        %parallel_loop3A_1945 = arith.constant 8192 : i32
        %parallel_loop3A_1946 = arith.muli %parallel_loop3A_1821, %parallel_loop3A_1945 : i32
        %parallel_loop3A_1947 = arith.constant 40960 : i32
        %parallel_loop3A_1948 = arith.addi %parallel_loop3A_1947, %parallel_loop3A_1946 : i32
        %parallel_loop3A_1949 = arith.constant 1024 : i32
        %parallel_loop3A_1950 = arith.muli %parallel_loop3A_1825, %parallel_loop3A_1949 : i32
        %parallel_loop3A_1951 = arith.addi %parallel_loop3A_1948, %parallel_loop3A_1950 : i32
        %parallel_loop3A_1952 = arith.constant 768 : i32
        %parallel_loop3A_1953 = arith.addi %parallel_loop3A_1951, %parallel_loop3A_1952 : i32
        %parallel_loop3A_1954 = arith.constant 16 : i32
        %parallel_loop3A_1955 = arith.muli %parallel_loop3A_1827, %parallel_loop3A_1954 : i32
        %parallel_loop3A_1956 = arith.addi %parallel_loop3A_1953, %parallel_loop3A_1955 : i32
        %parallel_loop3A_1957 = arith.index_cast %parallel_loop3A_1956 : i32 to index
        %parallel_loop3A_1958 = tpu.vector_load %arg9[%parallel_loop3A_1957] {strides = array<i32>} : memref<81920xf32, #tpu.memory_space<vmem>>, vector<16xf32>,
        tpu.vector_store %arg9[%parallel_loop3A_1957], %parallel_loop3A_1944 {strides = array<i32>} : memref<81920xf32, #tpu.memory_space<vmem>>, vector<16xf32>,
        %parallel_loop3A_1959 = vector.shape_cast %parallel_loop3A_1839 : vector<16xi32> to vector<16x1xi32>
        %parallel_loop3A_1960 = vector.shape_cast %parallel_loop3A_1959 : vector<16x1xi32> to vector<16xi32>
        %parallel_loop3A_1961 = tpu.dynamic_gather %gather3A_61[%parallel_loop3A_1960] in [0] : vector<16xf32>, vector<16xi32> -> vector<16xf32>
        %parallel_loop3A_1962 = arith.constant 8192 : i32
        %parallel_loop3A_1963 = arith.muli %parallel_loop3A_1821, %parallel_loop3A_1962 : i32
        %parallel_loop3A_1964 = arith.constant 40960 : i32
        %parallel_loop3A_1965 = arith.addi %parallel_loop3A_1964, %parallel_loop3A_1963 : i32
        %parallel_loop3A_1966 = arith.constant 1024 : i32
        %parallel_loop3A_1967 = arith.muli %parallel_loop3A_1825, %parallel_loop3A_1966 : i32
        %parallel_loop3A_1968 = arith.addi %parallel_loop3A_1965, %parallel_loop3A_1967 : i32
        %parallel_loop3A_1969 = arith.constant 896 : i32
        %parallel_loop3A_1970 = arith.addi %parallel_loop3A_1968, %parallel_loop3A_1969 : i32
        %parallel_loop3A_1971 = arith.constant 16 : i32
        %parallel_loop3A_1972 = arith.muli %parallel_loop3A_1827, %parallel_loop3A_1971 : i32
        %parallel_loop3A_1973 = arith.addi %parallel_loop3A_1970, %parallel_loop3A_1972 : i32
        %parallel_loop3A_1974 = arith.index_cast %parallel_loop3A_1973 : i32 to index
        %parallel_loop3A_1975 = tpu.vector_load %arg9[%parallel_loop3A_1974] {strides = array<i32>} : memref<81920xf32, #tpu.memory_space<vmem>>, vector<16xf32>,
        tpu.vector_store %arg9[%parallel_loop3A_1974], %parallel_loop3A_1961 {strides = array<i32>} : memref<81920xf32, #tpu.memory_space<vmem>>, vector<16xf32>,
      } {sc.loop_unroll_factor = 8 : i64, sc.parallel_access}
      %add3A_1082 = arith.constant 10 : i32
      %add3A_1083 = arith.addi %mul3A_1065, %add3A_1082 : i32
      %add3A_1084 = arith.constant 0 : i32
      %add3A_1085 = arith.addi %add3A_1083, %add3A_1084 : i32
      %min3A_1086 = arith.constant 99 : i32
      %min3A_1087 = arith.minsi %add3A_1085, %min3A_1086 : i32
      %rem3A_1088 = arith.constant 25 : i32
      %rem3A_1089 = arith.remsi %min3A_1087, %rem3A_1088 : i32
      %div3A_1090 = arith.constant 25 : i32
      %div3A_1091 = arith.divsi %min3A_1087, %div3A_1090 : i32
      %add3A_1092 = arith.addi %mul3A_2, %div3A_1091 : i32
      %mul3A_1093 = arith.constant 128 : i32
      %mul3A_1094 = arith.muli %rem3A_1089, %mul3A_1093 : i32
      %add3A_1095 = arith.addi %mul3A_1094, %add3A_1092 : i32
      %mul3A_1096 = arith.constant 1024 : i32
      %mul3A_1097 = arith.muli %add3A_1095, %mul3A_1096 : i32
      %dma_start3A_1098 = arith.constant 5120 : i32
      %dma_start3A_1099 = tpu.memref_slice %arg8[%dma_start3A_1098] : memref<10240xi32, #tpu.memory_space<vmem>> -> memref<1024xi32, #tpu.memory_space<vmem>>
      %dma_start3A_1100 = tpu.memref_slice %arg2[%mul3A_1097] : memref<3276800xi32, #tpu.memory_space<hbm>> -> memref<1024xi32, #tpu.memory_space<hbm>>
      %dma_start3A_1101 = arith.constant 5120 : i32
      %dma_start3A_1102 = tpu.memref_slice %arg8[%dma_start3A_1101] : memref<10240xi32, #tpu.memory_space<vmem>> -> memref<1024xi32, #tpu.memory_space<vmem>>
      %dma_start3A_1103 = tpu.memref_slice %arg2[%mul3A_1097] : memref<3276800xi32, #tpu.memory_space<hbm>> -> memref<1024xi32, #tpu.memory_space<hbm>>
      tpu.enqueue_dma source(%dma_start3A_1103 : memref<1024xi32, #tpu.memory_space<hbm>>) target(%dma_start3A_1102 : memref<1024xi32, #tpu.memory_space<vmem>>) target_semaphore(%arg11 : memref<!tpu.dma_semaphore, #tpu.memory_space<semaphore_mem>>)
      %add3A_1104 = arith.constant 1 : i32
      %add3A_1105 = arith.addi %add3A_1083, %add3A_1104 : i32
      %min3A_1106 = arith.constant 99 : i32
      %min3A_1107 = arith.minsi %add3A_1105, %min3A_1106 : i32
      %rem3A_1108 = arith.constant 25 : i32
      %rem3A_1109 = arith.remsi %min3A_1107, %rem3A_1108 : i32
      %div3A_1110 = arith.constant 25 : i32
      %div3A_1111 = arith.divsi %min3A_1107, %div3A_1110 : i32
      %add3A_1112 = arith.addi %mul3A_2, %div3A_1111 : i32
      %mul3A_1113 = arith.constant 128 : i32
      %mul3A_1114 = arith.muli %rem3A_1109, %mul3A_1113 : i32
      %add3A_1115 = arith.addi %mul3A_1114, %add3A_1112 : i32
      %mul3A_1116 = arith.constant 1024 : i32
      %mul3A_1117 = arith.muli %add3A_1115, %mul3A_1116 : i32
      %dma_start3A_1118 = arith.constant 6144 : i32
      %dma_start3A_1119 = tpu.memref_slice %arg8[%dma_start3A_1118] : memref<10240xi32, #tpu.memory_space<vmem>> -> memref<1024xi32, #tpu.memory_space<vmem>>
      %dma_start3A_1120 = tpu.memref_slice %arg2[%mul3A_1117] : memref<3276800xi32, #tpu.memory_space<hbm>> -> memref<1024xi32, #tpu.memory_space<hbm>>
      %dma_start3A_1121 = arith.constant 6144 : i32
      %dma_start3A_1122 = tpu.memref_slice %arg8[%dma_start3A_1121] : memref<10240xi32, #tpu.memory_space<vmem>> -> memref<1024xi32, #tpu.memory_space<vmem>>
      %dma_start3A_1123 = tpu.memref_slice %arg2[%mul3A_1117] : memref<3276800xi32, #tpu.memory_space<hbm>> -> memref<1024xi32, #tpu.memory_space<hbm>>
      tpu.enqueue_dma source(%dma_start3A_1123 : memref<1024xi32, #tpu.memory_space<hbm>>) target(%dma_start3A_1122 : memref<1024xi32, #tpu.memory_space<vmem>>) target_semaphore(%arg11 : memref<!tpu.dma_semaphore, #tpu.memory_space<semaphore_mem>>)
      %add3A_1124 = arith.constant 2 : i32
      %add3A_1125 = arith.addi %add3A_1083, %add3A_1124 : i32
      %min3A_1126 = arith.constant 99 : i32
      %min3A_1127 = arith.minsi %add3A_1125, %min3A_1126 : i32
      %rem3A_1128 = arith.constant 25 : i32
      %rem3A_1129 = arith.remsi %min3A_1127, %rem3A_1128 : i32
      %div3A_1130 = arith.constant 25 : i32
      %div3A_1131 = arith.divsi %min3A_1127, %div3A_1130 : i32
      %add3A_1132 = arith.addi %mul3A_2, %div3A_1131 : i32
      %mul3A_1133 = arith.constant 128 : i32
      %mul3A_1134 = arith.muli %rem3A_1129, %mul3A_1133 : i32
      %add3A_1135 = arith.addi %mul3A_1134, %add3A_1132 : i32
      %mul3A_1136 = arith.constant 1024 : i32
      %mul3A_1137 = arith.muli %add3A_1135, %mul3A_1136 : i32
      %dma_start3A_1138 = arith.constant 7168 : i32
      %dma_start3A_1139 = tpu.memref_slice %arg8[%dma_start3A_1138] : memref<10240xi32, #tpu.memory_space<vmem>> -> memref<1024xi32, #tpu.memory_space<vmem>>
      %dma_start3A_1140 = tpu.memref_slice %arg2[%mul3A_1137] : memref<3276800xi32, #tpu.memory_space<hbm>> -> memref<1024xi32, #tpu.memory_space<hbm>>
      %dma_start3A_1141 = arith.constant 7168 : i32
      %dma_start3A_1142 = tpu.memref_slice %arg8[%dma_start3A_1141] : memref<10240xi32, #tpu.memory_space<vmem>> -> memref<1024xi32, #tpu.memory_space<vmem>>
      %dma_start3A_1143 = tpu.memref_slice %arg2[%mul3A_1137] : memref<3276800xi32, #tpu.memory_space<hbm>> -> memref<1024xi32, #tpu.memory_space<hbm>>
      tpu.enqueue_dma source(%dma_start3A_1143 : memref<1024xi32, #tpu.memory_space<hbm>>) target(%dma_start3A_1142 : memref<1024xi32, #tpu.memory_space<vmem>>) target_semaphore(%arg11 : memref<!tpu.dma_semaphore, #tpu.memory_space<semaphore_mem>>)
      %add3A_1144 = arith.constant 3 : i32
      %add3A_1145 = arith.addi %add3A_1083, %add3A_1144 : i32
      %min3A_1146 = arith.constant 99 : i32
      %min3A_1147 = arith.minsi %add3A_1145, %min3A_1146 : i32
      %rem3A_1148 = arith.constant 25 : i32
      %rem3A_1149 = arith.remsi %min3A_1147, %rem3A_1148 : i32
      %div3A_1150 = arith.constant 25 : i32
      %div3A_1151 = arith.divsi %min3A_1147, %div3A_1150 : i32
      %add3A_1152 = arith.addi %mul3A_2, %div3A_1151 : i32
      %mul3A_1153 = arith.constant 128 : i32
      %mul3A_1154 = arith.muli %rem3A_1149, %mul3A_1153 : i32
      %add3A_1155 = arith.addi %mul3A_1154, %add3A_1152 : i32
      %mul3A_1156 = arith.constant 1024 : i32
      %mul3A_1157 = arith.muli %add3A_1155, %mul3A_1156 : i32
      %dma_start3A_1158 = arith.constant 8192 : i32
      %dma_start3A_1159 = tpu.memref_slice %arg8[%dma_start3A_1158] : memref<10240xi32, #tpu.memory_space<vmem>> -> memref<1024xi32, #tpu.memory_space<vmem>>
      %dma_start3A_1160 = tpu.memref_slice %arg2[%mul3A_1157] : memref<3276800xi32, #tpu.memory_space<hbm>> -> memref<1024xi32, #tpu.memory_space<hbm>>
      %dma_start3A_1161 = arith.constant 8192 : i32
      %dma_start3A_1162 = tpu.memref_slice %arg8[%dma_start3A_1161] : memref<10240xi32, #tpu.memory_space<vmem>> -> memref<1024xi32, #tpu.memory_space<vmem>>
      %dma_start3A_1163 = tpu.memref_slice %arg2[%mul3A_1157] : memref<3276800xi32, #tpu.memory_space<hbm>> -> memref<1024xi32, #tpu.memory_space<hbm>>
      tpu.enqueue_dma source(%dma_start3A_1163 : memref<1024xi32, #tpu.memory_space<hbm>>) target(%dma_start3A_1162 : memref<1024xi32, #tpu.memory_space<vmem>>) target_semaphore(%arg11 : memref<!tpu.dma_semaphore, #tpu.memory_space<semaphore_mem>>)
      %add3A_1164 = arith.constant 4 : i32
      %add3A_1165 = arith.addi %add3A_1083, %add3A_1164 : i32
      %min3A_1166 = arith.constant 99 : i32
      %min3A_1167 = arith.minsi %add3A_1165, %min3A_1166 : i32
      %rem3A_1168 = arith.constant 25 : i32
      %rem3A_1169 = arith.remsi %min3A_1167, %rem3A_1168 : i32
      %div3A_1170 = arith.constant 25 : i32
      %div3A_1171 = arith.divsi %min3A_1167, %div3A_1170 : i32
      %add3A_1172 = arith.addi %mul3A_2, %div3A_1171 : i32
      %mul3A_1173 = arith.constant 128 : i32
      %mul3A_1174 = arith.muli %rem3A_1169, %mul3A_1173 : i32
      %add3A_1175 = arith.addi %mul3A_1174, %add3A_1172 : i32
      %mul3A_1176 = arith.constant 1024 : i32
      %mul3A_1177 = arith.muli %add3A_1175, %mul3A_1176 : i32
      %dma_start3A_1178 = arith.constant 9216 : i32
      %dma_start3A_1179 = tpu.memref_slice %arg8[%dma_start3A_1178] : memref<10240xi32, #tpu.memory_space<vmem>> -> memref<1024xi32, #tpu.memory_space<vmem>>
      %dma_start3A_1180 = tpu.memref_slice %arg2[%mul3A_1177] : memref<3276800xi32, #tpu.memory_space<hbm>> -> memref<1024xi32, #tpu.memory_space<hbm>>
      %dma_start3A_1181 = arith.constant 9216 : i32
      %dma_start3A_1182 = tpu.memref_slice %arg8[%dma_start3A_1181] : memref<10240xi32, #tpu.memory_space<vmem>> -> memref<1024xi32, #tpu.memory_space<vmem>>
      %dma_start3A_1183 = tpu.memref_slice %arg2[%mul3A_1177] : memref<3276800xi32, #tpu.memory_space<hbm>> -> memref<1024xi32, #tpu.memory_space<hbm>>
      tpu.enqueue_dma source(%dma_start3A_1183 : memref<1024xi32, #tpu.memory_space<hbm>>) target(%dma_start3A_1182 : memref<1024xi32, #tpu.memory_space<vmem>>) target_semaphore(%arg11 : memref<!tpu.dma_semaphore, #tpu.memory_space<semaphore_mem>>)
      %add3A_1184 = arith.constant 0 : i32
      %add3A_1185 = arith.addi %mul3A_1065, %add3A_1184 : i32
      %rem3A_1186 = arith.constant 25 : i32
      %rem3A_1187 = arith.remsi %add3A_1185, %rem3A_1186 : i32
      %div3A_1188 = arith.constant 25 : i32
      %div3A_1189 = arith.divsi %add3A_1185, %div3A_1188 : i32
      %add3A_1190 = arith.addi %mul3A_2, %div3A_1189 : i32
      %mul3A_1191 = arith.constant 8 : i32
      %mul3A_1192 = arith.muli %rem3A_1187, %mul3A_1191 : i32
      %add3A_1193 = arith.constant 0 : i32
      %add3A_1194 = arith.addi %mul3A_1192, %add3A_1193 : i32
      %mul3A_1195 = arith.constant 128 : i32
      %mul3A_1196 = arith.muli %add3A_1194, %mul3A_1195 : i32
      %add3A_1197 = arith.addi %mul3A_1196, %add3A_1190 : i32
      %mul3A_1198 = arith.constant 1024 : i32
      %mul3A_1199 = arith.muli %add3A_1197, %mul3A_1198 : i32
      %dma_start3A_1200 = arith.constant 40960 : i32
      %dma_start3A_1201 = tpu.memref_slice %arg9[%dma_start3A_1200] : memref<81920xf32, #tpu.memory_space<vmem>> -> memref<1024xf32, #tpu.memory_space<vmem>>
      %dma_start3A_1202 = tpu.memref_slice %arg6[%mul3A_1199] : memref<26214400xf32, #tpu.memory_space<hbm>> -> memref<1024xf32, #tpu.memory_space<hbm>>
      %dma_start3A_1203 = tpu.memref_slice %arg6[%mul3A_1199] : memref<26214400xf32, #tpu.memory_space<hbm>> -> memref<1024xf32, #tpu.memory_space<hbm>>
      %dma_start3A_1204 = arith.constant 40960 : i32
      %dma_start3A_1205 = tpu.memref_slice %arg9[%dma_start3A_1204] : memref<81920xf32, #tpu.memory_space<vmem>> -> memref<1024xf32, #tpu.memory_space<vmem>>
      tpu.enqueue_dma source(%dma_start3A_1205 : memref<1024xf32, #tpu.memory_space<vmem>>) target(%dma_start3A_1203 : memref<1024xf32, #tpu.memory_space<hbm>>) target_semaphore(%arg13 : memref<!tpu.dma_semaphore, #tpu.memory_space<semaphore_mem>>)
      %mul3A_1206 = arith.constant 8 : i32
      %mul3A_1207 = arith.muli %rem3A_1187, %mul3A_1206 : i32
      %add3A_1208 = arith.constant 1 : i32
      %add3A_1209 = arith.addi %mul3A_1207, %add3A_1208 : i32
      %mul3A_1210 = arith.constant 128 : i32
      %mul3A_1211 = arith.muli %add3A_1209, %mul3A_1210 : i32
      %add3A_1212 = arith.addi %mul3A_1211, %add3A_1190 : i32
      %mul3A_1213 = arith.constant 1024 : i32
      %mul3A_1214 = arith.muli %add3A_1212, %mul3A_1213 : i32
      %dma_start3A_1215 = arith.constant 41984 : i32
      %dma_start3A_1216 = tpu.memref_slice %arg9[%dma_start3A_1215] : memref<81920xf32, #tpu.memory_space<vmem>> -> memref<1024xf32, #tpu.memory_space<vmem>>
      %dma_start3A_1217 = tpu.memref_slice %arg6[%mul3A_1214] : memref<26214400xf32, #tpu.memory_space<hbm>> -> memref<1024xf32, #tpu.memory_space<hbm>>
      %dma_start3A_1218 = tpu.memref_slice %arg6[%mul3A_1214] : memref<26214400xf32, #tpu.memory_space<hbm>> -> memref<1024xf32, #tpu.memory_space<hbm>>
      %dma_start3A_1219 = arith.constant 41984 : i32
      %dma_start3A_1220 = tpu.memref_slice %arg9[%dma_start3A_1219] : memref<81920xf32, #tpu.memory_space<vmem>> -> memref<1024xf32, #tpu.memory_space<vmem>>
      tpu.enqueue_dma source(%dma_start3A_1220 : memref<1024xf32, #tpu.memory_space<vmem>>) target(%dma_start3A_1218 : memref<1024xf32, #tpu.memory_space<hbm>>) target_semaphore(%arg13 : memref<!tpu.dma_semaphore, #tpu.memory_space<semaphore_mem>>)
      %mul3A_1221 = arith.constant 8 : i32
      %mul3A_1222 = arith.muli %rem3A_1187, %mul3A_1221 : i32
      %add3A_1223 = arith.constant 2 : i32
      %add3A_1224 = arith.addi %mul3A_1222, %add3A_1223 : i32
      %mul3A_1225 = arith.constant 128 : i32
      %mul3A_1226 = arith.muli %add3A_1224, %mul3A_1225 : i32
      %add3A_1227 = arith.addi %mul3A_1226, %add3A_1190 : i32
      %mul3A_1228 = arith.constant 1024 : i32
      %mul3A_1229 = arith.muli %add3A_1227, %mul3A_1228 : i32
      %dma_start3A_1230 = arith.constant 43008 : i32
      %dma_start3A_1231 = tpu.memref_slice %arg9[%dma_start3A_1230] : memref<81920xf32, #tpu.memory_space<vmem>> -> memref<1024xf32, #tpu.memory_space<vmem>>
      %dma_start3A_1232 = tpu.memref_slice %arg6[%mul3A_1229] : memref<26214400xf32, #tpu.memory_space<hbm>> -> memref<1024xf32, #tpu.memory_space<hbm>>
      %dma_start3A_1233 = tpu.memref_slice %arg6[%mul3A_1229] : memref<26214400xf32, #tpu.memory_space<hbm>> -> memref<1024xf32, #tpu.memory_space<hbm>>
      %dma_start3A_1234 = arith.constant 43008 : i32
      %dma_start3A_1235 = tpu.memref_slice %arg9[%dma_start3A_1234] : memref<81920xf32, #tpu.memory_space<vmem>> -> memref<1024xf32, #tpu.memory_space<vmem>>
      tpu.enqueue_dma source(%dma_start3A_1235 : memref<1024xf32, #tpu.memory_space<vmem>>) target(%dma_start3A_1233 : memref<1024xf32, #tpu.memory_space<hbm>>) target_semaphore(%arg13 : memref<!tpu.dma_semaphore, #tpu.memory_space<semaphore_mem>>)
      %mul3A_1236 = arith.constant 8 : i32
      %mul3A_1237 = arith.muli %rem3A_1187, %mul3A_1236 : i32
      %add3A_1238 = arith.constant 3 : i32
      %add3A_1239 = arith.addi %mul3A_1237, %add3A_1238 : i32
      %mul3A_1240 = arith.constant 128 : i32
      %mul3A_1241 = arith.muli %add3A_1239, %mul3A_1240 : i32
      %add3A_1242 = arith.addi %mul3A_1241, %add3A_1190 : i32
      %mul3A_1243 = arith.constant 1024 : i32
      %mul3A_1244 = arith.muli %add3A_1242, %mul3A_1243 : i32
      %dma_start3A_1245 = arith.constant 44032 : i32
      %dma_start3A_1246 = tpu.memref_slice %arg9[%dma_start3A_1245] : memref<81920xf32, #tpu.memory_space<vmem>> -> memref<1024xf32, #tpu.memory_space<vmem>>
      %dma_start3A_1247 = tpu.memref_slice %arg6[%mul3A_1244] : memref<26214400xf32, #tpu.memory_space<hbm>> -> memref<1024xf32, #tpu.memory_space<hbm>>
      %dma_start3A_1248 = tpu.memref_slice %arg6[%mul3A_1244] : memref<26214400xf32, #tpu.memory_space<hbm>> -> memref<1024xf32, #tpu.memory_space<hbm>>
      %dma_start3A_1249 = arith.constant 44032 : i32
      %dma_start3A_1250 = tpu.memref_slice %arg9[%dma_start3A_1249] : memref<81920xf32, #tpu.memory_space<vmem>> -> memref<1024xf32, #tpu.memory_space<vmem>>
      tpu.enqueue_dma source(%dma_start3A_1250 : memref<1024xf32, #tpu.memory_space<vmem>>) target(%dma_start3A_1248 : memref<1024xf32, #tpu.memory_space<hbm>>) target_semaphore(%arg13 : memref<!tpu.dma_semaphore, #tpu.memory_space<semaphore_mem>>)
      %mul3A_1251 = arith.constant 8 : i32
      %mul3A_1252 = arith.muli %rem3A_1187, %mul3A_1251 : i32
      %add3A_1253 = arith.constant 4 : i32
      %add3A_1254 = arith.addi %mul3A_1252, %add3A_1253 : i32
      %mul3A_1255 = arith.constant 128 : i32
      %mul3A_1256 = arith.muli %add3A_1254, %mul3A_1255 : i32
      %add3A_1257 = arith.addi %mul3A_1256, %add3A_1190 : i32
      %mul3A_1258 = arith.constant 1024 : i32
      %mul3A_1259 = arith.muli %add3A_1257, %mul3A_1258 : i32
      %dma_start3A_1260 = arith.constant 45056 : i32
      %dma_start3A_1261 = tpu.memref_slice %arg9[%dma_start3A_1260] : memref<81920xf32, #tpu.memory_space<vmem>> -> memref<1024xf32, #tpu.memory_space<vmem>>
      %dma_start3A_1262 = tpu.memref_slice %arg6[%mul3A_1259] : memref<26214400xf32, #tpu.memory_space<hbm>> -> memref<1024xf32, #tpu.memory_space<hbm>>
      %dma_start3A_1263 = tpu.memref_slice %arg6[%mul3A_1259] : memref<26214400xf32, #tpu.memory_space<hbm>> -> memref<1024xf32, #tpu.memory_space<hbm>>
      %dma_start3A_1264 = arith.constant 45056 : i32
      %dma_start3A_1265 = tpu.memref_slice %arg9[%dma_start3A_1264] : memref<81920xf32, #tpu.memory_space<vmem>> -> memref<1024xf32, #tpu.memory_space<vmem>>
      tpu.enqueue_dma source(%dma_start3A_1265 : memref<1024xf32, #tpu.memory_space<vmem>>) target(%dma_start3A_1263 : memref<1024xf32, #tpu.memory_space<hbm>>) target_semaphore(%arg13 : memref<!tpu.dma_semaphore, #tpu.memory_space<semaphore_mem>>)
      %mul3A_1266 = arith.constant 8 : i32
      %mul3A_1267 = arith.muli %rem3A_1187, %mul3A_1266 : i32
      %add3A_1268 = arith.constant 5 : i32
      %add3A_1269 = arith.addi %mul3A_1267, %add3A_1268 : i32
      %mul3A_1270 = arith.constant 128 : i32
      %mul3A_1271 = arith.muli %add3A_1269, %mul3A_1270 : i32
      %add3A_1272 = arith.addi %mul3A_1271, %add3A_1190 : i32
      %mul3A_1273 = arith.constant 1024 : i32
      %mul3A_1274 = arith.muli %add3A_1272, %mul3A_1273 : i32
      %dma_start3A_1275 = arith.constant 46080 : i32
      %dma_start3A_1276 = tpu.memref_slice %arg9[%dma_start3A_1275] : memref<81920xf32, #tpu.memory_space<vmem>> -> memref<1024xf32, #tpu.memory_space<vmem>>
      %dma_start3A_1277 = tpu.memref_slice %arg6[%mul3A_1274] : memref<26214400xf32, #tpu.memory_space<hbm>> -> memref<1024xf32, #tpu.memory_space<hbm>>
      %dma_start3A_1278 = tpu.memref_slice %arg6[%mul3A_1274] : memref<26214400xf32, #tpu.memory_space<hbm>> -> memref<1024xf32, #tpu.memory_space<hbm>>
      %dma_start3A_1279 = arith.constant 46080 : i32
      %dma_start3A_1280 = tpu.memref_slice %arg9[%dma_start3A_1279] : memref<81920xf32, #tpu.memory_space<vmem>> -> memref<1024xf32, #tpu.memory_space<vmem>>
      tpu.enqueue_dma source(%dma_start3A_1280 : memref<1024xf32, #tpu.memory_space<vmem>>) target(%dma_start3A_1278 : memref<1024xf32, #tpu.memory_space<hbm>>) target_semaphore(%arg13 : memref<!tpu.dma_semaphore, #tpu.memory_space<semaphore_mem>>)
      %mul3A_1281 = arith.constant 8 : i32
      %mul3A_1282 = arith.muli %rem3A_1187, %mul3A_1281 : i32
      %add3A_1283 = arith.constant 6 : i32
      %add3A_1284 = arith.addi %mul3A_1282, %add3A_1283 : i32
      %mul3A_1285 = arith.constant 128 : i32
      %mul3A_1286 = arith.muli %add3A_1284, %mul3A_1285 : i32
      %add3A_1287 = arith.addi %mul3A_1286, %add3A_1190 : i32
      %mul3A_1288 = arith.constant 1024 : i32
      %mul3A_1289 = arith.muli %add3A_1287, %mul3A_1288 : i32
      %dma_start3A_1290 = arith.constant 47104 : i32
      %dma_start3A_1291 = tpu.memref_slice %arg9[%dma_start3A_1290] : memref<81920xf32, #tpu.memory_space<vmem>> -> memref<1024xf32, #tpu.memory_space<vmem>>
      %dma_start3A_1292 = tpu.memref_slice %arg6[%mul3A_1289] : memref<26214400xf32, #tpu.memory_space<hbm>> -> memref<1024xf32, #tpu.memory_space<hbm>>
      %dma_start3A_1293 = tpu.memref_slice %arg6[%mul3A_1289] : memref<26214400xf32, #tpu.memory_space<hbm>> -> memref<1024xf32, #tpu.memory_space<hbm>>
      %dma_start3A_1294 = arith.constant 47104 : i32
      %dma_start3A_1295 = tpu.memref_slice %arg9[%dma_start3A_1294] : memref<81920xf32, #tpu.memory_space<vmem>> -> memref<1024xf32, #tpu.memory_space<vmem>>
      tpu.enqueue_dma source(%dma_start3A_1295 : memref<1024xf32, #tpu.memory_space<vmem>>) target(%dma_start3A_1293 : memref<1024xf32, #tpu.memory_space<hbm>>) target_semaphore(%arg13 : memref<!tpu.dma_semaphore, #tpu.memory_space<semaphore_mem>>)
      %mul3A_1296 = arith.constant 8 : i32
      %mul3A_1297 = arith.muli %rem3A_1187, %mul3A_1296 : i32
      %add3A_1298 = arith.constant 7 : i32
      %add3A_1299 = arith.addi %mul3A_1297, %add3A_1298 : i32
      %mul3A_1300 = arith.constant 128 : i32
      %mul3A_1301 = arith.muli %add3A_1299, %mul3A_1300 : i32
      %add3A_1302 = arith.addi %mul3A_1301, %add3A_1190 : i32
      %mul3A_1303 = arith.constant 1024 : i32
      %mul3A_1304 = arith.muli %add3A_1302, %mul3A_1303 : i32
      %dma_start3A_1305 = arith.constant 48128 : i32
      %dma_start3A_1306 = tpu.memref_slice %arg9[%dma_start3A_1305] : memref<81920xf32, #tpu.memory_space<vmem>> -> memref<1024xf32, #tpu.memory_space<vmem>>
      %dma_start3A_1307 = tpu.memref_slice %arg6[%mul3A_1304] : memref<26214400xf32, #tpu.memory_space<hbm>> -> memref<1024xf32, #tpu.memory_space<hbm>>
      %dma_start3A_1308 = tpu.memref_slice %arg6[%mul3A_1304] : memref<26214400xf32, #tpu.memory_space<hbm>> -> memref<1024xf32, #tpu.memory_space<hbm>>
      %dma_start3A_1309 = arith.constant 48128 : i32
      %dma_start3A_1310 = tpu.memref_slice %arg9[%dma_start3A_1309] : memref<81920xf32, #tpu.memory_space<vmem>> -> memref<1024xf32, #tpu.memory_space<vmem>>
      tpu.enqueue_dma source(%dma_start3A_1310 : memref<1024xf32, #tpu.memory_space<vmem>>) target(%dma_start3A_1308 : memref<1024xf32, #tpu.memory_space<hbm>>) target_semaphore(%arg13 : memref<!tpu.dma_semaphore, #tpu.memory_space<semaphore_mem>>)
      %add3A_1311 = arith.constant 1 : i32
      %add3A_1312 = arith.addi %mul3A_1065, %add3A_1311 : i32
      %rem3A_1313 = arith.constant 25 : i32
      %rem3A_1314 = arith.remsi %add3A_1312, %rem3A_1313 : i32
      %div3A_1315 = arith.constant 25 : i32
      %div3A_1316 = arith.divsi %add3A_1312, %div3A_1315 : i32
      %add3A_1317 = arith.addi %mul3A_2, %div3A_1316 : i32
      %mul3A_1318 = arith.constant 8 : i32
      %mul3A_1319 = arith.muli %rem3A_1314, %mul3A_1318 : i32
      %add3A_1320 = arith.constant 0 : i32
      %add3A_1321 = arith.addi %mul3A_1319, %add3A_1320 : i32
      %mul3A_1322 = arith.constant 128 : i32
      %mul3A_1323 = arith.muli %add3A_1321, %mul3A_1322 : i32
      %add3A_1324 = arith.addi %mul3A_1323, %add3A_1317 : i32
      %mul3A_1325 = arith.constant 1024 : i32
      %mul3A_1326 = arith.muli %add3A_1324, %mul3A_1325 : i32
      %dma_start3A_1327 = arith.constant 49152 : i32
      %dma_start3A_1328 = tpu.memref_slice %arg9[%dma_start3A_1327] : memref<81920xf32, #tpu.memory_space<vmem>> -> memref<1024xf32, #tpu.memory_space<vmem>>
      %dma_start3A_1329 = tpu.memref_slice %arg6[%mul3A_1326] : memref<26214400xf32, #tpu.memory_space<hbm>> -> memref<1024xf32, #tpu.memory_space<hbm>>
      %dma_start3A_1330 = tpu.memref_slice %arg6[%mul3A_1326] : memref<26214400xf32, #tpu.memory_space<hbm>> -> memref<1024xf32, #tpu.memory_space<hbm>>
      %dma_start3A_1331 = arith.constant 49152 : i32
      %dma_start3A_1332 = tpu.memref_slice %arg9[%dma_start3A_1331] : memref<81920xf32, #tpu.memory_space<vmem>> -> memref<1024xf32, #tpu.memory_space<vmem>>
      tpu.enqueue_dma source(%dma_start3A_1332 : memref<1024xf32, #tpu.memory_space<vmem>>) target(%dma_start3A_1330 : memref<1024xf32, #tpu.memory_space<hbm>>) target_semaphore(%arg13 : memref<!tpu.dma_semaphore, #tpu.memory_space<semaphore_mem>>)
      %mul3A_1333 = arith.constant 8 : i32
      %mul3A_1334 = arith.muli %rem3A_1314, %mul3A_1333 : i32
      %add3A_1335 = arith.constant 1 : i32
      %add3A_1336 = arith.addi %mul3A_1334, %add3A_1335 : i32
      %mul3A_1337 = arith.constant 128 : i32
      %mul3A_1338 = arith.muli %add3A_1336, %mul3A_1337 : i32
      %add3A_1339 = arith.addi %mul3A_1338, %add3A_1317 : i32
      %mul3A_1340 = arith.constant 1024 : i32
      %mul3A_1341 = arith.muli %add3A_1339, %mul3A_1340 : i32
      %dma_start3A_1342 = arith.constant 50176 : i32
      %dma_start3A_1343 = tpu.memref_slice %arg9[%dma_start3A_1342] : memref<81920xf32, #tpu.memory_space<vmem>> -> memref<1024xf32, #tpu.memory_space<vmem>>
      %dma_start3A_1344 = tpu.memref_slice %arg6[%mul3A_1341] : memref<26214400xf32, #tpu.memory_space<hbm>> -> memref<1024xf32, #tpu.memory_space<hbm>>
      %dma_start3A_1345 = tpu.memref_slice %arg6[%mul3A_1341] : memref<26214400xf32, #tpu.memory_space<hbm>> -> memref<1024xf32, #tpu.memory_space<hbm>>
      %dma_start3A_1346 = arith.constant 50176 : i32
      %dma_start3A_1347 = tpu.memref_slice %arg9[%dma_start3A_1346] : memref<81920xf32, #tpu.memory_space<vmem>> -> memref<1024xf32, #tpu.memory_space<vmem>>
      tpu.enqueue_dma source(%dma_start3A_1347 : memref<1024xf32, #tpu.memory_space<vmem>>) target(%dma_start3A_1345 : memref<1024xf32, #tpu.memory_space<hbm>>) target_semaphore(%arg13 : memref<!tpu.dma_semaphore, #tpu.memory_space<semaphore_mem>>)
      %mul3A_1348 = arith.constant 8 : i32
      %mul3A_1349 = arith.muli %rem3A_1314, %mul3A_1348 : i32
      %add3A_1350 = arith.constant 2 : i32
      %add3A_1351 = arith.addi %mul3A_1349, %add3A_1350 : i32
      %mul3A_1352 = arith.constant 128 : i32
      %mul3A_1353 = arith.muli %add3A_1351, %mul3A_1352 : i32
      %add3A_1354 = arith.addi %mul3A_1353, %add3A_1317 : i32
      %mul3A_1355 = arith.constant 1024 : i32
      %mul3A_1356 = arith.muli %add3A_1354, %mul3A_1355 : i32
      %dma_start3A_1357 = arith.constant 51200 : i32
      %dma_start3A_1358 = tpu.memref_slice %arg9[%dma_start3A_1357] : memref<81920xf32, #tpu.memory_space<vmem>> -> memref<1024xf32, #tpu.memory_space<vmem>>
      %dma_start3A_1359 = tpu.memref_slice %arg6[%mul3A_1356] : memref<26214400xf32, #tpu.memory_space<hbm>> -> memref<1024xf32, #tpu.memory_space<hbm>>
      %dma_start3A_1360 = tpu.memref_slice %arg6[%mul3A_1356] : memref<26214400xf32, #tpu.memory_space<hbm>> -> memref<1024xf32, #tpu.memory_space<hbm>>
      %dma_start3A_1361 = arith.constant 51200 : i32
      %dma_start3A_1362 = tpu.memref_slice %arg9[%dma_start3A_1361] : memref<81920xf32, #tpu.memory_space<vmem>> -> memref<1024xf32, #tpu.memory_space<vmem>>
      tpu.enqueue_dma source(%dma_start3A_1362 : memref<1024xf32, #tpu.memory_space<vmem>>) target(%dma_start3A_1360 : memref<1024xf32, #tpu.memory_space<hbm>>) target_semaphore(%arg13 : memref<!tpu.dma_semaphore, #tpu.memory_space<semaphore_mem>>)
      %mul3A_1363 = arith.constant 8 : i32
      %mul3A_1364 = arith.muli %rem3A_1314, %mul3A_1363 : i32
      %add3A_1365 = arith.constant 3 : i32
      %add3A_1366 = arith.addi %mul3A_1364, %add3A_1365 : i32
      %mul3A_1367 = arith.constant 128 : i32
      %mul3A_1368 = arith.muli %add3A_1366, %mul3A_1367 : i32
      %add3A_1369 = arith.addi %mul3A_1368, %add3A_1317 : i32
      %mul3A_1370 = arith.constant 1024 : i32
      %mul3A_1371 = arith.muli %add3A_1369, %mul3A_1370 : i32
      %dma_start3A_1372 = arith.constant 52224 : i32
      %dma_start3A_1373 = tpu.memref_slice %arg9[%dma_start3A_1372] : memref<81920xf32, #tpu.memory_space<vmem>> -> memref<1024xf32, #tpu.memory_space<vmem>>
      %dma_start3A_1374 = tpu.memref_slice %arg6[%mul3A_1371] : memref<26214400xf32, #tpu.memory_space<hbm>> -> memref<1024xf32, #tpu.memory_space<hbm>>
      %dma_start3A_1375 = tpu.memref_slice %arg6[%mul3A_1371] : memref<26214400xf32, #tpu.memory_space<hbm>> -> memref<1024xf32, #tpu.memory_space<hbm>>
      %dma_start3A_1376 = arith.constant 52224 : i32
      %dma_start3A_1377 = tpu.memref_slice %arg9[%dma_start3A_1376] : memref<81920xf32, #tpu.memory_space<vmem>> -> memref<1024xf32, #tpu.memory_space<vmem>>
      tpu.enqueue_dma source(%dma_start3A_1377 : memref<1024xf32, #tpu.memory_space<vmem>>) target(%dma_start3A_1375 : memref<1024xf32, #tpu.memory_space<hbm>>) target_semaphore(%arg13 : memref<!tpu.dma_semaphore, #tpu.memory_space<semaphore_mem>>)
      %mul3A_1378 = arith.constant 8 : i32
      %mul3A_1379 = arith.muli %rem3A_1314, %mul3A_1378 : i32
      %add3A_1380 = arith.constant 4 : i32
      %add3A_1381 = arith.addi %mul3A_1379, %add3A_1380 : i32
      %mul3A_1382 = arith.constant 128 : i32
      %mul3A_1383 = arith.muli %add3A_1381, %mul3A_1382 : i32
      %add3A_1384 = arith.addi %mul3A_1383, %add3A_1317 : i32
      %mul3A_1385 = arith.constant 1024 : i32
      %mul3A_1386 = arith.muli %add3A_1384, %mul3A_1385 : i32
      %dma_start3A_1387 = arith.constant 53248 : i32
      %dma_start3A_1388 = tpu.memref_slice %arg9[%dma_start3A_1387] : memref<81920xf32, #tpu.memory_space<vmem>> -> memref<1024xf32, #tpu.memory_space<vmem>>
      %dma_start3A_1389 = tpu.memref_slice %arg6[%mul3A_1386] : memref<26214400xf32, #tpu.memory_space<hbm>> -> memref<1024xf32, #tpu.memory_space<hbm>>
      %dma_start3A_1390 = tpu.memref_slice %arg6[%mul3A_1386] : memref<26214400xf32, #tpu.memory_space<hbm>> -> memref<1024xf32, #tpu.memory_space<hbm>>
      %dma_start3A_1391 = arith.constant 53248 : i32
      %dma_start3A_1392 = tpu.memref_slice %arg9[%dma_start3A_1391] : memref<81920xf32, #tpu.memory_space<vmem>> -> memref<1024xf32, #tpu.memory_space<vmem>>
      tpu.enqueue_dma source(%dma_start3A_1392 : memref<1024xf32, #tpu.memory_space<vmem>>) target(%dma_start3A_1390 : memref<1024xf32, #tpu.memory_space<hbm>>) target_semaphore(%arg13 : memref<!tpu.dma_semaphore, #tpu.memory_space<semaphore_mem>>)
      %mul3A_1393 = arith.constant 8 : i32
      %mul3A_1394 = arith.muli %rem3A_1314, %mul3A_1393 : i32
      %add3A_1395 = arith.constant 5 : i32
      %add3A_1396 = arith.addi %mul3A_1394, %add3A_1395 : i32
      %mul3A_1397 = arith.constant 128 : i32
      %mul3A_1398 = arith.muli %add3A_1396, %mul3A_1397 : i32
      %add3A_1399 = arith.addi %mul3A_1398, %add3A_1317 : i32
      %mul3A_1400 = arith.constant 1024 : i32
      %mul3A_1401 = arith.muli %add3A_1399, %mul3A_1400 : i32
      %dma_start3A_1402 = arith.constant 54272 : i32
      %dma_start3A_1403 = tpu.memref_slice %arg9[%dma_start3A_1402] : memref<81920xf32, #tpu.memory_space<vmem>> -> memref<1024xf32, #tpu.memory_space<vmem>>
      %dma_start3A_1404 = tpu.memref_slice %arg6[%mul3A_1401] : memref<26214400xf32, #tpu.memory_space<hbm>> -> memref<1024xf32, #tpu.memory_space<hbm>>
      %dma_start3A_1405 = tpu.memref_slice %arg6[%mul3A_1401] : memref<26214400xf32, #tpu.memory_space<hbm>> -> memref<1024xf32, #tpu.memory_space<hbm>>
      %dma_start3A_1406 = arith.constant 54272 : i32
      %dma_start3A_1407 = tpu.memref_slice %arg9[%dma_start3A_1406] : memref<81920xf32, #tpu.memory_space<vmem>> -> memref<1024xf32, #tpu.memory_space<vmem>>
      tpu.enqueue_dma source(%dma_start3A_1407 : memref<1024xf32, #tpu.memory_space<vmem>>) target(%dma_start3A_1405 : memref<1024xf32, #tpu.memory_space<hbm>>) target_semaphore(%arg13 : memref<!tpu.dma_semaphore, #tpu.memory_space<semaphore_mem>>)
      %mul3A_1408 = arith.constant 8 : i32
      %mul3A_1409 = arith.muli %rem3A_1314, %mul3A_1408 : i32
      %add3A_1410 = arith.constant 6 : i32
      %add3A_1411 = arith.addi %mul3A_1409, %add3A_1410 : i32
      %mul3A_1412 = arith.constant 128 : i32
      %mul3A_1413 = arith.muli %add3A_1411, %mul3A_1412 : i32
      %add3A_1414 = arith.addi %mul3A_1413, %add3A_1317 : i32
      %mul3A_1415 = arith.constant 1024 : i32
      %mul3A_1416 = arith.muli %add3A_1414, %mul3A_1415 : i32
      %dma_start3A_1417 = arith.constant 55296 : i32
      %dma_start3A_1418 = tpu.memref_slice %arg9[%dma_start3A_1417] : memref<81920xf32, #tpu.memory_space<vmem>> -> memref<1024xf32, #tpu.memory_space<vmem>>
      %dma_start3A_1419 = tpu.memref_slice %arg6[%mul3A_1416] : memref<26214400xf32, #tpu.memory_space<hbm>> -> memref<1024xf32, #tpu.memory_space<hbm>>
      %dma_start3A_1420 = tpu.memref_slice %arg6[%mul3A_1416] : memref<26214400xf32, #tpu.memory_space<hbm>> -> memref<1024xf32, #tpu.memory_space<hbm>>
      %dma_start3A_1421 = arith.constant 55296 : i32
      %dma_start3A_1422 = tpu.memref_slice %arg9[%dma_start3A_1421] : memref<81920xf32, #tpu.memory_space<vmem>> -> memref<1024xf32, #tpu.memory_space<vmem>>
      tpu.enqueue_dma source(%dma_start3A_1422 : memref<1024xf32, #tpu.memory_space<vmem>>) target(%dma_start3A_1420 : memref<1024xf32, #tpu.memory_space<hbm>>) target_semaphore(%arg13 : memref<!tpu.dma_semaphore, #tpu.memory_space<semaphore_mem>>)
      %mul3A_1423 = arith.constant 8 : i32
      %mul3A_1424 = arith.muli %rem3A_1314, %mul3A_1423 : i32
      %add3A_1425 = arith.constant 7 : i32
      %add3A_1426 = arith.addi %mul3A_1424, %add3A_1425 : i32
      %mul3A_1427 = arith.constant 128 : i32
      %mul3A_1428 = arith.muli %add3A_1426, %mul3A_1427 : i32
      %add3A_1429 = arith.addi %mul3A_1428, %add3A_1317 : i32
      %mul3A_1430 = arith.constant 1024 : i32
      %mul3A_1431 = arith.muli %add3A_1429, %mul3A_1430 : i32
      %dma_start3A_1432 = arith.constant 56320 : i32
      %dma_start3A_1433 = tpu.memref_slice %arg9[%dma_start3A_1432] : memref<81920xf32, #tpu.memory_space<vmem>> -> memref<1024xf32, #tpu.memory_space<vmem>>
      %dma_start3A_1434 = tpu.memref_slice %arg6[%mul3A_1431] : memref<26214400xf32, #tpu.memory_space<hbm>> -> memref<1024xf32, #tpu.memory_space<hbm>>
      %dma_start3A_1435 = tpu.memref_slice %arg6[%mul3A_1431] : memref<26214400xf32, #tpu.memory_space<hbm>> -> memref<1024xf32, #tpu.memory_space<hbm>>
      %dma_start3A_1436 = arith.constant 56320 : i32
      %dma_start3A_1437 = tpu.memref_slice %arg9[%dma_start3A_1436] : memref<81920xf32, #tpu.memory_space<vmem>> -> memref<1024xf32, #tpu.memory_space<vmem>>
      tpu.enqueue_dma source(%dma_start3A_1437 : memref<1024xf32, #tpu.memory_space<vmem>>) target(%dma_start3A_1435 : memref<1024xf32, #tpu.memory_space<hbm>>) target_semaphore(%arg13 : memref<!tpu.dma_semaphore, #tpu.memory_space<semaphore_mem>>)
      %add3A_1438 = arith.constant 2 : i32
      %add3A_1439 = arith.addi %mul3A_1065, %add3A_1438 : i32
      %rem3A_1440 = arith.constant 25 : i32
      %rem3A_1441 = arith.remsi %add3A_1439, %rem3A_1440 : i32
      %div3A_1442 = arith.constant 25 : i32
      %div3A_1443 = arith.divsi %add3A_1439, %div3A_1442 : i32
      %add3A_1444 = arith.addi %mul3A_2, %div3A_1443 : i32
      %mul3A_1445 = arith.constant 8 : i32
      %mul3A_1446 = arith.muli %rem3A_1441, %mul3A_1445 : i32
      %add3A_1447 = arith.constant 0 : i32
      %add3A_1448 = arith.addi %mul3A_1446, %add3A_1447 : i32
      %mul3A_1449 = arith.constant 128 : i32
      %mul3A_1450 = arith.muli %add3A_1448, %mul3A_1449 : i32
      %add3A_1451 = arith.addi %mul3A_1450, %add3A_1444 : i32
      %mul3A_1452 = arith.constant 1024 : i32
      %mul3A_1453 = arith.muli %add3A_1451, %mul3A_1452 : i32
      %dma_start3A_1454 = arith.constant 57344 : i32
      %dma_start3A_1455 = tpu.memref_slice %arg9[%dma_start3A_1454] : memref<81920xf32, #tpu.memory_space<vmem>> -> memref<1024xf32, #tpu.memory_space<vmem>>
      %dma_start3A_1456 = tpu.memref_slice %arg6[%mul3A_1453] : memref<26214400xf32, #tpu.memory_space<hbm>> -> memref<1024xf32, #tpu.memory_space<hbm>>
      %dma_start3A_1457 = tpu.memref_slice %arg6[%mul3A_1453] : memref<26214400xf32, #tpu.memory_space<hbm>> -> memref<1024xf32, #tpu.memory_space<hbm>>
      %dma_start3A_1458 = arith.constant 57344 : i32
      %dma_start3A_1459 = tpu.memref_slice %arg9[%dma_start3A_1458] : memref<81920xf32, #tpu.memory_space<vmem>> -> memref<1024xf32, #tpu.memory_space<vmem>>
      tpu.enqueue_dma source(%dma_start3A_1459 : memref<1024xf32, #tpu.memory_space<vmem>>) target(%dma_start3A_1457 : memref<1024xf32, #tpu.memory_space<hbm>>) target_semaphore(%arg13 : memref<!tpu.dma_semaphore, #tpu.memory_space<semaphore_mem>>)
      %mul3A_1460 = arith.constant 8 : i32
      %mul3A_1461 = arith.muli %rem3A_1441, %mul3A_1460 : i32
      %add3A_1462 = arith.constant 1 : i32
      %add3A_1463 = arith.addi %mul3A_1461, %add3A_1462 : i32
      %mul3A_1464 = arith.constant 128 : i32
      %mul3A_1465 = arith.muli %add3A_1463, %mul3A_1464 : i32
      %add3A_1466 = arith.addi %mul3A_1465, %add3A_1444 : i32
      %mul3A_1467 = arith.constant 1024 : i32
      %mul3A_1468 = arith.muli %add3A_1466, %mul3A_1467 : i32
      %dma_start3A_1469 = arith.constant 58368 : i32
      %dma_start3A_1470 = tpu.memref_slice %arg9[%dma_start3A_1469] : memref<81920xf32, #tpu.memory_space<vmem>> -> memref<1024xf32, #tpu.memory_space<vmem>>
      %dma_start3A_1471 = tpu.memref_slice %arg6[%mul3A_1468] : memref<26214400xf32, #tpu.memory_space<hbm>> -> memref<1024xf32, #tpu.memory_space<hbm>>
      %dma_start3A_1472 = tpu.memref_slice %arg6[%mul3A_1468] : memref<26214400xf32, #tpu.memory_space<hbm>> -> memref<1024xf32, #tpu.memory_space<hbm>>
      %dma_start3A_1473 = arith.constant 58368 : i32
      %dma_start3A_1474 = tpu.memref_slice %arg9[%dma_start3A_1473] : memref<81920xf32, #tpu.memory_space<vmem>> -> memref<1024xf32, #tpu.memory_space<vmem>>
      tpu.enqueue_dma source(%dma_start3A_1474 : memref<1024xf32, #tpu.memory_space<vmem>>) target(%dma_start3A_1472 : memref<1024xf32, #tpu.memory_space<hbm>>) target_semaphore(%arg13 : memref<!tpu.dma_semaphore, #tpu.memory_space<semaphore_mem>>)
      %mul3A_1475 = arith.constant 8 : i32
      %mul3A_1476 = arith.muli %rem3A_1441, %mul3A_1475 : i32
      %add3A_1477 = arith.constant 2 : i32
      %add3A_1478 = arith.addi %mul3A_1476, %add3A_1477 : i32
      %mul3A_1479 = arith.constant 128 : i32
      %mul3A_1480 = arith.muli %add3A_1478, %mul3A_1479 : i32
      %add3A_1481 = arith.addi %mul3A_1480, %add3A_1444 : i32
      %mul3A_1482 = arith.constant 1024 : i32
      %mul3A_1483 = arith.muli %add3A_1481, %mul3A_1482 : i32
      %dma_start3A_1484 = arith.constant 59392 : i32
      %dma_start3A_1485 = tpu.memref_slice %arg9[%dma_start3A_1484] : memref<81920xf32, #tpu.memory_space<vmem>> -> memref<1024xf32, #tpu.memory_space<vmem>>
      %dma_start3A_1486 = tpu.memref_slice %arg6[%mul3A_1483] : memref<26214400xf32, #tpu.memory_space<hbm>> -> memref<1024xf32, #tpu.memory_space<hbm>>
      %dma_start3A_1487 = tpu.memref_slice %arg6[%mul3A_1483] : memref<26214400xf32, #tpu.memory_space<hbm>> -> memref<1024xf32, #tpu.memory_space<hbm>>
      %dma_start3A_1488 = arith.constant 59392 : i32
      %dma_start3A_1489 = tpu.memref_slice %arg9[%dma_start3A_1488] : memref<81920xf32, #tpu.memory_space<vmem>> -> memref<1024xf32, #tpu.memory_space<vmem>>
      tpu.enqueue_dma source(%dma_start3A_1489 : memref<1024xf32, #tpu.memory_space<vmem>>) target(%dma_start3A_1487 : memref<1024xf32, #tpu.memory_space<hbm>>) target_semaphore(%arg13 : memref<!tpu.dma_semaphore, #tpu.memory_space<semaphore_mem>>)
      %mul3A_1490 = arith.constant 8 : i32
      %mul3A_1491 = arith.muli %rem3A_1441, %mul3A_1490 : i32
      %add3A_1492 = arith.constant 3 : i32
      %add3A_1493 = arith.addi %mul3A_1491, %add3A_1492 : i32
      %mul3A_1494 = arith.constant 128 : i32
      %mul3A_1495 = arith.muli %add3A_1493, %mul3A_1494 : i32
      %add3A_1496 = arith.addi %mul3A_1495, %add3A_1444 : i32
      %mul3A_1497 = arith.constant 1024 : i32
      %mul3A_1498 = arith.muli %add3A_1496, %mul3A_1497 : i32
      %dma_start3A_1499 = arith.constant 60416 : i32
      %dma_start3A_1500 = tpu.memref_slice %arg9[%dma_start3A_1499] : memref<81920xf32, #tpu.memory_space<vmem>> -> memref<1024xf32, #tpu.memory_space<vmem>>
      %dma_start3A_1501 = tpu.memref_slice %arg6[%mul3A_1498] : memref<26214400xf32, #tpu.memory_space<hbm>> -> memref<1024xf32, #tpu.memory_space<hbm>>
      %dma_start3A_1502 = tpu.memref_slice %arg6[%mul3A_1498] : memref<26214400xf32, #tpu.memory_space<hbm>> -> memref<1024xf32, #tpu.memory_space<hbm>>
      %dma_start3A_1503 = arith.constant 60416 : i32
      %dma_start3A_1504 = tpu.memref_slice %arg9[%dma_start3A_1503] : memref<81920xf32, #tpu.memory_space<vmem>> -> memref<1024xf32, #tpu.memory_space<vmem>>
      tpu.enqueue_dma source(%dma_start3A_1504 : memref<1024xf32, #tpu.memory_space<vmem>>) target(%dma_start3A_1502 : memref<1024xf32, #tpu.memory_space<hbm>>) target_semaphore(%arg13 : memref<!tpu.dma_semaphore, #tpu.memory_space<semaphore_mem>>)
      %mul3A_1505 = arith.constant 8 : i32
      %mul3A_1506 = arith.muli %rem3A_1441, %mul3A_1505 : i32
      %add3A_1507 = arith.constant 4 : i32
      %add3A_1508 = arith.addi %mul3A_1506, %add3A_1507 : i32
      %mul3A_1509 = arith.constant 128 : i32
      %mul3A_1510 = arith.muli %add3A_1508, %mul3A_1509 : i32
      %add3A_1511 = arith.addi %mul3A_1510, %add3A_1444 : i32
      %mul3A_1512 = arith.constant 1024 : i32
      %mul3A_1513 = arith.muli %add3A_1511, %mul3A_1512 : i32
      %dma_start3A_1514 = arith.constant 61440 : i32
      %dma_start3A_1515 = tpu.memref_slice %arg9[%dma_start3A_1514] : memref<81920xf32, #tpu.memory_space<vmem>> -> memref<1024xf32, #tpu.memory_space<vmem>>
      %dma_start3A_1516 = tpu.memref_slice %arg6[%mul3A_1513] : memref<26214400xf32, #tpu.memory_space<hbm>> -> memref<1024xf32, #tpu.memory_space<hbm>>
      %dma_start3A_1517 = tpu.memref_slice %arg6[%mul3A_1513] : memref<26214400xf32, #tpu.memory_space<hbm>> -> memref<1024xf32, #tpu.memory_space<hbm>>
      %dma_start3A_1518 = arith.constant 61440 : i32
      %dma_start3A_1519 = tpu.memref_slice %arg9[%dma_start3A_1518] : memref<81920xf32, #tpu.memory_space<vmem>> -> memref<1024xf32, #tpu.memory_space<vmem>>
      tpu.enqueue_dma source(%dma_start3A_1519 : memref<1024xf32, #tpu.memory_space<vmem>>) target(%dma_start3A_1517 : memref<1024xf32, #tpu.memory_space<hbm>>) target_semaphore(%arg13 : memref<!tpu.dma_semaphore, #tpu.memory_space<semaphore_mem>>)
      %mul3A_1520 = arith.constant 8 : i32
      %mul3A_1521 = arith.muli %rem3A_1441, %mul3A_1520 : i32
      %add3A_1522 = arith.constant 5 : i32
      %add3A_1523 = arith.addi %mul3A_1521, %add3A_1522 : i32
      %mul3A_1524 = arith.constant 128 : i32
      %mul3A_1525 = arith.muli %add3A_1523, %mul3A_1524 : i32
      %add3A_1526 = arith.addi %mul3A_1525, %add3A_1444 : i32
      %mul3A_1527 = arith.constant 1024 : i32
      %mul3A_1528 = arith.muli %add3A_1526, %mul3A_1527 : i32
      %dma_start3A_1529 = arith.constant 62464 : i32
      %dma_start3A_1530 = tpu.memref_slice %arg9[%dma_start3A_1529] : memref<81920xf32, #tpu.memory_space<vmem>> -> memref<1024xf32, #tpu.memory_space<vmem>>
      %dma_start3A_1531 = tpu.memref_slice %arg6[%mul3A_1528] : memref<26214400xf32, #tpu.memory_space<hbm>> -> memref<1024xf32, #tpu.memory_space<hbm>>
      %dma_start3A_1532 = tpu.memref_slice %arg6[%mul3A_1528] : memref<26214400xf32, #tpu.memory_space<hbm>> -> memref<1024xf32, #tpu.memory_space<hbm>>
      %dma_start3A_1533 = arith.constant 62464 : i32
      %dma_start3A_1534 = tpu.memref_slice %arg9[%dma_start3A_1533] : memref<81920xf32, #tpu.memory_space<vmem>> -> memref<1024xf32, #tpu.memory_space<vmem>>
      tpu.enqueue_dma source(%dma_start3A_1534 : memref<1024xf32, #tpu.memory_space<vmem>>) target(%dma_start3A_1532 : memref<1024xf32, #tpu.memory_space<hbm>>) target_semaphore(%arg13 : memref<!tpu.dma_semaphore, #tpu.memory_space<semaphore_mem>>)
      %mul3A_1535 = arith.constant 8 : i32
      %mul3A_1536 = arith.muli %rem3A_1441, %mul3A_1535 : i32
      %add3A_1537 = arith.constant 6 : i32
      %add3A_1538 = arith.addi %mul3A_1536, %add3A_1537 : i32
      %mul3A_1539 = arith.constant 128 : i32
      %mul3A_1540 = arith.muli %add3A_1538, %mul3A_1539 : i32
      %add3A_1541 = arith.addi %mul3A_1540, %add3A_1444 : i32
      %mul3A_1542 = arith.constant 1024 : i32
      %mul3A_1543 = arith.muli %add3A_1541, %mul3A_1542 : i32
      %dma_start3A_1544 = arith.constant 63488 : i32
      %dma_start3A_1545 = tpu.memref_slice %arg9[%dma_start3A_1544] : memref<81920xf32, #tpu.memory_space<vmem>> -> memref<1024xf32, #tpu.memory_space<vmem>>
      %dma_start3A_1546 = tpu.memref_slice %arg6[%mul3A_1543] : memref<26214400xf32, #tpu.memory_space<hbm>> -> memref<1024xf32, #tpu.memory_space<hbm>>
      %dma_start3A_1547 = tpu.memref_slice %arg6[%mul3A_1543] : memref<26214400xf32, #tpu.memory_space<hbm>> -> memref<1024xf32, #tpu.memory_space<hbm>>
      %dma_start3A_1548 = arith.constant 63488 : i32
      %dma_start3A_1549 = tpu.memref_slice %arg9[%dma_start3A_1548] : memref<81920xf32, #tpu.memory_space<vmem>> -> memref<1024xf32, #tpu.memory_space<vmem>>
      tpu.enqueue_dma source(%dma_start3A_1549 : memref<1024xf32, #tpu.memory_space<vmem>>) target(%dma_start3A_1547 : memref<1024xf32, #tpu.memory_space<hbm>>) target_semaphore(%arg13 : memref<!tpu.dma_semaphore, #tpu.memory_space<semaphore_mem>>)
      %mul3A_1550 = arith.constant 8 : i32
      %mul3A_1551 = arith.muli %rem3A_1441, %mul3A_1550 : i32
      %add3A_1552 = arith.constant 7 : i32
      %add3A_1553 = arith.addi %mul3A_1551, %add3A_1552 : i32
      %mul3A_1554 = arith.constant 128 : i32
      %mul3A_1555 = arith.muli %add3A_1553, %mul3A_1554 : i32
      %add3A_1556 = arith.addi %mul3A_1555, %add3A_1444 : i32
      %mul3A_1557 = arith.constant 1024 : i32
      %mul3A_1558 = arith.muli %add3A_1556, %mul3A_1557 : i32
      %dma_start3A_1559 = arith.constant 64512 : i32
      %dma_start3A_1560 = tpu.memref_slice %arg9[%dma_start3A_1559] : memref<81920xf32, #tpu.memory_space<vmem>> -> memref<1024xf32, #tpu.memory_space<vmem>>
      %dma_start3A_1561 = tpu.memref_slice %arg6[%mul3A_1558] : memref<26214400xf32, #tpu.memory_space<hbm>> -> memref<1024xf32, #tpu.memory_space<hbm>>
      %dma_start3A_1562 = tpu.memref_slice %arg6[%mul3A_1558] : memref<26214400xf32, #tpu.memory_space<hbm>> -> memref<1024xf32, #tpu.memory_space<hbm>>
      %dma_start3A_1563 = arith.constant 64512 : i32
      %dma_start3A_1564 = tpu.memref_slice %arg9[%dma_start3A_1563] : memref<81920xf32, #tpu.memory_space<vmem>> -> memref<1024xf32, #tpu.memory_space<vmem>>
      tpu.enqueue_dma source(%dma_start3A_1564 : memref<1024xf32, #tpu.memory_space<vmem>>) target(%dma_start3A_1562 : memref<1024xf32, #tpu.memory_space<hbm>>) target_semaphore(%arg13 : memref<!tpu.dma_semaphore, #tpu.memory_space<semaphore_mem>>)
      %add3A_1565 = arith.constant 3 : i32
      %add3A_1566 = arith.addi %mul3A_1065, %add3A_1565 : i32
      %rem3A_1567 = arith.constant 25 : i32
      %rem3A_1568 = arith.remsi %add3A_1566, %rem3A_1567 : i32
      %div3A_1569 = arith.constant 25 : i32
      %div3A_1570 = arith.divsi %add3A_1566, %div3A_1569 : i32
      %add3A_1571 = arith.addi %mul3A_2, %div3A_1570 : i32
      %mul3A_1572 = arith.constant 8 : i32
      %mul3A_1573 = arith.muli %rem3A_1568, %mul3A_1572 : i32
      %add3A_1574 = arith.constant 0 : i32
      %add3A_1575 = arith.addi %mul3A_1573, %add3A_1574 : i32
      %mul3A_1576 = arith.constant 128 : i32
      %mul3A_1577 = arith.muli %add3A_1575, %mul3A_1576 : i32
      %add3A_1578 = arith.addi %mul3A_1577, %add3A_1571 : i32
      %mul3A_1579 = arith.constant 1024 : i32
      %mul3A_1580 = arith.muli %add3A_1578, %mul3A_1579 : i32
      %dma_start3A_1581 = arith.constant 65536 : i32
      %dma_start3A_1582 = tpu.memref_slice %arg9[%dma_start3A_1581] : memref<81920xf32, #tpu.memory_space<vmem>> -> memref<1024xf32, #tpu.memory_space<vmem>>
      %dma_start3A_1583 = tpu.memref_slice %arg6[%mul3A_1580] : memref<26214400xf32, #tpu.memory_space<hbm>> -> memref<1024xf32, #tpu.memory_space<hbm>>
      %dma_start3A_1584 = tpu.memref_slice %arg6[%mul3A_1580] : memref<26214400xf32, #tpu.memory_space<hbm>> -> memref<1024xf32, #tpu.memory_space<hbm>>
      %dma_start3A_1585 = arith.constant 65536 : i32
      %dma_start3A_1586 = tpu.memref_slice %arg9[%dma_start3A_1585] : memref<81920xf32, #tpu.memory_space<vmem>> -> memref<1024xf32, #tpu.memory_space<vmem>>
      tpu.enqueue_dma source(%dma_start3A_1586 : memref<1024xf32, #tpu.memory_space<vmem>>) target(%dma_start3A_1584 : memref<1024xf32, #tpu.memory_space<hbm>>) target_semaphore(%arg13 : memref<!tpu.dma_semaphore, #tpu.memory_space<semaphore_mem>>)
      %mul3A_1587 = arith.constant 8 : i32
      %mul3A_1588 = arith.muli %rem3A_1568, %mul3A_1587 : i32
      %add3A_1589 = arith.constant 1 : i32
      %add3A_1590 = arith.addi %mul3A_1588, %add3A_1589 : i32
      %mul3A_1591 = arith.constant 128 : i32
      %mul3A_1592 = arith.muli %add3A_1590, %mul3A_1591 : i32
      %add3A_1593 = arith.addi %mul3A_1592, %add3A_1571 : i32
      %mul3A_1594 = arith.constant 1024 : i32
      %mul3A_1595 = arith.muli %add3A_1593, %mul3A_1594 : i32
      %dma_start3A_1596 = arith.constant 66560 : i32
      %dma_start3A_1597 = tpu.memref_slice %arg9[%dma_start3A_1596] : memref<81920xf32, #tpu.memory_space<vmem>> -> memref<1024xf32, #tpu.memory_space<vmem>>
      %dma_start3A_1598 = tpu.memref_slice %arg6[%mul3A_1595] : memref<26214400xf32, #tpu.memory_space<hbm>> -> memref<1024xf32, #tpu.memory_space<hbm>>
      %dma_start3A_1599 = tpu.memref_slice %arg6[%mul3A_1595] : memref<26214400xf32, #tpu.memory_space<hbm>> -> memref<1024xf32, #tpu.memory_space<hbm>>
      %dma_start3A_1600 = arith.constant 66560 : i32
      %dma_start3A_1601 = tpu.memref_slice %arg9[%dma_start3A_1600] : memref<81920xf32, #tpu.memory_space<vmem>> -> memref<1024xf32, #tpu.memory_space<vmem>>
      tpu.enqueue_dma source(%dma_start3A_1601 : memref<1024xf32, #tpu.memory_space<vmem>>) target(%dma_start3A_1599 : memref<1024xf32, #tpu.memory_space<hbm>>) target_semaphore(%arg13 : memref<!tpu.dma_semaphore, #tpu.memory_space<semaphore_mem>>)
      %mul3A_1602 = arith.constant 8 : i32
      %mul3A_1603 = arith.muli %rem3A_1568, %mul3A_1602 : i32
      %add3A_1604 = arith.constant 2 : i32
      %add3A_1605 = arith.addi %mul3A_1603, %add3A_1604 : i32
      %mul3A_1606 = arith.constant 128 : i32
      %mul3A_1607 = arith.muli %add3A_1605, %mul3A_1606 : i32
      %add3A_1608 = arith.addi %mul3A_1607, %add3A_1571 : i32
      %mul3A_1609 = arith.constant 1024 : i32
      %mul3A_1610 = arith.muli %add3A_1608, %mul3A_1609 : i32
      %dma_start3A_1611 = arith.constant 67584 : i32
      %dma_start3A_1612 = tpu.memref_slice %arg9[%dma_start3A_1611] : memref<81920xf32, #tpu.memory_space<vmem>> -> memref<1024xf32, #tpu.memory_space<vmem>>
      %dma_start3A_1613 = tpu.memref_slice %arg6[%mul3A_1610] : memref<26214400xf32, #tpu.memory_space<hbm>> -> memref<1024xf32, #tpu.memory_space<hbm>>
      %dma_start3A_1614 = tpu.memref_slice %arg6[%mul3A_1610] : memref<26214400xf32, #tpu.memory_space<hbm>> -> memref<1024xf32, #tpu.memory_space<hbm>>
      %dma_start3A_1615 = arith.constant 67584 : i32
      %dma_start3A_1616 = tpu.memref_slice %arg9[%dma_start3A_1615] : memref<81920xf32, #tpu.memory_space<vmem>> -> memref<1024xf32, #tpu.memory_space<vmem>>
      tpu.enqueue_dma source(%dma_start3A_1616 : memref<1024xf32, #tpu.memory_space<vmem>>) target(%dma_start3A_1614 : memref<1024xf32, #tpu.memory_space<hbm>>) target_semaphore(%arg13 : memref<!tpu.dma_semaphore, #tpu.memory_space<semaphore_mem>>)
      %mul3A_1617 = arith.constant 8 : i32
      %mul3A_1618 = arith.muli %rem3A_1568, %mul3A_1617 : i32
      %add3A_1619 = arith.constant 3 : i32
      %add3A_1620 = arith.addi %mul3A_1618, %add3A_1619 : i32
      %mul3A_1621 = arith.constant 128 : i32
      %mul3A_1622 = arith.muli %add3A_1620, %mul3A_1621 : i32
      %add3A_1623 = arith.addi %mul3A_1622, %add3A_1571 : i32
      %mul3A_1624 = arith.constant 1024 : i32
      %mul3A_1625 = arith.muli %add3A_1623, %mul3A_1624 : i32
      %dma_start3A_1626 = arith.constant 68608 : i32
      %dma_start3A_1627 = tpu.memref_slice %arg9[%dma_start3A_1626] : memref<81920xf32, #tpu.memory_space<vmem>> -> memref<1024xf32, #tpu.memory_space<vmem>>
      %dma_start3A_1628 = tpu.memref_slice %arg6[%mul3A_1625] : memref<26214400xf32, #tpu.memory_space<hbm>> -> memref<1024xf32, #tpu.memory_space<hbm>>
      %dma_start3A_1629 = tpu.memref_slice %arg6[%mul3A_1625] : memref<26214400xf32, #tpu.memory_space<hbm>> -> memref<1024xf32, #tpu.memory_space<hbm>>
      %dma_start3A_1630 = arith.constant 68608 : i32
      %dma_start3A_1631 = tpu.memref_slice %arg9[%dma_start3A_1630] : memref<81920xf32, #tpu.memory_space<vmem>> -> memref<1024xf32, #tpu.memory_space<vmem>>
      tpu.enqueue_dma source(%dma_start3A_1631 : memref<1024xf32, #tpu.memory_space<vmem>>) target(%dma_start3A_1629 : memref<1024xf32, #tpu.memory_space<hbm>>) target_semaphore(%arg13 : memref<!tpu.dma_semaphore, #tpu.memory_space<semaphore_mem>>)
      %mul3A_1632 = arith.constant 8 : i32
      %mul3A_1633 = arith.muli %rem3A_1568, %mul3A_1632 : i32
      %add3A_1634 = arith.constant 4 : i32
      %add3A_1635 = arith.addi %mul3A_1633, %add3A_1634 : i32
      %mul3A_1636 = arith.constant 128 : i32
      %mul3A_1637 = arith.muli %add3A_1635, %mul3A_1636 : i32
      %add3A_1638 = arith.addi %mul3A_1637, %add3A_1571 : i32
      %mul3A_1639 = arith.constant 1024 : i32
      %mul3A_1640 = arith.muli %add3A_1638, %mul3A_1639 : i32
      %dma_start3A_1641 = arith.constant 69632 : i32
      %dma_start3A_1642 = tpu.memref_slice %arg9[%dma_start3A_1641] : memref<81920xf32, #tpu.memory_space<vmem>> -> memref<1024xf32, #tpu.memory_space<vmem>>
      %dma_start3A_1643 = tpu.memref_slice %arg6[%mul3A_1640] : memref<26214400xf32, #tpu.memory_space<hbm>> -> memref<1024xf32, #tpu.memory_space<hbm>>
      %dma_start3A_1644 = tpu.memref_slice %arg6[%mul3A_1640] : memref<26214400xf32, #tpu.memory_space<hbm>> -> memref<1024xf32, #tpu.memory_space<hbm>>
      %dma_start3A_1645 = arith.constant 69632 : i32
      %dma_start3A_1646 = tpu.memref_slice %arg9[%dma_start3A_1645] : memref<81920xf32, #tpu.memory_space<vmem>> -> memref<1024xf32, #tpu.memory_space<vmem>>
      tpu.enqueue_dma source(%dma_start3A_1646 : memref<1024xf32, #tpu.memory_space<vmem>>) target(%dma_start3A_1644 : memref<1024xf32, #tpu.memory_space<hbm>>) target_semaphore(%arg13 : memref<!tpu.dma_semaphore, #tpu.memory_space<semaphore_mem>>)
      %mul3A_1647 = arith.constant 8 : i32
      %mul3A_1648 = arith.muli %rem3A_1568, %mul3A_1647 : i32
      %add3A_1649 = arith.constant 5 : i32
      %add3A_1650 = arith.addi %mul3A_1648, %add3A_1649 : i32
      %mul3A_1651 = arith.constant 128 : i32
      %mul3A_1652 = arith.muli %add3A_1650, %mul3A_1651 : i32
      %add3A_1653 = arith.addi %mul3A_1652, %add3A_1571 : i32
      %mul3A_1654 = arith.constant 1024 : i32
      %mul3A_1655 = arith.muli %add3A_1653, %mul3A_1654 : i32
      %dma_start3A_1656 = arith.constant 70656 : i32
      %dma_start3A_1657 = tpu.memref_slice %arg9[%dma_start3A_1656] : memref<81920xf32, #tpu.memory_space<vmem>> -> memref<1024xf32, #tpu.memory_space<vmem>>
      %dma_start3A_1658 = tpu.memref_slice %arg6[%mul3A_1655] : memref<26214400xf32, #tpu.memory_space<hbm>> -> memref<1024xf32, #tpu.memory_space<hbm>>
      %dma_start3A_1659 = tpu.memref_slice %arg6[%mul3A_1655] : memref<26214400xf32, #tpu.memory_space<hbm>> -> memref<1024xf32, #tpu.memory_space<hbm>>
      %dma_start3A_1660 = arith.constant 70656 : i32
      %dma_start3A_1661 = tpu.memref_slice %arg9[%dma_start3A_1660] : memref<81920xf32, #tpu.memory_space<vmem>> -> memref<1024xf32, #tpu.memory_space<vmem>>
      tpu.enqueue_dma source(%dma_start3A_1661 : memref<1024xf32, #tpu.memory_space<vmem>>) target(%dma_start3A_1659 : memref<1024xf32, #tpu.memory_space<hbm>>) target_semaphore(%arg13 : memref<!tpu.dma_semaphore, #tpu.memory_space<semaphore_mem>>)
      %mul3A_1662 = arith.constant 8 : i32
      %mul3A_1663 = arith.muli %rem3A_1568, %mul3A_1662 : i32
      %add3A_1664 = arith.constant 6 : i32
      %add3A_1665 = arith.addi %mul3A_1663, %add3A_1664 : i32
      %mul3A_1666 = arith.constant 128 : i32
      %mul3A_1667 = arith.muli %add3A_1665, %mul3A_1666 : i32
      %add3A_1668 = arith.addi %mul3A_1667, %add3A_1571 : i32
      %mul3A_1669 = arith.constant 1024 : i32
      %mul3A_1670 = arith.muli %add3A_1668, %mul3A_1669 : i32
      %dma_start3A_1671 = arith.constant 71680 : i32
      %dma_start3A_1672 = tpu.memref_slice %arg9[%dma_start3A_1671] : memref<81920xf32, #tpu.memory_space<vmem>> -> memref<1024xf32, #tpu.memory_space<vmem>>
      %dma_start3A_1673 = tpu.memref_slice %arg6[%mul3A_1670] : memref<26214400xf32, #tpu.memory_space<hbm>> -> memref<1024xf32, #tpu.memory_space<hbm>>
      %dma_start3A_1674 = tpu.memref_slice %arg6[%mul3A_1670] : memref<26214400xf32, #tpu.memory_space<hbm>> -> memref<1024xf32, #tpu.memory_space<hbm>>
      %dma_start3A_1675 = arith.constant 71680 : i32
      %dma_start3A_1676 = tpu.memref_slice %arg9[%dma_start3A_1675] : memref<81920xf32, #tpu.memory_space<vmem>> -> memref<1024xf32, #tpu.memory_space<vmem>>
      tpu.enqueue_dma source(%dma_start3A_1676 : memref<1024xf32, #tpu.memory_space<vmem>>) target(%dma_start3A_1674 : memref<1024xf32, #tpu.memory_space<hbm>>) target_semaphore(%arg13 : memref<!tpu.dma_semaphore, #tpu.memory_space<semaphore_mem>>)
      %mul3A_1677 = arith.constant 8 : i32
      %mul3A_1678 = arith.muli %rem3A_1568, %mul3A_1677 : i32
      %add3A_1679 = arith.constant 7 : i32
      %add3A_1680 = arith.addi %mul3A_1678, %add3A_1679 : i32
      %mul3A_1681 = arith.constant 128 : i32
      %mul3A_1682 = arith.muli %add3A_1680, %mul3A_1681 : i32
      %add3A_1683 = arith.addi %mul3A_1682, %add3A_1571 : i32
      %mul3A_1684 = arith.constant 1024 : i32
      %mul3A_1685 = arith.muli %add3A_1683, %mul3A_1684 : i32
      %dma_start3A_1686 = arith.constant 72704 : i32
      %dma_start3A_1687 = tpu.memref_slice %arg9[%dma_start3A_1686] : memref<81920xf32, #tpu.memory_space<vmem>> -> memref<1024xf32, #tpu.memory_space<vmem>>
      %dma_start3A_1688 = tpu.memref_slice %arg6[%mul3A_1685] : memref<26214400xf32, #tpu.memory_space<hbm>> -> memref<1024xf32, #tpu.memory_space<hbm>>
      %dma_start3A_1689 = tpu.memref_slice %arg6[%mul3A_1685] : memref<26214400xf32, #tpu.memory_space<hbm>> -> memref<1024xf32, #tpu.memory_space<hbm>>
      %dma_start3A_1690 = arith.constant 72704 : i32
      %dma_start3A_1691 = tpu.memref_slice %arg9[%dma_start3A_1690] : memref<81920xf32, #tpu.memory_space<vmem>> -> memref<1024xf32, #tpu.memory_space<vmem>>
      tpu.enqueue_dma source(%dma_start3A_1691 : memref<1024xf32, #tpu.memory_space<vmem>>) target(%dma_start3A_1689 : memref<1024xf32, #tpu.memory_space<hbm>>) target_semaphore(%arg13 : memref<!tpu.dma_semaphore, #tpu.memory_space<semaphore_mem>>)
      %add3A_1692 = arith.constant 4 : i32
      %add3A_1693 = arith.addi %mul3A_1065, %add3A_1692 : i32
      %rem3A_1694 = arith.constant 25 : i32
      %rem3A_1695 = arith.remsi %add3A_1693, %rem3A_1694 : i32
      %div3A_1696 = arith.constant 25 : i32
      %div3A_1697 = arith.divsi %add3A_1693, %div3A_1696 : i32
      %add3A_1698 = arith.addi %mul3A_2, %div3A_1697 : i32
      %mul3A_1699 = arith.constant 8 : i32
      %mul3A_1700 = arith.muli %rem3A_1695, %mul3A_1699 : i32
      %add3A_1701 = arith.constant 0 : i32
      %add3A_1702 = arith.addi %mul3A_1700, %add3A_1701 : i32
      %mul3A_1703 = arith.constant 128 : i32
      %mul3A_1704 = arith.muli %add3A_1702, %mul3A_1703 : i32
      %add3A_1705 = arith.addi %mul3A_1704, %add3A_1698 : i32
      %mul3A_1706 = arith.constant 1024 : i32
      %mul3A_1707 = arith.muli %add3A_1705, %mul3A_1706 : i32
      %dma_start3A_1708 = arith.constant 73728 : i32
      %dma_start3A_1709 = tpu.memref_slice %arg9[%dma_start3A_1708] : memref<81920xf32, #tpu.memory_space<vmem>> -> memref<1024xf32, #tpu.memory_space<vmem>>
      %dma_start3A_1710 = tpu.memref_slice %arg6[%mul3A_1707] : memref<26214400xf32, #tpu.memory_space<hbm>> -> memref<1024xf32, #tpu.memory_space<hbm>>
      %dma_start3A_1711 = tpu.memref_slice %arg6[%mul3A_1707] : memref<26214400xf32, #tpu.memory_space<hbm>> -> memref<1024xf32, #tpu.memory_space<hbm>>
      %dma_start3A_1712 = arith.constant 73728 : i32
      %dma_start3A_1713 = tpu.memref_slice %arg9[%dma_start3A_1712] : memref<81920xf32, #tpu.memory_space<vmem>> -> memref<1024xf32, #tpu.memory_space<vmem>>
      tpu.enqueue_dma source(%dma_start3A_1713 : memref<1024xf32, #tpu.memory_space<vmem>>) target(%dma_start3A_1711 : memref<1024xf32, #tpu.memory_space<hbm>>) target_semaphore(%arg13 : memref<!tpu.dma_semaphore, #tpu.memory_space<semaphore_mem>>)
      %mul3A_1714 = arith.constant 8 : i32
      %mul3A_1715 = arith.muli %rem3A_1695, %mul3A_1714 : i32
      %add3A_1716 = arith.constant 1 : i32
      %add3A_1717 = arith.addi %mul3A_1715, %add3A_1716 : i32
      %mul3A_1718 = arith.constant 128 : i32
      %mul3A_1719 = arith.muli %add3A_1717, %mul3A_1718 : i32
      %add3A_1720 = arith.addi %mul3A_1719, %add3A_1698 : i32
      %mul3A_1721 = arith.constant 1024 : i32
      %mul3A_1722 = arith.muli %add3A_1720, %mul3A_1721 : i32
      %dma_start3A_1723 = arith.constant 74752 : i32
      %dma_start3A_1724 = tpu.memref_slice %arg9[%dma_start3A_1723] : memref<81920xf32, #tpu.memory_space<vmem>> -> memref<1024xf32, #tpu.memory_space<vmem>>
      %dma_start3A_1725 = tpu.memref_slice %arg6[%mul3A_1722] : memref<26214400xf32, #tpu.memory_space<hbm>> -> memref<1024xf32, #tpu.memory_space<hbm>>
      %dma_start3A_1726 = tpu.memref_slice %arg6[%mul3A_1722] : memref<26214400xf32, #tpu.memory_space<hbm>> -> memref<1024xf32, #tpu.memory_space<hbm>>
      %dma_start3A_1727 = arith.constant 74752 : i32
      %dma_start3A_1728 = tpu.memref_slice %arg9[%dma_start3A_1727] : memref<81920xf32, #tpu.memory_space<vmem>> -> memref<1024xf32, #tpu.memory_space<vmem>>
      tpu.enqueue_dma source(%dma_start3A_1728 : memref<1024xf32, #tpu.memory_space<vmem>>) target(%dma_start3A_1726 : memref<1024xf32, #tpu.memory_space<hbm>>) target_semaphore(%arg13 : memref<!tpu.dma_semaphore, #tpu.memory_space<semaphore_mem>>)
      %mul3A_1729 = arith.constant 8 : i32
      %mul3A_1730 = arith.muli %rem3A_1695, %mul3A_1729 : i32
      %add3A_1731 = arith.constant 2 : i32
      %add3A_1732 = arith.addi %mul3A_1730, %add3A_1731 : i32
      %mul3A_1733 = arith.constant 128 : i32
      %mul3A_1734 = arith.muli %add3A_1732, %mul3A_1733 : i32
      %add3A_1735 = arith.addi %mul3A_1734, %add3A_1698 : i32
      %mul3A_1736 = arith.constant 1024 : i32
      %mul3A_1737 = arith.muli %add3A_1735, %mul3A_1736 : i32
      %dma_start3A_1738 = arith.constant 75776 : i32
      %dma_start3A_1739 = tpu.memref_slice %arg9[%dma_start3A_1738] : memref<81920xf32, #tpu.memory_space<vmem>> -> memref<1024xf32, #tpu.memory_space<vmem>>
      %dma_start3A_1740 = tpu.memref_slice %arg6[%mul3A_1737] : memref<26214400xf32, #tpu.memory_space<hbm>> -> memref<1024xf32, #tpu.memory_space<hbm>>
      %dma_start3A_1741 = tpu.memref_slice %arg6[%mul3A_1737] : memref<26214400xf32, #tpu.memory_space<hbm>> -> memref<1024xf32, #tpu.memory_space<hbm>>
      %dma_start3A_1742 = arith.constant 75776 : i32
      %dma_start3A_1743 = tpu.memref_slice %arg9[%dma_start3A_1742] : memref<81920xf32, #tpu.memory_space<vmem>> -> memref<1024xf32, #tpu.memory_space<vmem>>
      tpu.enqueue_dma source(%dma_start3A_1743 : memref<1024xf32, #tpu.memory_space<vmem>>) target(%dma_start3A_1741 : memref<1024xf32, #tpu.memory_space<hbm>>) target_semaphore(%arg13 : memref<!tpu.dma_semaphore, #tpu.memory_space<semaphore_mem>>)
      %mul3A_1744 = arith.constant 8 : i32
      %mul3A_1745 = arith.muli %rem3A_1695, %mul3A_1744 : i32
      %add3A_1746 = arith.constant 3 : i32
      %add3A_1747 = arith.addi %mul3A_1745, %add3A_1746 : i32
      %mul3A_1748 = arith.constant 128 : i32
      %mul3A_1749 = arith.muli %add3A_1747, %mul3A_1748 : i32
      %add3A_1750 = arith.addi %mul3A_1749, %add3A_1698 : i32
      %mul3A_1751 = arith.constant 1024 : i32
      %mul3A_1752 = arith.muli %add3A_1750, %mul3A_1751 : i32
      %dma_start3A_1753 = arith.constant 76800 : i32
      %dma_start3A_1754 = tpu.memref_slice %arg9[%dma_start3A_1753] : memref<81920xf32, #tpu.memory_space<vmem>> -> memref<1024xf32, #tpu.memory_space<vmem>>
      %dma_start3A_1755 = tpu.memref_slice %arg6[%mul3A_1752] : memref<26214400xf32, #tpu.memory_space<hbm>> -> memref<1024xf32, #tpu.memory_space<hbm>>
      %dma_start3A_1756 = tpu.memref_slice %arg6[%mul3A_1752] : memref<26214400xf32, #tpu.memory_space<hbm>> -> memref<1024xf32, #tpu.memory_space<hbm>>
      %dma_start3A_1757 = arith.constant 76800 : i32
      %dma_start3A_1758 = tpu.memref_slice %arg9[%dma_start3A_1757] : memref<81920xf32, #tpu.memory_space<vmem>> -> memref<1024xf32, #tpu.memory_space<vmem>>
      tpu.enqueue_dma source(%dma_start3A_1758 : memref<1024xf32, #tpu.memory_space<vmem>>) target(%dma_start3A_1756 : memref<1024xf32, #tpu.memory_space<hbm>>) target_semaphore(%arg13 : memref<!tpu.dma_semaphore, #tpu.memory_space<semaphore_mem>>)
      %mul3A_1759 = arith.constant 8 : i32
      %mul3A_1760 = arith.muli %rem3A_1695, %mul3A_1759 : i32
      %add3A_1761 = arith.constant 4 : i32
      %add3A_1762 = arith.addi %mul3A_1760, %add3A_1761 : i32
      %mul3A_1763 = arith.constant 128 : i32
      %mul3A_1764 = arith.muli %add3A_1762, %mul3A_1763 : i32
      %add3A_1765 = arith.addi %mul3A_1764, %add3A_1698 : i32
      %mul3A_1766 = arith.constant 1024 : i32
      %mul3A_1767 = arith.muli %add3A_1765, %mul3A_1766 : i32
      %dma_start3A_1768 = arith.constant 77824 : i32
      %dma_start3A_1769 = tpu.memref_slice %arg9[%dma_start3A_1768] : memref<81920xf32, #tpu.memory_space<vmem>> -> memref<1024xf32, #tpu.memory_space<vmem>>
      %dma_start3A_1770 = tpu.memref_slice %arg6[%mul3A_1767] : memref<26214400xf32, #tpu.memory_space<hbm>> -> memref<1024xf32, #tpu.memory_space<hbm>>
      %dma_start3A_1771 = tpu.memref_slice %arg6[%mul3A_1767] : memref<26214400xf32, #tpu.memory_space<hbm>> -> memref<1024xf32, #tpu.memory_space<hbm>>
      %dma_start3A_1772 = arith.constant 77824 : i32
      %dma_start3A_1773 = tpu.memref_slice %arg9[%dma_start3A_1772] : memref<81920xf32, #tpu.memory_space<vmem>> -> memref<1024xf32, #tpu.memory_space<vmem>>
      tpu.enqueue_dma source(%dma_start3A_1773 : memref<1024xf32, #tpu.memory_space<vmem>>) target(%dma_start3A_1771 : memref<1024xf32, #tpu.memory_space<hbm>>) target_semaphore(%arg13 : memref<!tpu.dma_semaphore, #tpu.memory_space<semaphore_mem>>)
      %mul3A_1774 = arith.constant 8 : i32
      %mul3A_1775 = arith.muli %rem3A_1695, %mul3A_1774 : i32
      %add3A_1776 = arith.constant 5 : i32
      %add3A_1777 = arith.addi %mul3A_1775, %add3A_1776 : i32
      %mul3A_1778 = arith.constant 128 : i32
      %mul3A_1779 = arith.muli %add3A_1777, %mul3A_1778 : i32
      %add3A_1780 = arith.addi %mul3A_1779, %add3A_1698 : i32
      %mul3A_1781 = arith.constant 1024 : i32
      %mul3A_1782 = arith.muli %add3A_1780, %mul3A_1781 : i32
      %dma_start3A_1783 = arith.constant 78848 : i32
      %dma_start3A_1784 = tpu.memref_slice %arg9[%dma_start3A_1783] : memref<81920xf32, #tpu.memory_space<vmem>> -> memref<1024xf32, #tpu.memory_space<vmem>>
      %dma_start3A_1785 = tpu.memref_slice %arg6[%mul3A_1782] : memref<26214400xf32, #tpu.memory_space<hbm>> -> memref<1024xf32, #tpu.memory_space<hbm>>
      %dma_start3A_1786 = tpu.memref_slice %arg6[%mul3A_1782] : memref<26214400xf32, #tpu.memory_space<hbm>> -> memref<1024xf32, #tpu.memory_space<hbm>>
      %dma_start3A_1787 = arith.constant 78848 : i32
      %dma_start3A_1788 = tpu.memref_slice %arg9[%dma_start3A_1787] : memref<81920xf32, #tpu.memory_space<vmem>> -> memref<1024xf32, #tpu.memory_space<vmem>>
      tpu.enqueue_dma source(%dma_start3A_1788 : memref<1024xf32, #tpu.memory_space<vmem>>) target(%dma_start3A_1786 : memref<1024xf32, #tpu.memory_space<hbm>>) target_semaphore(%arg13 : memref<!tpu.dma_semaphore, #tpu.memory_space<semaphore_mem>>)
      %mul3A_1789 = arith.constant 8 : i32
      %mul3A_1790 = arith.muli %rem3A_1695, %mul3A_1789 : i32
      %add3A_1791 = arith.constant 6 : i32
      %add3A_1792 = arith.addi %mul3A_1790, %add3A_1791 : i32
      %mul3A_1793 = arith.constant 128 : i32
      %mul3A_1794 = arith.muli %add3A_1792, %mul3A_1793 : i32
      %add3A_1795 = arith.addi %mul3A_1794, %add3A_1698 : i32
      %mul3A_1796 = arith.constant 1024 : i32
      %mul3A_1797 = arith.muli %add3A_1795, %mul3A_1796 : i32
      %dma_start3A_1798 = arith.constant 79872 : i32
      %dma_start3A_1799 = tpu.memref_slice %arg9[%dma_start3A_1798] : memref<81920xf32, #tpu.memory_space<vmem>> -> memref<1024xf32, #tpu.memory_space<vmem>>
      %dma_start3A_1800 = tpu.memref_slice %arg6[%mul3A_1797] : memref<26214400xf32, #tpu.memory_space<hbm>> -> memref<1024xf32, #tpu.memory_space<hbm>>
      %dma_start3A_1801 = tpu.memref_slice %arg6[%mul3A_1797] : memref<26214400xf32, #tpu.memory_space<hbm>> -> memref<1024xf32, #tpu.memory_space<hbm>>
      %dma_start3A_1802 = arith.constant 79872 : i32
      %dma_start3A_1803 = tpu.memref_slice %arg9[%dma_start3A_1802] : memref<81920xf32, #tpu.memory_space<vmem>> -> memref<1024xf32, #tpu.memory_space<vmem>>
      tpu.enqueue_dma source(%dma_start3A_1803 : memref<1024xf32, #tpu.memory_space<vmem>>) target(%dma_start3A_1801 : memref<1024xf32, #tpu.memory_space<hbm>>) target_semaphore(%arg13 : memref<!tpu.dma_semaphore, #tpu.memory_space<semaphore_mem>>)
      %mul3A_1804 = arith.constant 8 : i32
      %mul3A_1805 = arith.muli %rem3A_1695, %mul3A_1804 : i32
      %add3A_1806 = arith.constant 7 : i32
      %add3A_1807 = arith.addi %mul3A_1805, %add3A_1806 : i32
      %mul3A_1808 = arith.constant 128 : i32
      %mul3A_1809 = arith.muli %add3A_1807, %mul3A_1808 : i32
      %add3A_1810 = arith.addi %mul3A_1809, %add3A_1698 : i32
      %mul3A_1811 = arith.constant 1024 : i32
      %mul3A_1812 = arith.muli %add3A_1810, %mul3A_1811 : i32
      %dma_start3A_1813 = arith.constant 80896 : i32
      %dma_start3A_1814 = tpu.memref_slice %arg9[%dma_start3A_1813] : memref<81920xf32, #tpu.memory_space<vmem>> -> memref<1024xf32, #tpu.memory_space<vmem>>
      %dma_start3A_1815 = tpu.memref_slice %arg6[%mul3A_1812] : memref<26214400xf32, #tpu.memory_space<hbm>> -> memref<1024xf32, #tpu.memory_space<hbm>>
      %dma_start3A_1816 = tpu.memref_slice %arg6[%mul3A_1812] : memref<26214400xf32, #tpu.memory_space<hbm>> -> memref<1024xf32, #tpu.memory_space<hbm>>
      %dma_start3A_1817 = arith.constant 80896 : i32
      %dma_start3A_1818 = tpu.memref_slice %arg9[%dma_start3A_1817] : memref<81920xf32, #tpu.memory_space<vmem>> -> memref<1024xf32, #tpu.memory_space<vmem>>
      tpu.enqueue_dma source(%dma_start3A_1818 : memref<1024xf32, #tpu.memory_space<vmem>>) target(%dma_start3A_1816 : memref<1024xf32, #tpu.memory_space<hbm>>) target_semaphore(%arg13 : memref<!tpu.dma_semaphore, #tpu.memory_space<semaphore_mem>>)
    }
    %scan3A_272 = arith.constant 10 : i32
    %dma_wait3A = arith.constant 0 : i32
    %dma_wait3A_273 = tpu.memref_slice %arg9[%dma_wait3A] : memref<81920xf32, #tpu.memory_space<vmem>> -> memref<40960xf32, #tpu.memory_space<vmem>>
    %dma_wait3A_274 = arith.constant 0 : i32
    %dma_wait3A_275 = tpu.memref_slice %arg6[%dma_wait3A_274] : memref<26214400xf32, #tpu.memory_space<hbm>> -> memref<40960xf32, #tpu.memory_space<hbm>>
    %dma_wait3A_276 = arith.constant 0 : i32
    %dma_wait3A_277 = tpu.memref_slice %arg9[%dma_wait3A_276] : memref<81920xf32, #tpu.memory_space<vmem>> -> memref<40960xf32, #tpu.memory_space<vmem>>
    %dma_wait3A_278 = arith.constant 0 : i32
    %dma_wait3A_279 = tpu.memref_slice %arg6[%dma_wait3A_278] : memref<26214400xf32, #tpu.memory_space<hbm>> -> memref<40960xf32, #tpu.memory_space<hbm>>
    tpu.wait_dma2 semaphore(%arg12 : memref<!tpu.dma_semaphore, #tpu.memory_space<semaphore_mem>>) src(%dma_wait3A_279 : memref<40960xf32, #tpu.memory_space<hbm>>) dst(%dma_wait3A_277 : memref<40960xf32, #tpu.memory_space<vmem>>)
    %dma_wait3A_280 = arith.constant 0 : i32
    %dma_wait3A_281 = tpu.memref_slice %arg8[%dma_wait3A_280] : memref<10240xi32, #tpu.memory_space<vmem>> -> memref<5120xi32, #tpu.memory_space<vmem>>
    %dma_wait3A_282 = arith.constant 0 : i32
    %dma_wait3A_283 = tpu.memref_slice %arg2[%dma_wait3A_282] : memref<3276800xi32, #tpu.memory_space<hbm>> -> memref<5120xi32, #tpu.memory_space<hbm>>
    %dma_wait3A_284 = arith.constant 0 : i32
    %dma_wait3A_285 = tpu.memref_slice %arg8[%dma_wait3A_284] : memref<10240xi32, #tpu.memory_space<vmem>> -> memref<5120xi32, #tpu.memory_space<vmem>>
    %dma_wait3A_286 = arith.constant 0 : i32
    %dma_wait3A_287 = tpu.memref_slice %arg2[%dma_wait3A_286] : memref<3276800xi32, #tpu.memory_space<hbm>> -> memref<5120xi32, #tpu.memory_space<hbm>>
    tpu.wait_dma2 semaphore(%arg10 : memref<!tpu.dma_semaphore, #tpu.memory_space<semaphore_mem>>) src(%dma_wait3A_287 : memref<5120xi32, #tpu.memory_space<hbm>>) dst(%dma_wait3A_285 : memref<5120xi32, #tpu.memory_space<vmem>>)
    %dma_wait3A_288 = arith.constant 40960 : i32
    %dma_wait3A_289 = tpu.memref_slice %arg9[%dma_wait3A_288] : memref<81920xf32, #tpu.memory_space<vmem>> -> memref<40960xf32, #tpu.memory_space<vmem>>
    %dma_wait3A_290 = arith.constant 0 : i32
    %dma_wait3A_291 = tpu.memref_slice %arg6[%dma_wait3A_290] : memref<26214400xf32, #tpu.memory_space<hbm>> -> memref<40960xf32, #tpu.memory_space<hbm>>
    %dma_wait3A_292 = arith.constant 40960 : i32
    %dma_wait3A_293 = tpu.memref_slice %arg9[%dma_wait3A_292] : memref<81920xf32, #tpu.memory_space<vmem>> -> memref<40960xf32, #tpu.memory_space<vmem>>
    %dma_wait3A_294 = arith.constant 0 : i32
    %dma_wait3A_295 = tpu.memref_slice %arg6[%dma_wait3A_294] : memref<26214400xf32, #tpu.memory_space<hbm>> -> memref<40960xf32, #tpu.memory_space<hbm>>
    tpu.wait_dma2 semaphore(%arg13 : memref<!tpu.dma_semaphore, #tpu.memory_space<semaphore_mem>>) src(%dma_wait3A_295 : memref<40960xf32, #tpu.memory_space<hbm>>) dst(%dma_wait3A_293 : memref<40960xf32, #tpu.memory_space<vmem>>)
    %dma_wait3A_296 = arith.constant 5120 : i32
    %dma_wait3A_297 = tpu.memref_slice %arg8[%dma_wait3A_296] : memref<10240xi32, #tpu.memory_space<vmem>> -> memref<5120xi32, #tpu.memory_space<vmem>>
    %dma_wait3A_298 = arith.constant 0 : i32
    %dma_wait3A_299 = tpu.memref_slice %arg2[%dma_wait3A_298] : memref<3276800xi32, #tpu.memory_space<hbm>> -> memref<5120xi32, #tpu.memory_space<hbm>>
    %dma_wait3A_300 = arith.constant 5120 : i32
    %dma_wait3A_301 = tpu.memref_slice %arg8[%dma_wait3A_300] : memref<10240xi32, #tpu.memory_space<vmem>> -> memref<5120xi32, #tpu.memory_space<vmem>>
    %dma_wait3A_302 = arith.constant 0 : i32
    %dma_wait3A_303 = tpu.memref_slice %arg2[%dma_wait3A_302] : memref<3276800xi32, #tpu.memory_space<hbm>> -> memref<5120xi32, #tpu.memory_space<hbm>>
    tpu.wait_dma2 semaphore(%arg11 : memref<!tpu.dma_semaphore, #tpu.memory_space<semaphore_mem>>) src(%dma_wait3A_303 : memref<5120xi32, #tpu.memory_space<hbm>>) dst(%dma_wait3A_301 : memref<5120xi32, #tpu.memory_space<vmem>>)
    return
  }
}

</mosaic_0001>

<sc_bundles>
// kernel: kernel.3.cloned.1.call-start
scs
__scs_entry_jumppad:
0x0: {  	(pc) =	sbr.rel $0x88, $3  }
0x1: {  	(tag) =	ssettag $0x0;
	lr =	simm.s32 $0x1  }
0x2: {  	[smem:$0x3F9D] =	sst lr;
	_ =	strace $0xD0000000  }
0x3: {  	_ = 	snop  }
0x4: {  	_ = 	snop  }
0x5: {  	_ = 	snop  }
0x6: {  	_ = 	snop  }
0x7: {  	_ = 	snop  }
__scs_overlays_trampoline_lowered:
0x8: {  	[smem:$0x3FAC] =	sst s0  }
0x9: {  	[smem:$0x3FAD] =	sst s1  }
0xa: {  	[smem:$0x3FAE] =	sst s2  }
0xb: {  	[smem:$0x3FAF] =	sst s3  }
0xc: {  	[smem:$0x3FB0] =	sst s4  }
0xd: {  	[smem:$0x3FB1] =	sst s5  }
0xe: {  	[smem:$0x3FB2] =	sst s6  }
0xf: {  	[smem:$0x3FB3] =	sst s7  }
0x10: {  	[smem:$0x3FB4] =	sst s8  }
0x11: {  	[smem:$0x3FB5] =	sst s9;
	s0 =	simm.s32 @!p0 $0x0  }
0x12: {  	s1 =	sld [smem:$0x3F9B];
	s0 =	simm.s32 @p0 $0x1  }
0x13: {  	[smem:$0x3FB6] =	sst s0;
	s0 =	simm.s32 @!p1 $0x0  }
0x14: {  	s2 =	sld [smem:$0x3F9A];
	s0 =	simm.s32 @p1 $0x1  }
0x15: {  	[smem:$0x3FB7] =	sst s0;
	s0 =	simm.s32 @!p2 $0x0  }
0x16: {  	s3 =	sld [smem:$0x3FDB];
	s0 =	simm.s32 @p2 $0x1  }
0x17: {  	s4 =	simm.s32 $0x1BF5;
	[smem:$0x3FB9] =	sst s0  }
0x18: {  	s0 =	sld [smem:$0x3F9C];
	_ =	swait.ge [sflag:s4], $0x0  }
0x19: {  	s7 =	sld [smem:$0x3F9D]  }
0x1a: {  	s8 =	sadd.s32 $0xFFFFE003, lr  }
0x1b: {  	s9 =	sadd.s32 $0xFFFFFEF7, lr;
	s5 =	simm.s32 $0xFFFFFFFF;
	p2 =	slt.u32 s8, $0xFFFFF086  }
0x1c: {  	p1 =	slt.u32 s9, $0xF7A;
	s5 =	simm.s32 @!p2 $0x0  }
0x1d: {  	s5 =	simm.s32 @p1 $0x1;
	p0 =	seq.s32 s7, s2  }
0x1e: {  	s7 =	smul.u32 @!p0 $0xF7A, s2;
	p2 =	seq.s32 @!p0 s5, $0x0  }
0x1f: {  	s9 =	smul.u32 $0xF7A, s1;
	s8 =	simm.s32 @!p0 $0x1BF5;
	p2 =	por !p2, p0  }
0x20: {  	[sflag:s8] =	ssyncset.s32 @!p0 $0xFFFFF086;
	s6 =	sadd.s32 @!p0 s3, s7;
	s7 =	simm.s32 @!p0 $0x108  }
0x21: {  	s3 =	sadd.s32 s3, s9;
	s6 =	sadd.s32 @!p0 $0x88, s6;
	s7 =	simm.s32 @p2 $0x1082  }
0x22: {  	[simem:s7], [sflag:s8] =	dma.local @!p0 [hbm:s6], $0xF7A  }
0x23: {  	s9 =	sor.u32 $0xD0000000, s2;
	s6 =	simm.s32 $0x108;
	_ =	swait.ge @!p0 [sflag:s8], $0x0  }
0x24: {  	s3 =	sadd.s32 $0x88, s3;
	s6 =	simm.s32 @!p1 $0x1082;
	[sflag:s4] =	ssyncset.s32 $0xFFFFF086  }
0x25: {  	[simem:s6], [sflag:s4] =	dma.local [hbm:s3], $0xF7A  }
0x26: {  	[smem:$0x3F9D] =	sst s1;
	(tag) =	ssettag s2;
	_ =	strace s9  }
0x27: {  	s1 =	sld [smem:$0x3FAD]  }
0x28: {  	s2 =	sld [smem:$0x3FAE]  }
0x29: {  	s4 =	sld [smem:$0x3FB0]  }
0x2a: {  	p0 =	seq.s32 s5, $0x0;
	s5 =	sld [smem:$0x3FB1]  }
0x2b: {  	s6 =	sld [smem:$0x3FB2]  }
0x2c: {  	s7 =	sld [smem:$0x3FB3]  }
0x2d: {  	s3 =	simm.s32 $0x108;
	s8 =	sld [smem:$0x3FB4]  }
0x2e: {  	s3 =	simm.s32 @!p0 $0x1082;
	s9 =	sld [smem:$0x3FB5]  }
0x2f: {  	lr =	sadd.s32 s0, s3;
	s0 =	sld [smem:$0x3FAC]  }
0x30: {  	s3 =	sld [smem:$0x3FAF]  }
0x31: {  	[smem:$0x3FB8] =	sst s10  }
0x32: {  	s10 =	sld [smem:$0x3FB6];
	_ =	sdelay $0x3  }
0x33: {  	p0 =	seq.s32 s10, $0x1;
	s10 =	sld [smem:$0x3FB8];
	_ =	sdelay $0x3  }
0x34: {  	[smem:$0x3FB8] =	sst s10  }
0x35: {  	s10 =	sld [smem:$0x3FB7];
	_ =	sdelay $0x3  }
0x36: {  	p1 =	seq.s32 s10, $0x1;
	s10 =	sld [smem:$0x3FB8];
	_ =	sdelay $0x3  }
0x37: {  	[smem:$0x3FB8] =	sst s10  }
0x38: {  	s10 =	sld [smem:$0x3FB9]  }
0x39: {  	_ = 	snop;
	(pc) =	sbr.ind lr, $3  }
0x3a: {  	_ = 	snop  }
0x3b: {  	_ = 	snop  }
0x3c: {  	p2 =	seq.s32 s10, $0x1;
	s10 =	sld [smem:$0x3FB8]  }
0x3d: {  	_ =	shalt  }
0x3e: {  	_ =	shalt  }
0x3f: {  	_ =	shalt  }
0x40: {  	_ =	shalt  }
0x41: {  	_ =	shalt  }
0x42: {  	_ =	shalt  }
0x43: {  	_ =	shalt  }
0x44: {  	_ =	shalt  }
0x45: {  	_ =	shalt  }
0x46: {  	_ =	shalt  }
0x47: {  	_ =	shalt  }
0x48: {  	_ =	shalt  }
0x49: {  	_ =	shalt  }
0x4a: {  	_ =	shalt  }
0x4b: {  	_ =	shalt  }
0x4c: {  	_ =	shalt  }
0x4d: {  	_ =	shalt  }
0x4e: {  	_ =	shalt  }
0x4f: {  	_ =	shalt  }
0x50: {  	_ =	shalt  }
0x51: {  	_ =	shalt  }
0x52: {  	_ =	shalt  }
0x53: {  	_ =	shalt  }
0x54: {  	_ =	shalt  }
0x55: {  	_ =	shalt  }
0x56: {  	_ =	shalt  }
0x57: {  	_ =	shalt  }
0x58: {  	_ =	shalt  }
0x59: {  	_ =	shalt  }
0x5a: {  	_ =	shalt  }
0x5b: {  	_ =	shalt  }
0x5c: {  	_ =	shalt  }
0x5d: {  	_ =	shalt  }
0x5e: {  	_ =	shalt  }
0x5f: {  	_ =	shalt  }
0x60: {  	_ =	shalt  }
0x61: {  	_ =	shalt  }
0x62: {  	_ =	shalt  }
0x63: {  	_ =	shalt  }
0x64: {  	_ =	shalt  }
0x65: {  	_ =	shalt  }
0x66: {  	_ =	shalt  }
0x67: {  	_ =	shalt  }
0x68: {  	_ =	shalt  }
0x69: {  	_ =	shalt  }
0x6a: {  	_ =	shalt  }
0x6b: {  	_ =	shalt  }
0x6c: {  	_ =	shalt  }
0x6d: {  	_ =	shalt  }
0x6e: {  	_ =	shalt  }
0x6f: {  	_ =	shalt  }
0x70: {  	_ =	shalt  }
0x71: {  	_ =	shalt  }
0x72: {  	_ =	shalt  }
0x73: {  	_ =	shalt  }
0x74: {  	_ =	shalt  }
0x75: {  	_ =	shalt  }
0x76: {  	_ =	shalt  }
0x77: {  	_ =	shalt  }
0x78: {  	_ =	shalt  }
0x79: {  	_ =	shalt  }
0x7a: {  	_ =	shalt  }
0x7b: {  	_ =	shalt  }
0x7c: {  	_ =	shalt  }
0x7d: {  	_ =	shalt  }
0x7e: {  	_ =	shalt  }
0x7f: {  	_ =	shalt  }
0x80: {  	_ =	shalt  }
0x81: {  	_ =	shalt  }
0x82: {  	_ =	shalt  }
0x83: {  	_ =	shalt  }
0x84: {  	_ =	shalt  }
0x85: {  	_ =	shalt  }
0x86: {  	_ =	shalt  }
0x87: {  	_ =	shalt  }
.Lfunc_end0:
.L_simem_size_0:
called_computation_lowered:
.L_overlay_start_0:
0x88: {  	s2 =	sld [smem:$0x3FD9]  }
0x89: {  	s3 =	sld [smem:$0x3FFE];
	_ =	sdelay $0x1  }
0x8a: {  	s1 =	srdreg.scid  }
0x8b: {  	s0 =	sand.u32 $0x1, s1  }
0x8c: {  	s17 =	sshll.u32 s0, $0xA;
	s2 =	sadd.s32 s3, s2  }
0x8d: {  	s2 =	sadd.s32 s2, s17  }
0x8e: {  	[smem:$0x3FC4] =	sst s2  }
0x8f: {  	_ = 	snop  }
0x90: {  	s2 =	sld [smem:$0x3FC9]  }
0x91: {  	s18 =	sld [smem:$0x3FD0];
	(tm) =	ssettm $0x1  }
0x92: {  	s4 =	sld [smem:$0x3FFB];
	_ =	sdelay $0x3  }
0x93: {  	_ =	strace s4  }
0x94: {  	s4 =	sld [smem:$0x3FFC];
	_ =	sdelay $0x3  }
0x95: {  	_ =	strace s4  }
0x96: {  	s4 =	sld [smem:$0x3FFD];
	_ =	sdelay $0x3  }
0x97: {  	_ =	strace s4  }
0x98: {  	_ =	strace $0x8FFFFFFF  }
0x99: {  	s19 =	sld [smem:$0x3FDB];
	_ =	sdelay $0x1  }
0x9a: {  	s5 =	simm.s32 $_scs_section_size  }
0x9b: {  	s6 =	simm.s32 $_size__tile_overlayer_lowered;
	s7 =	simm.s32 $_tile_overlayer_lowered  }
0x9c: {  	s22 =	simm.s32 $0x1BFF;
	s21 =	sshll.u32 s7, $0x1;
	s4 =	sadd.s32 s5, s19  }
0x9d: {  	s8 =	simm.s32 $0x0;
	s20 =	sshll.u32 s6, $0x1;
	s6 =	sadd.s32 s21, s4  }
0x9e: {  	[timem:s8], [sflag:s22] =	dma.local [hbm:s6], s20  }
0x9f: {  	_ =	swait.ge [sflag:s22], s20  }
0xa0: {  	s5 =	ssub.s32 $0x0, s20;
	[sflag:s22] =	ssyncset.done $0x0  }
0xa1: {  	[sflag:s22] =	ssyncadd.s32 s5;
	_ =	sdelay $0x1  }
0xa2: {  	s23 =	simm.s32 $0x1B8B  }
0xa3: {  	_ =	swait.ge [sflag:s23], $0x1  }
0xa4: {  	[sflag:s23] =	ssyncset.done $0x0  }
0xa5: {  	s25 =	simm.s32 $0x1B8E;
	s24 =	sld [smem:$0x3FFE];
	[sflag:s23] =	ssyncadd.s32 $0xFFFFFFFF  }
0xa6: {  	s26 =	simm.s32 $execute0_lowered;
	[smem:$0x3FD2] =	sst s25  }
0xa7: {  	s6 =	sshll.u32 s26, $0x1;
	_ =	strace $0x80000046;
	[dreg:$0x1] =	wrdreg $0xFFFFFFFF  }
0xa8: {  	s28 =	simm.s32 $_size_execute0_lowered;
	s4 =	sadd.s32 s4, s6;
	[dreg:$0x0] =	wrdreg $0x0  }
0xa9: {  	s6 =	sshll.u32 s28, $0x1;
	[dreg:$0x2] =	wrdreg s4  }
0xaa: {  	[dreg:$0x3] =	wrdreg s6  }
0xab: {  	[dreg:$0x4] =	wrdreg $0xC0  }
0xac: {  	_ =	task [dreg:s8], $0x5FFFF  }
0xad: {  	[dreg:$0x1] =	wrdreg $0xFFFFFFFF  }
0xae: {  	[dreg:$0x0] =	wrdreg $0x60  }
0xaf: {  	[dreg:$0x2] =	wrdreg s2  }
0xb0: {  	[dreg:$0x3] =	wrdreg s24  }
0xb1: {  	[dreg:$0x4] =	wrdreg s18  }
0xb2: {  	[dreg:$0x5] =	wrdreg $0x9  }
0xb3: {  	_ =	task.clear_ibuf [dreg:s8], $0x6FFFF;
	_ =	strace $0x90000046  }
0xb4: {  	s29 =	simm.s32 $0x9;
	_ =	strace $0x80000048  }
0xb5: {  	_ =	swait.ge [sflag:s29], $0x1  }
0xb6: {  	[sflag:s29] =	ssyncadd.s32 $0xFFFFFFFF  }
0xb7: {  	_ =	strace $0x90000048  }
0xb8: {  	_ =	sfence  }
0xb9: {  	s30 =	sld [smem:$0x0];
	_ =	sdelay $0x2  }
0xba: {  	s31 =	sshll.u32 s1, $0xD;
	s1 =	sshrl.u32 s1, $0x2  }
0xbb: {  	s3 =	sand.u32 $0x4000, s31;
	s1 =	sadd.s32 s1, s30  }
0xbc: {  	s0 =	sor.u32 s3, s0;
	s1 =	sshll.u32 s1, $0x11  }
0xbd: {  	s0 =	sor.u32 s1, s0  }
0xbe: {  	s0 =	sadd.s32 $0x8F2B, s0  }
0xbf: {  	[sflag:s0] =	ssyncadd.remote.s32 $0x1  }
0xc0: {  	_ =	sfence.sel $0xFFFF  }
0xc1: {  	[dreg:$0x0] =	wrdreg $0xFFFFFFFF;
	(pc) =	sbr.abs _section_cstart, $3  }
0xc2: {  	[dreg:$0x1] =	wrdreg $0xFFFFFFFF  }
0xc3: {  	_ =	task.clear_ibuf [dreg:s8], $0x2FFFF;
	_ =	strace $0x9FFFFFFF  }
0xc4: {  	(tm) =	ssettm $0x7FFFFFFF  }
0xc5: {  	_ =	shalt  }
tec
execute0_lowered:
.L_overlay_start_1:
0x0: {  	(tag) =	ssettag $0x1  }
0x1: {  	s1 =	rddreg [dreg:$0x0]  }
0x2: {  	s0 =	rddreg [dreg:$0x1]  }
0x3: {  	s3 =	rddreg [dreg:$0x2];
	s4 =	simm.s32 $0x0;
	s2 =	srdreg.scid  }
0x4: {  	s5 =	stileid.u32;
	s11 =	simm.s32 $0x1;
	s12 =	simm.s32 $0x2  }
0x5: {  	s14 =	simm.s32 $0x14480;
	s30 =	simm.s32 $0x14880;
	s15 =	simm.s32 $0x14C80  }
0x6: {  	s31 =	simm.s32 $0x15080;
	[smem:$0x7FF] =	sst s4;
	s2 =	sand.u32 $0x1, s2  }
0x7: {  	s5 =	sshll.u32 s5, $0x1;
	s6 =	sadd.s32 $0x800, s0;
	s17 =	sadd.s32 $0x400, s0  }
0x8: {  	_ =	strace $0x80000047;
	[dreg:$0x4] =	wrdreg s6;
	s5 =	sor.u32 s2, s5  }
0x9: {  	s0 =	sadd.s32 $0x600, s0;
	[dreg:$0x5] =	wrdreg s17;
	s18 =	sshll.u32 s5, $0x9  }
0xa: {  	s16 =	simm.s32 $0x15480;
	[dreg:$0x6] =	wrdreg s0;
	s6 =	sadd.s32 s1, s18  }
0xb: {  	s2 =	ssub.s32 $0x2, s2;
	s20 =	sadd.s32 $0x4000, s6;
	[dreg:$0x7] =	wrdreg s6  }
0xc: {  	s17 =	simm.s32 $0x15C80;
	s21 =	sadd.s32 $0x8000, s6;
	[dreg:$0x8] =	wrdreg s20  }
0xd: {  	s19 =	sshrl.u32 s2, $0x1;
	s22 =	sadd.s32 $0xC000, s6;
	[dreg:$0x9] =	wrdreg s21  }
0xe: {  	s9 =	sshll.u32 s5, $0x2;
	s23 =	sadd.s32 $0x10000, s6;
	[dreg:$0xa] =	wrdreg s22  }
0xf: {  	v5 =	vlaneseq.u32;
	s0 =	ssub.s32 s2, s19;
	s24 =	sadd.s32 $0x14000, s6;
	[dreg:$0xb] =	wrdreg s23  }
0x10: {  	v0 =	vand.u32 $0x7, v5;
	v2 =	vshrl.u32 v5, $0x3;
	v5 =	vmul.u32 $0x8, v5;
	s19 =	sadd.s32 $0x8000, s3;
	s25 =	sadd.s32 $0x18000, s6;
	[dreg:$0xc] =	wrdreg s24  }
0x11: {  	v1 =	vmul.u32 $0x8, v0;
	s2 =	simm.s32 $0x16080;
	s26 =	sadd.s32 $0x1C000, s6;
	[dreg:$0xd] =	wrdreg s25  }
0x12: {  	v2 =	vmul.u32 $0x8, v2;
	v11 =	vor.u32 $0x1, v5;
	v13 =	vor.u32 $0x3, v5;
	s18 =	simm.s32 $0x16480;
	s28 =	sadd.s32 $0x20000, s6;
	[dreg:$0xe] =	wrdreg s26  }
0x13: {  	v14 =	vor.u32 $0x4, v5;
	v15 =	vor.u32 $0x5, v5;
	v16 =	vor.u32 $0x6, v5;
	s29 =	sadd.s32 $0x24000, s6;
	s0 =	smax.u32 s0, $0x1;
	[dreg:$0xf] =	wrdreg s28  }
0x14: {  	v17 =	vor.u32 $0x7, v5;
	v3 =	vor.u32 $0x1, v1;
	v4 =	vor.u32 $0x2, v1;
	s6 =	simm.s32 $0x0;
	[dreg:$0x10] =	wrdreg s29;
	s20 =	sadd.s32 $0x10000, s3  }
0x15: {  	v6 =	vor.u32 $0x3, v1;
	v7 =	vor.u32 $0x4, v1;
	[tilespmem:$0x1FFE0] =	vst v11;
	v11 =	vor.u32 $0x2, v5;
	s21 =	sadd.s32 $0x18000, s3;
	[dreg:$0x11] =	wrdreg s0;
	s23 =	simm.s32 $0x16880  }
0x16: {  	v8 =	vor.u32 $0x5, v1;
	v9 =	vor.u32 $0x6, v1;
	v10 =	vor.u32 $0x7, v1;
	[tilespmem:$0x1FFF0] =	vst v11;
	s25 =	simm.s32 $0x16900;
	s26 =	simm.s32 $0x16980;
	s0 =	simm.s32 $0x15880  }
.LBB2_1:
0x17: {  	[dreg:$0x12] =	wrdreg s6  }
0x18: {  	s5 =	rddreg [dreg:$0x4];
	s13 =	simm.s32 $0x5  }
0x19: {  	[tilespmem:s23], [sflag:$0x5] =	stream.linear.gather [hbm4b:s5+s4], $0x80, $0x38;
	[tilespmem:$0x16A00] =	vst v63  }
0x1a: {  	_ =	swait.ge [sflag:s13], $0x80  }
0x1b: {  	[sflag:s13] =	ssyncset.done $0x0  }
0x1c: {  	s22 =	rddreg [dreg:$0x5];
	[sflag:s13] =	ssyncadd.s32 $0xFFFFFF80  }
0x1d: {  	[tilespmem:s25], [sflag:$0x5] =	stream.linear.gather [hbm4b:s22+s4], $0x80, $0x38;
	[tilespmem:$0x16A00] =	vst v63  }
0x1e: {  	_ =	swait.ge [sflag:s13], $0x80  }
0x1f: {  	v18 =	vmov s4;
	[sflag:s13] =	ssyncset.done $0x0  }
0x20: {  	v18 =	vshll.u32 v18, $0x3;
	s24 =	rddreg [dreg:$0x6];
	[sflag:s13] =	ssyncadd.s32 $0xFFFFFF80  }
0x21: {  	v18 =	vor.u32 v2, v18;
	[tilespmem:s26], [sflag:$0x5] =	stream.linear.gather [hbm4b:s24+s4], $0x80, $0x38;
	[tilespmem:$0x16A00] =	vst v63  }
0x22: {  	_ =	swait.ge [sflag:s13], $0x80  }
0x23: {  	v19 =	vor.u32 $0x1, v18;
	[sflag:s13] =	ssyncset.done $0x0  }
0x24: {  	[sflag:s13] =	ssyncadd.s32 $0xFFFFFF80  }
0x25: {  	v21 =	vor.u32 $0x2, v18;
	v20 =	vld.idx.msk [tilespmem:v0+s26+$0x0], $0xffff  }
0x26: {  	v22 =	vld.idx.msk [tilespmem:v18+s23+$0x0], $0xffff  }
0x27: {  	v24 =	vor.u32 $0x3, v18;
	v23 =	vld.idx.msk [tilespmem:v1+s25+$0x0], $0xffff  }
0x28: {  	v19 =	vld.idx.msk [tilespmem:v19+s23+$0x0], $0xffff  }
0x29: {  	v26 =	vor.u32 $0x4, v18;
	v25 =	vld.idx.msk [tilespmem:v3+s25+$0x0], $0xffff  }
0x2a: {  	v21 =	vld.idx.msk [tilespmem:v21+s23+$0x0], $0xffff  }
0x2b: {  	v28 =	vor.u32 $0x5, v18;
	v27 =	vld.idx.msk [tilespmem:v4+s25+$0x0], $0xffff  }
0x2c: {  	v24 =	vld.idx.msk [tilespmem:v24+s23+$0x0], $0xffff;
	v22 =	vmul.f32 v23, v22  }
0x2d: {  	v29 =	vor.u32 $0x6, v18;
	v23 =	vld.idx.msk [tilespmem:v6+s25+$0x0], $0xffff  }
0x2e: {  	v26 =	vld.idx.msk [tilespmem:v26+s23+$0x0], $0xffff;
	v19 =	vmul.f32 v25, v19;
	v20 =	vadd.f32 v22, v20  }
0x2f: {  	v18 =	vor.u32 $0x7, v18;
	v22 =	vld.idx.msk [tilespmem:v7+s25+$0x0], $0xffff  }
0x30: {  	v54 =	vld.idx.msk [tilespmem:v28+s23+$0x0], $0xffff;
	v19 =	vadd.f32 v19, v20;
	v20 =	vmul.f32 v27, v21  }
0x31: {  	v21 =	vld.idx.msk [tilespmem:v8+s25+$0x0], $0xffff  }
0x32: {  	v55 =	vld.idx.msk [tilespmem:v29+s23+$0x0], $0xffff;
	v19 =	vadd.f32 v20, v19;
	v20 =	vmul.f32 v23, v24  }
0x33: {  	v23 =	vld.idx.msk [tilespmem:v9+s25+$0x0], $0xffff  }
0x34: {  	v18 =	vld.idx.msk [tilespmem:v18+s23+$0x0], $0xffff;
	v19 =	vadd.f32 v20, v19;
	v20 =	vmul.f32 v22, v26  }
0x35: {  	v22 =	vld.idx.msk [tilespmem:v10+s25+$0x0], $0xffff  }
0x36: {  	v19 =	vadd.f32 v20, v19;
	v20 =	vmul.f32 v21, v54;
	_ =	sdelay $0x1  }
0x37: {  	s28 =	simm.s32 $0x2;
	v19 =	vadd.f32 v20, v19;
	v20 =	vmul.f32 v23, v55  }
0x38: {  	v21 =	vmov s28  }
0x39: {  	v21 =	vshll.u32 v21, $0x3;
	v18 =	vmul.f32 v22, v18;
	v19 =	vadd.f32 v20, v19  }
0x3a: {  	v20 =	vor.u32 v2, v21  }
0x3b: {  	v18 =	vadd.f32 v18, v19;
	_ =	sdelay $0x1  }
0x3c: {  	v19 =	vor.u32 $0x1, v20;
	[tilespmem:s4+$0x0] =	vst v18  }
0x3d: {  	v18 =	vld.idx.msk [tilespmem:v0+s26+$0x0], $0xffff  }
0x3e: {  	v21 =	vor.u32 $0x2, v20;
	v22 =	vld.idx.msk [tilespmem:v20+s23+$0x0], $0xffff  }
0x3f: {  	v56 =	vor.u32 $0x3, v20;
	v23 =	vld.idx.msk [tilespmem:v1+s25+$0x0], $0xffff  }
0x40: {  	v57 =	vld.idx.msk [tilespmem:v3+s25+$0x0], $0xffff  }
0x41: {  	v58 =	vor.u32 $0x4, v20;
	v19 =	vld.idx.msk [tilespmem:v19+s23+$0x0], $0xffff  }
0x42: {  	v59 =	vld.idx.msk [tilespmem:v4+s25+$0x0], $0xffff  }
0x43: {  	v60 =	vor.u32 $0x5, v20;
	v21 =	vld.idx.msk [tilespmem:v21+s23+$0x0], $0xffff  }
0x44: {  	v24 =	vld.idx.msk [tilespmem:v56+s23+$0x0], $0xffff;
	v22 =	vmul.f32 v23, v22  }
0x45: {  	v61 =	vor.u32 $0x6, v20;
	v23 =	vld.idx.msk [tilespmem:v6+s25+$0x0], $0xffff  }
0x46: {  	v26 =	vld.idx.msk [tilespmem:v58+s23+$0x0], $0xffff;
	v18 =	vadd.f32 v22, v18;
	v19 =	vmul.f32 v57, v19  }
0x47: {  	v20 =	vor.u32 $0x7, v20;
	v22 =	vld.idx.msk [tilespmem:v7+s25+$0x0], $0xffff  }
0x48: {  	v62 =	vld.idx.msk [tilespmem:v60+s23+$0x0], $0xffff;
	v18 =	vadd.f32 v19, v18;
	v19 =	vmul.f32 v59, v21  }
0x49: {  	v21 =	vld.idx.msk [tilespmem:v8+s25+$0x0], $0xffff  }
0x4a: {  	v63 =	vld.idx.msk [tilespmem:v61+s23+$0x0], $0xffff;
	v18 =	vadd.f32 v19, v18;
	v19 =	vmul.f32 v23, v24  }
0x4b: {  	v23 =	vld.idx.msk [tilespmem:v9+s25+$0x0], $0xffff  }
0x4c: {  	v20 =	vld.idx.msk [tilespmem:v20+s23+$0x0], $0xffff;
	v18 =	vadd.f32 v19, v18;
	v19 =	vmul.f32 v22, v26  }
0x4d: {  	v22 =	vld.idx.msk [tilespmem:v10+s25+$0x0], $0xffff  }
0x4e: {  	v18 =	vadd.f32 v19, v18;
	v19 =	vmul.f32 v21, v62;
	_ =	sdelay $0x1  }
0x4f: {  	s29 =	simm.s32 $0x4;
	v21 =	vmul.f32 v23, v63;
	v19 =	vadd.f32 v19, v18  }
0x50: {  	v18 =	vmov s29  }
0x51: {  	s6 =	simm.s32 $0x6;
	s5 =	simm.s32 $0x0;
	v18 =	vshll.u32 v18, $0x3;
	v20 =	vmul.f32 v22, v20;
	v19 =	vadd.f32 v21, v19  }
.LBB2_2:
0x52: {  	p0 =	sne.s32 s6, $0xE;
	v18 =	vor.u32 v2, v18  }
0x53: {  	v19 =	vadd.f32 v20, v19  }
0x54: {  	s5 =	sadd.s32 $0x10, s5;
	v20 =	vor.u32 $0x1, v18  }
0x55: {  	[tilespmem:s5+$0x0] =	vst v19  }
0x56: {  	v21 =	vor.u32 $0x2, v18;
	v19 =	vld.idx.msk [tilespmem:v0+s26+$0x0], $0xffff  }
0x57: {  	v22 =	vld.idx.msk [tilespmem:v18+s23+$0x0], $0xffff  }
0x58: {  	v24 =	vor.u32 $0x3, v18;
	v23 =	vld.idx.msk [tilespmem:v1+s25+$0x0], $0xffff  }
0x59: {  	v20 =	vld.idx.msk [tilespmem:v20+s23+$0x0], $0xffff  }
0x5a: {  	v26 =	vor.u32 $0x4, v18;
	v25 =	vld.idx.msk [tilespmem:v3+s25+$0x0], $0xffff  }
0x5b: {  	v21 =	vld.idx.msk [tilespmem:v21+s23+$0x0], $0xffff  }
0x5c: {  	v28 =	vor.u32 $0x5, v18;
	v27 =	vld.idx.msk [tilespmem:v4+s25+$0x0], $0xffff  }
0x5d: {  	v24 =	vld.idx.msk [tilespmem:v24+s23+$0x0], $0xffff  }
0x5e: {  	v29 =	vor.u32 $0x6, v18;
	v22 =	vmul.f32 v23, v22;
	v23 =	vld.idx.msk [tilespmem:v6+s25+$0x0], $0xffff  }
0x5f: {  	v26 =	vld.idx.msk [tilespmem:v26+s23+$0x0], $0xffff  }
0x60: {  	v18 =	vor.u32 $0x7, v18;
	v19 =	vadd.f32 v22, v19;
	v20 =	vmul.f32 v25, v20;
	v22 =	vld.idx.msk [tilespmem:v7+s25+$0x0], $0xffff  }
0x61: {  	v25 =	vld.idx.msk [tilespmem:v28+s23+$0x0], $0xffff  }
0x62: {  	v19 =	vadd.f32 v20, v19;
	v20 =	vmul.f32 v27, v21;
	v21 =	vld.idx.msk [tilespmem:v8+s25+$0x0], $0xffff  }
0x63: {  	v27 =	vld.idx.msk [tilespmem:v29+s23+$0x0], $0xffff  }
0x64: {  	v19 =	vadd.f32 v20, v19;
	v20 =	vmul.f32 v23, v24;
	v23 =	vld.idx.msk [tilespmem:v9+s25+$0x0], $0xffff  }
0x65: {  	v24 =	vld.idx.msk [tilespmem:v18+s23+$0x0], $0xffff  }
0x66: {  	v18 =	vadd.f32 v20, v19;
	v19 =	vmul.f32 v22, v26;
	v20 =	vld.idx.msk [tilespmem:v10+s25+$0x0], $0xffff;
	_ =	sdelay $0x1  }
.Ltmp0:
0x67: {  	v18 =	vadd.f32 v19, v18;
	v19 =	vmul.f32 v21, v25;
	(pc) =	sbr.rel @p0 .LBB2_2-.Ltmp0, $4  }
0x68: {  	_ = 	snop  }
0x69: {  	v19 =	vadd.f32 v19, v18;
	v21 =	vmul.f32 v23, v27  }
0x6a: {  	v18 =	vmov s6  }
0x6b: {  	s6 =	sadd.s32 $0x2, s6;
	v18 =	vshll.u32 v18, $0x3;
	v19 =	vadd.f32 v21, v19;
	v20 =	vmul.f32 v20, v24  }
0x6c: {  	_ = 	snop  }
0x6d: {  	v18 =	vor.u32 v2, v18;
	v19 =	vadd.f32 v20, v19  }
0x6e: {  	s5 =	sadd.s32 $0x10, s5  }
0x6f: {  	v20 =	vor.u32 $0x1, v18;
	[tilespmem:s5+$0x0] =	vst v19  }
0x70: {  	v19 =	vld.idx.msk [tilespmem:v0+s26+$0x0], $0xffff  }
0x71: {  	v21 =	vor.u32 $0x2, v18;
	v23 =	vld.idx.msk [tilespmem:v1+s25+$0x0], $0xffff  }
0x72: {  	v24 =	vor.u32 $0x3, v18;
	v22 =	vld.idx.msk [tilespmem:v18+s23+$0x0], $0xffff  }
0x73: {  	v25 =	vld.idx.msk [tilespmem:v3+s25+$0x0], $0xffff  }
0x74: {  	v26 =	vor.u32 $0x4, v18;
	v20 =	vld.idx.msk [tilespmem:v20+s23+$0x0], $0xffff  }
0x75: {  	v27 =	vld.idx.msk [tilespmem:v4+s25+$0x0], $0xffff  }
0x76: {  	v28 =	vor.u32 $0x5, v18;
	v21 =	vld.idx.msk [tilespmem:v21+s23+$0x0], $0xffff  }
0x77: {  	v24 =	vld.idx.msk [tilespmem:v24+s23+$0x0], $0xffff;
	v22 =	vmul.f32 v23, v22  }
0x78: {  	v29 =	vor.u32 $0x6, v18;
	v23 =	vld.idx.msk [tilespmem:v6+s25+$0x0], $0xffff  }
0x79: {  	v26 =	vld.idx.msk [tilespmem:v26+s23+$0x0], $0xffff;
	v20 =	vmul.f32 v25, v20;
	v19 =	vadd.f32 v22, v19  }
0x7a: {  	v18 =	vor.u32 $0x7, v18;
	v22 =	vld.idx.msk [tilespmem:v7+s25+$0x0], $0xffff  }
0x7b: {  	v25 =	vld.idx.msk [tilespmem:v28+s23+$0x0], $0xffff;
	v19 =	vadd.f32 v20, v19;
	v20 =	vmul.f32 v27, v21  }
0x7c: {  	v21 =	vld.idx.msk [tilespmem:v8+s25+$0x0], $0xffff  }
0x7d: {  	v27 =	vld.idx.msk [tilespmem:v29+s23+$0x0], $0xffff;
	v19 =	vadd.f32 v20, v19;
	v20 =	vmul.f32 v23, v24  }
0x7e: {  	v23 =	vld.idx.msk [tilespmem:v9+s25+$0x0], $0xffff  }
0x7f: {  	v18 =	vld.idx.msk [tilespmem:v18+s23+$0x0], $0xffff;
	v19 =	vadd.f32 v20, v19;
	v20 =	vmul.f32 v22, v26  }
0x80: {  	v22 =	vld.idx.msk [tilespmem:v10+s25+$0x0], $0xffff  }
0x81: {  	v19 =	vadd.f32 v20, v19;
	v20 =	vmul.f32 v21, v25  }
0x82: {  	v11 =	vld [tilespmem:$0x1FFE0]  }
0x83: {  	v19 =	vadd.f32 v20, v19;
	v20 =	vmul.f32 v23, v27;
	_ =	sdelay $0x1  }
0x84: {  	v18 =	vmul.f32 v22, v18;
	v19 =	vadd.f32 v20, v19;
	_ =	sdelay $0x1  }
0x85: {  	v18 =	vadd.f32 v18, v19  }
0x86: {  	s5 =	sadd.s32 $0x10, s5  }
0x87: {  	[tilespmem:s5+$0x0] =	vst v18;
	s5 =	simm.s32 $0x0  }
0x88: {  	v19 =	vld.idx.msk [tilespmem:v11+s5+$0x0], $0xffff  }
0x89: {  	v11 =	vld [tilespmem:$0x1FFF0];
	_ =	sdelay $0x1  }
0x8a: {  	v18 =	vld.idx.msk [tilespmem:v5+s5+$0x0], $0xffff  }
0x8b: {  	v21 =	vld.idx.msk [tilespmem:v13+s5+$0x0], $0xffff  }
0x8c: {  	v22 =	vld.idx.msk [tilespmem:v14+s5+$0x0], $0xffff  }
0x8d: {  	v23 =	vld.idx.msk [tilespmem:v15+s5+$0x0], $0xffff  }
0x8e: {  	v24 =	vld.idx.msk [tilespmem:v16+s5+$0x0], $0xffff  }
0x8f: {  	s6 =	rddreg [dreg:$0x7];
	s7 =	simm.s32 $0x80;
	v25 =	vld.idx.msk [tilespmem:v17+s5+$0x0], $0xffff  }
0x90: {  	v20 =	vld.idx.msk [tilespmem:v11+s5+$0x0], $0xffff;
	[tilespmem:s7], [sflag:$0x1] =	stream.linear.gather [hbm4b:s6+s5], $0x400, $0x38  }
0x91: {  	s28 =	rddreg [dreg:$0x8];
	s29 =	simm.s32 $0x480  }
0x92: {  	[tilespmem:s29], [sflag:$0x1] =	stream.linear.gather [hbm4b:s28+s5], $0x400, $0x38;
	[tilespmem:$0x16A00] =	vst v63  }
0x93: {  	s8 =	simm.s32 $0x880;
	s7 =	rddreg [dreg:$0x9]  }
0x94: {  	[tilespmem:s8], [sflag:$0x1] =	stream.linear.gather [hbm4b:s7+s5], $0x400, $0x38;
	[tilespmem:$0x16A00] =	vst v63  }
0x95: {  	s10 =	rddreg [dreg:$0xa];
	s13 =	simm.s32 $0xC80  }
0x96: {  	[tilespmem:s13], [sflag:$0x1] =	stream.linear.gather [hbm4b:s10+s5], $0x400, $0x38;
	[tilespmem:$0x16A00] =	vst v63  }
0x97: {  	s22 =	rddreg [dreg:$0xb];
	s24 =	simm.s32 $0x1080  }
0x98: {  	[tilespmem:s24], [sflag:$0x1] =	stream.linear.gather [hbm4b:s22+s5], $0x400, $0x38;
	[tilespmem:$0x16A00] =	vst v63  }
0x99: {  	s28 =	rddreg [dreg:$0xc];
	s29 =	simm.s32 $0x1480  }
0x9a: {  	[tilespmem:s29], [sflag:$0x2] =	stream.linear.gather [hbm4b:s28+s5], $0x400, $0x38;
	[tilespmem:$0x16A00] =	vst v63  }
0x9b: {  	s7 =	rddreg [dreg:$0xd];
	s8 =	simm.s32 $0x1880  }
0x9c: {  	[tilespmem:s8], [sflag:$0x2] =	stream.linear.gather [hbm4b:s7+s5], $0x400, $0x38;
	[tilespmem:$0x16A00] =	vst v63  }
0x9d: {  	s10 =	rddreg [dreg:$0xe];
	s13 =	simm.s32 $0x1C80  }
0x9e: {  	[tilespmem:s13], [sflag:$0x2] =	stream.linear.gather [hbm4b:s10+s5], $0x400, $0x38;
	[tilespmem:$0x16A00] =	vst v63  }
0x9f: {  	s22 =	rddreg [dreg:$0xf];
	s24 =	simm.s32 $0x2080  }
0xa0: {  	[tilespmem:s24], [sflag:$0x2] =	stream.linear.gather [hbm4b:s22+s5], $0x400, $0x38;
	[tilespmem:$0x16A00] =	vst v63  }
0xa1: {  	s28 =	rddreg [dreg:$0x10];
	s29 =	simm.s32 $0x2480;
	s22 =	simm.s32 $0x0  }
0xa2: {  	[tilespmem:s29], [sflag:$0x2] =	stream.linear.gather [hbm4b:s28+s5], $0x400, $0x38;
	[tilespmem:$0x16A00] =	vst v63  }
.LBB2_4:
0xa3: {  	_ =	swait.ge [sflag:s11], $0x1400  }
0xa4: {  	p0 =	seq.s32 s22, $0x0;
	[sflag:s11] =	ssyncset.done $0x0  }
0xa5: {  	s6 =	simm.s32 @!p0 $0x3;
	[sflag:s11] =	ssyncadd.s32 $0xFFFFEC00  }
0xa6: {  	s7 =	sand.u32 $0x7, s5;
	s8 =	simm.s32 $0x0;
	_ =	swait.ge @!p0 [sflag:s6], $0xA000  }
0xa7: {  	s8 =	sand.u32 $0x3FFFFC00, s8;
	s10 =	sshll.u32 s7, $0x7;
	[sflag:s6] =	ssyncset.done @!p0 $0x0  }
0xa8: {  	s28 =	sor.u32 s10, s8;
	[sflag:s6] =	ssyncadd.s32 @!p0 $0xFFFF6000  }
0xa9: {  	v27 =	vld [tilespmem:s28+$0xF0]  }
0xaa: {  	v26 =	vld [tilespmem:s28+$0x80];
	_ =	sdelay $0x2  }
0xab: {  	s29 =	simm.s32 $0x0  }
0xac: {  	s7 =	sshll.u32 s7, $0xA;
	s8 =	sand.u32 $0x3FFFE000, s29;
	v28 =	vperm.xlane v25, v27  }
0xad: {  	s8 =	sor.u32 s7, s8;
	v29 =	vperm.xlane v18, v26  }
0xae: {  	v30 =	vperm.xlane v19, v26;
	[tilespmem:s8+$0x2C70] =	vst v28  }
0xaf: {  	v31 =	vperm.xlane v21, v26;
	[tilespmem:s8+$0x2880] =	vst v29  }
0xb0: {  	v28 =	vperm.xlane v20, v26;
	v29 =	vld [tilespmem:s28+$0x90];
	[tilespmem:s8+$0x2900] =	vst v30  }
0xb1: {  	v30 =	vperm.xlane v22, v26;
	[tilespmem:s8+$0x2A00] =	vst v31  }
0xb2: {  	v31 =	vperm.xlane v24, v26;
	[tilespmem:s8+$0x2980] =	vst v28  }
0xb3: {  	v28 =	vperm.xlane v23, v26;
	[tilespmem:s8+$0x2A80] =	vst v30  }
0xb4: {  	v26 =	vperm.xlane v25, v26;
	[tilespmem:s8+$0x2B80] =	vst v31  }
0xb5: {  	[tilespmem:s8+$0x2B00] =	vst v28;
	v28 =	vperm.xlane v18, v29  }
0xb6: {  	[tilespmem:s8+$0x2C00] =	vst v26;
	v30 =	vperm.xlane v19, v29  }
0xb7: {  	v26 =	vperm.xlane v20, v29;
	[tilespmem:s8+$0x2890] =	vst v28  }
0xb8: {  	v31 =	vperm.xlane v21, v29;
	v28 =	vld [tilespmem:s28+$0xA0];
	[tilespmem:s8+$0x2910] =	vst v30  }
0xb9: {  	v30 =	vperm.xlane v22, v29;
	[tilespmem:s8+$0x2990] =	vst v26  }
0xba: {  	v26 =	vperm.xlane v23, v29;
	[tilespmem:s8+$0x2A10] =	vst v31  }
0xbb: {  	v31 =	vperm.xlane v24, v29;
	[tilespmem:s8+$0x2A90] =	vst v30  }
0xbc: {  	v29 =	vperm.xlane v25, v29;
	[tilespmem:s8+$0x2B10] =	vst v26  }
0xbd: {  	[tilespmem:s8+$0x2B90] =	vst v31;
	v26 =	vperm.xlane v18, v28  }
0xbe: {  	[tilespmem:s8+$0x2C10] =	vst v29;
	v30 =	vperm.xlane v19, v28  }
0xbf: {  	v29 =	vperm.xlane v20, v28;
	[tilespmem:s8+$0x28A0] =	vst v26  }
0xc0: {  	v31 =	vperm.xlane v21, v28;
	v26 =	vld [tilespmem:s28+$0xB0];
	[tilespmem:s8+$0x2920] =	vst v30  }
0xc1: {  	v30 =	vperm.xlane v22, v28;
	[tilespmem:s8+$0x29A0] =	vst v29  }
0xc2: {  	v29 =	vperm.xlane v23, v28;
	[tilespmem:s8+$0x2A20] =	vst v31  }
0xc3: {  	v31 =	vperm.xlane v24, v28;
	[tilespmem:s8+$0x2AA0] =	vst v30  }
0xc4: {  	v28 =	vperm.xlane v25, v28;
	[tilespmem:s8+$0x2B20] =	vst v29  }
0xc5: {  	[tilespmem:s8+$0x2BA0] =	vst v31;
	v29 =	vperm.xlane v18, v26  }
0xc6: {  	[tilespmem:s8+$0x2C20] =	vst v28;
	v30 =	vperm.xlane v19, v26  }
0xc7: {  	v28 =	vperm.xlane v20, v26;
	[tilespmem:s8+$0x28B0] =	vst v29  }
0xc8: {  	v31 =	vperm.xlane v21, v26;
	v29 =	vld [tilespmem:s28+$0xC0];
	[tilespmem:s8+$0x2930] =	vst v30  }
0xc9: {  	v30 =	vperm.xlane v22, v26;
	[tilespmem:s8+$0x29B0] =	vst v28  }
0xca: {  	v28 =	vperm.xlane v23, v26;
	[tilespmem:s8+$0x2A30] =	vst v31  }
0xcb: {  	v31 =	vperm.xlane v24, v26;
	[tilespmem:s8+$0x2AB0] =	vst v30  }
0xcc: {  	v26 =	vperm.xlane v25, v26;
	[tilespmem:s8+$0x2B30] =	vst v28  }
0xcd: {  	[tilespmem:s8+$0x2BB0] =	vst v31;
	v28 =	vperm.xlane v18, v29  }
0xce: {  	[tilespmem:s8+$0x2C30] =	vst v26;
	v30 =	vperm.xlane v19, v29  }
0xcf: {  	v26 =	vperm.xlane v20, v29;
	[tilespmem:s8+$0x28C0] =	vst v28  }
0xd0: {  	v31 =	vperm.xlane v21, v29;
	v28 =	vld [tilespmem:s28+$0xD0];
	[tilespmem:s8+$0x2940] =	vst v30  }
0xd1: {  	v30 =	vperm.xlane v22, v29;
	[tilespmem:s8+$0x29C0] =	vst v26  }
0xd2: {  	v26 =	vperm.xlane v23, v29;
	[tilespmem:s8+$0x2A40] =	vst v31  }
0xd3: {  	v31 =	vperm.xlane v24, v29;
	[tilespmem:s8+$0x2AC0] =	vst v30  }
0xd4: {  	v29 =	vperm.xlane v25, v29;
	[tilespmem:s8+$0x2B40] =	vst v26  }
0xd5: {  	[tilespmem:s8+$0x2BC0] =	vst v31;
	v26 =	vperm.xlane v18, v28  }
0xd6: {  	[tilespmem:s8+$0x2C40] =	vst v29;
	v30 =	vperm.xlane v19, v28  }
0xd7: {  	v29 =	vld [tilespmem:s28+$0xE0];
	v31 =	vperm.xlane v20, v28;
	[tilespmem:s8+$0x28D0] =	vst v26  }
0xd8: {  	v32 =	vperm.xlane v21, v28;
	[tilespmem:s8+$0x2950] =	vst v30  }
0xd9: {  	v63 =	vperm.xlane v24, v28;
	[tilespmem:s8+$0x29D0] =	vst v31  }
0xda: {  	v33 =	vperm.xlane v19, v27;
	v30 =	vperm.xlane v22, v28;
	[tilespmem:s8+$0x2A50] =	vst v32  }
0xdb: {  	v26 =	vperm.xlane v18, v27;
	v31 =	vperm.xlane v23, v28;
	[tilespmem:s8+$0x2BD0] =	vst v63  }
0xdc: {  	v28 =	vperm.xlane v25, v28;
	v38 =	vperm.xlane v19, v29;
	[tilespmem:s8+$0x2AD0] =	vst v30  }
0xdd: {  	v39 =	vperm.xlane v20, v29;
	v40 =	vperm.xlane v21, v29;
	[tilespmem:s8+$0x2B50] =	vst v31  }
0xde: {  	v37 =	vperm.xlane v22, v29;
	v36 =	vperm.xlane v23, v29;
	[tilespmem:s8+$0x2C50] =	vst v28  }
0xdf: {  	v35 =	vperm.xlane v24, v29;
	v34 =	vperm.xlane v25, v29;
	[tilespmem:s8+$0x2960] =	vst v38  }
0xe0: {  	v32 =	vperm.xlane v21, v27;
	v30 =	vperm.xlane v18, v29;
	[tilespmem:s8+$0x29E0] =	vst v39  }
0xe1: {  	v31 =	vperm.xlane v20, v27;
	v29 =	vperm.xlane v23, v27;
	[tilespmem:s8+$0x2A60] =	vst v40  }
0xe2: {  	s10 =	simm.s32 $0x0;
	s7 =	simm.s32 $0x0;
	s6 =	smul.u32 $0xA, s22;
	v28 =	vperm.xlane v24, v27;
	[tilespmem:s8+$0x28E0] =	vst v30;
	v30 =	vperm.xlane v22, v27  }
.LBB2_5:
0xe3: {  	s7 =	sadd.s32 $0x8, s7;
	[tilespmem:s8+$0x2AE0] =	vst v37;
	s10 =	sadd.s32 $0x1, s10  }
0xe4: {  	s24 =	sand.u32 $0x7, s10;
	s28 =	sshll.u32 s7, $0x4;
	p1 =	slt.u32 s7, $0x138;
	[tilespmem:s8+$0x2B60] =	vst v36  }
0xe5: {  	s28 =	sand.u32 $0x3FFFFC00, s28;
	s13 =	sshll.u32 s24, $0x7;
	[tilespmem:s8+$0x2BE0] =	vst v35  }
0xe6: {  	s13 =	sor.u32 s13, s28;
	[tilespmem:s8+$0x2C60] =	vst v34  }
0xe7: {  	v27 =	vld [tilespmem:s13+$0xF0];
	[tilespmem:s8+$0x28F0] =	vst v26  }
0xe8: {  	v34 =	vld [tilespmem:s13+$0x80];
	[tilespmem:s8+$0x2970] =	vst v33  }
0xe9: {  	v33 =	vld [tilespmem:s13+$0x90];
	[tilespmem:s8+$0x29F0] =	vst v31  }
0xea: {  	v31 =	vld [tilespmem:s13+$0xA0];
	[tilespmem:s8+$0x2A70] =	vst v32  }
0xeb: {  	s28 =	sshll.u32 s7, $0x7;
	v32 =	vld [tilespmem:s13+$0xB0];
	[tilespmem:s8+$0x2AF0] =	vst v30  }
0xec: {  	s24 =	sshll.u32 s24, $0xA;
	s28 =	sand.u32 $0x3FFFE000, s28;
	v30 =	vld [tilespmem:s13+$0xC0];
	v26 =	vperm.xlane v18, v27;
	v35 =	vperm.xlane v25, v27;
	[tilespmem:s8+$0x2B70] =	vst v29  }
0xed: {  	v29 =	vperm.xlane v18, v34;
	v36 =	vperm.xlane v19, v34;
	v37 =	vld [tilespmem:s13+$0xD0];
	[tilespmem:s8+$0x2BF0] =	vst v28;
	s8 =	sor.u32 s24, s28  }
0xee: {  	v28 =	vperm.xlane v20, v34;
	v38 =	vperm.xlane v21, v34;
	v39 =	vld [tilespmem:s13+$0xE0];
	[tilespmem:s8+$0x2C70] =	vst v35  }
0xef: {  	v35 =	vperm.xlane v23, v34;
	[tilespmem:s8+$0x2880] =	vst v29;
	v29 =	vperm.xlane v22, v34  }
0xf0: {  	[tilespmem:s8+$0x2900] =	vst v36;
	v36 =	vperm.xlane v24, v34;
	v34 =	vperm.xlane v25, v34  }
0xf1: {  	v40 =	vperm.xlane v19, v33;
	[tilespmem:s8+$0x2980] =	vst v28;
	v28 =	vperm.xlane v18, v33  }
0xf2: {  	v41 =	vperm.xlane v21, v33;
	[tilespmem:s8+$0x2A00] =	vst v38;
	v38 =	vperm.xlane v20, v33  }
0xf3: {  	v42 =	vperm.xlane v23, v33;
	[tilespmem:s8+$0x2A80] =	vst v29;
	v29 =	vperm.xlane v22, v33  }
0xf4: {  	[tilespmem:s8+$0x2B00] =	vst v35;
	v35 =	vperm.xlane v24, v33;
	v33 =	vperm.xlane v25, v33  }
0xf5: {  	v43 =	vperm.xlane v19, v31;
	[tilespmem:s8+$0x2B80] =	vst v36;
	v36 =	vperm.xlane v18, v31  }
0xf6: {  	v44 =	vperm.xlane v21, v31;
	[tilespmem:s8+$0x2C00] =	vst v34;
	v34 =	vperm.xlane v20, v31  }
0xf7: {  	v45 =	vperm.xlane v23, v31;
	[tilespmem:s8+$0x2890] =	vst v28;
	v28 =	vperm.xlane v22, v31  }
0xf8: {  	[tilespmem:s8+$0x2910] =	vst v40;
	v40 =	vperm.xlane v24, v31;
	v31 =	vperm.xlane v25, v31  }
0xf9: {  	v46 =	vperm.xlane v19, v32;
	[tilespmem:s8+$0x2990] =	vst v38;
	v38 =	vperm.xlane v18, v32  }
0xfa: {  	v47 =	vperm.xlane v21, v32;
	[tilespmem:s8+$0x2A10] =	vst v41;
	v41 =	vperm.xlane v20, v32  }
0xfb: {  	v48 =	vperm.xlane v23, v32;
	[tilespmem:s8+$0x2A90] =	vst v29;
	v29 =	vperm.xlane v22, v32  }
0xfc: {  	v49 =	vperm.xlane v25, v32;
	[tilespmem:s8+$0x2B10] =	vst v42;
	v42 =	vperm.xlane v24, v32  }
0xfd: {  	v50 =	vperm.xlane v18, v30;
	v51 =	vperm.xlane v19, v30;
	[tilespmem:s8+$0x2B90] =	vst v35  }
0xfe: {  	v52 =	vperm.xlane v20, v30;
	v53 =	vperm.xlane v21, v30;
	[tilespmem:s8+$0x2C10] =	vst v33  }
0xff: {  	v54 =	vperm.xlane v22, v30;
	v55 =	vperm.xlane v23, v30;
	[tilespmem:s8+$0x28A0] =	vst v36  }
0x100: {  	v56 =	vperm.xlane v25, v30;
	[tilespmem:s8+$0x2920] =	vst v43;
	v43 =	vperm.xlane v24, v30  }
0x101: {  	v57 =	vperm.xlane v18, v37;
	v58 =	vperm.xlane v19, v37;
	[tilespmem:s8+$0x29A0] =	vst v34  }
0x102: {  	v59 =	vperm.xlane v21, v37;
	[tilespmem:s8+$0x2A20] =	vst v44;
	v44 =	vperm.xlane v20, v37  }
0x103: {  	v60 =	vperm.xlane v22, v37;
	v61 =	vperm.xlane v23, v37;
	[tilespmem:s8+$0x2AA0] =	vst v28  }
0x104: {  	v62 =	vperm.xlane v25, v37;
	[tilespmem:s8+$0x2B20] =	vst v45;
	v45 =	vperm.xlane v24, v37  }
0x105: {  	v63 =	vperm.xlane v19, v39;
	[tilespmem:s8+$0x2BA0] =	vst v40;
	v40 =	vperm.xlane v18, v39  }
0x106: {  	v11 =	vperm.xlane v20, v39;
	v12 =	vperm.xlane v21, v39;
	[tilespmem:s8+$0x2C20] =	vst v31  }
0x107: {  	v36 =	vperm.xlane v23, v39;
	v37 =	vperm.xlane v22, v39;
	[tilespmem:s8+$0x28B0] =	vst v38  }
0x108: {  	v35 =	vperm.xlane v24, v39;
	v34 =	vperm.xlane v25, v39;
	[tilespmem:s8+$0x2930] =	vst v46  }
0x109: {  	v33 =	vperm.xlane v19, v27;
	v31 =	vperm.xlane v20, v27;
	[tilespmem:s8+$0x29B0] =	vst v41  }
0x10a: {  	v32 =	vperm.xlane v21, v27;
	v30 =	vperm.xlane v22, v27;
	[tilespmem:s8+$0x2A30] =	vst v47  }
0x10b: {  	v28 =	vperm.xlane v24, v27;
	[tilespmem:s8+$0x2AB0] =	vst v29;
	v29 =	vperm.xlane v23, v27  }
0x10c: {  	[tilespmem:s8+$0x2B30] =	vst v48  }
0x10d: {  	[tilespmem:s8+$0x2BB0] =	vst v42  }
0x10e: {  	[tilespmem:s8+$0x2C30] =	vst v49  }
0x10f: {  	[tilespmem:s8+$0x28C0] =	vst v50  }
0x110: {  	[tilespmem:s8+$0x2940] =	vst v51  }
0x111: {  	[tilespmem:s8+$0x29C0] =	vst v52  }
0x112: {  	[tilespmem:s8+$0x2A40] =	vst v53  }
0x113: {  	[tilespmem:s8+$0x2AC0] =	vst v54  }
0x114: {  	[tilespmem:s8+$0x2B40] =	vst v55  }
0x115: {  	[tilespmem:s8+$0x2BC0] =	vst v43  }
0x116: {  	[tilespmem:s8+$0x2C40] =	vst v56  }
0x117: {  	[tilespmem:s8+$0x28D0] =	vst v57  }
0x118: {  	[tilespmem:s8+$0x2950] =	vst v58  }
0x119: {  	[tilespmem:s8+$0x29D0] =	vst v44  }
0x11a: {  	[tilespmem:s8+$0x2A50] =	vst v59  }
0x11b: {  	[tilespmem:s8+$0x2AD0] =	vst v60  }
0x11c: {  	[tilespmem:s8+$0x2B50] =	vst v61  }
0x11d: {  	[tilespmem:s8+$0x2BD0] =	vst v45  }
.Ltmp1:
0x11e: {  	[tilespmem:s8+$0x2C50] =	vst v62;
	(pc) =	sbr.rel @p1 .LBB2_5-.Ltmp1, $4  }
0x11f: {  	[tilespmem:s8+$0x28E0] =	vst v40  }
0x120: {  	[tilespmem:s8+$0x2960] =	vst v63  }
0x121: {  	[tilespmem:s8+$0x29E0] =	vst v11  }
0x122: {  	[tilespmem:s8+$0x2A60] =	vst v12  }
0x123: {  	s7 =	smin.u32 s6, $0x59  }
0x124: {  	[tilespmem:s8+$0x2AE0] =	vst v37;
	s7 =	sadd.s32 $0xA, s7  }
0x125: {  	[tilespmem:s8+$0x2B60] =	vst v36;
	s10 =	smul.u32 $0x29, s7  }
0x126: {  	[tilespmem:s8+$0x2BE0] =	vst v35  }
0x127: {  	[tilespmem:s8+$0x2C60] =	vst v34;
	s10 =	sshrl.u32 s10, $0xA  }
0x128: {  	[tilespmem:s8+$0x28F0] =	vst v26;
	s13 =	smul.u32 $0x19, s10  }
0x129: {  	[tilespmem:s8+$0x2970] =	vst v33;
	s29 =	smin.u32 s6, $0x58  }
0x12a: {  	[tilespmem:s8+$0x29F0] =	vst v31;
	s7 =	ssub.s32 s7, s13;
	s13 =	sadd.s32 $0xB, s29  }
0x12b: {  	[tilespmem:s8+$0x2A70] =	vst v32;
	s10 =	sadd.s32 s10, s9;
	s7 =	sand.u32 $0xFF, s7;
	s24 =	smul.u32 $0x29, s13  }
0x12c: {  	[tilespmem:s8+$0x2AF0] =	vst v30;
	s28 =	simm.s32 $0x80;
	s10 =	sshll.u32 s10, $0x7;
	s7 =	sshll.u32 s7, $0xE  }
0x12d: {  	[tilespmem:s8+$0x2B70] =	vst v29;
	s7 =	sadd.s32 s1, s7;
	s29 =	sshrl.u32 s24, $0xA;
	s24 =	smin.u32 s6, $0x57  }
0x12e: {  	[tilespmem:s8+$0x2BF0] =	vst v28;
	s7 =	sadd.s32 s10, s7;
	s8 =	smul.u32 $0x19, s29;
	s10 =	sadd.s32 $0xC, s24  }
0x12f: {  	[tilespmem:s28], [sflag:$0x1] =	stream.linear.gather [hbm4b:s7+s4], $0x400, $0x38;
	[tilespmem:$0x16A00] =	vst v63  }
0x130: {  	s28 =	smul.u32 $0x29, s10;
	s8 =	ssub.s32 s13, s8  }
0x131: {  	s8 =	sand.u32 $0xFF, s8  }
0x132: {  	s7 =	sadd.s32 s29, s9;
	s13 =	sshrl.u32 s28, $0xA;
	s8 =	sshll.u32 s8, $0xE  }
0x133: {  	s7 =	sshll.u32 s7, $0x7;
	s29 =	smul.u32 $0x19, s13;
	s8 =	sadd.s32 s1, s8  }
0x134: {  	s24 =	simm.s32 $0x480;
	s7 =	sadd.s32 s7, s8  }
0x135: {  	s8 =	ssub.s32 s10, s29;
	s10 =	sadd.s32 s13, s9;
	s13 =	smin.u32 s6, $0x56  }
0x136: {  	[tilespmem:s24], [sflag:$0x1] =	stream.linear.gather [hbm4b:s7+s4], $0x400, $0x38;
	[tilespmem:$0x16A00] =	vst v63  }
0x137: {  	s7 =	sand.u32 $0xFF, s8;
	s8 =	sshll.u32 s10, $0x7;
	s10 =	sadd.s32 $0xD, s13  }
0x138: {  	s24 =	smul.u32 $0x29, s10  }
0x139: {  	s7 =	sshll.u32 s7, $0xE  }
0x13a: {  	s28 =	simm.s32 $0x880;
	s7 =	sadd.s32 s1, s7;
	s29 =	sshrl.u32 s24, $0xA  }
0x13b: {  	s7 =	sadd.s32 s8, s7;
	s24 =	smin.u32 s6, $0x55;
	s8 =	smul.u32 $0x19, s29  }
0x13c: {  	[tilespmem:s28], [sflag:$0x1] =	stream.linear.gather [hbm4b:s7+s4], $0x400, $0x38;
	[tilespmem:$0x16A00] =	vst v63  }
0x13d: {  	s8 =	ssub.s32 s10, s8;
	s10 =	sadd.s32 $0xE, s24  }
0x13e: {  	s8 =	sand.u32 $0xFF, s8;
	s13 =	smul.u32 $0x29, s10  }
0x13f: {  	s7 =	sadd.s32 s29, s9;
	s8 =	sshll.u32 s8, $0xE  }
0x140: {  	s7 =	sshll.u32 s7, $0x7;
	s8 =	sadd.s32 s1, s8;
	s13 =	sshrl.u32 s13, $0xA  }
0x141: {  	s29 =	simm.s32 $0xC80;
	s7 =	sadd.s32 s7, s8;
	s28 =	smul.u32 $0x19, s13  }
0x142: {  	[tilespmem:s29], [sflag:$0x1] =	stream.linear.gather [hbm4b:s7+s4], $0x400, $0x38;
	[tilespmem:$0x16A00] =	vst v63  }
0x143: {  	s28 =	ssub.s32 s10, s28  }
0x144: {  	s29 =	smulhi.u32 $0x51EB851F, s6;
	s7 =	sand.u32 $0xFF, s28  }
0x145: {  	s13 =	sadd.s32 s13, s9;
	s7 =	sshll.u32 s7, $0xE  }
0x146: {  	s10 =	sshll.u32 s13, $0x7;
	s8 =	sshrl.u32 s29, $0x3;
	s7 =	sadd.s32 s1, s7  }
0x147: {  	s28 =	simm.s32 $0x1080;
	s24 =	smul.u32 $0x19, s8;
	s7 =	sadd.s32 s10, s7  }
0x148: {  	[tilespmem:s28], [sflag:$0x1] =	stream.linear.gather [hbm4b:s7+s4], $0x400, $0x38;
	[tilespmem:$0x16A00] =	vst v63  }
0x149: {  	s7 =	ssub.s32 s6, s24  }
0x14a: {  	s8 =	sadd.s32 s9, s8;
	s10 =	sshll.u32 s7, $0x11;
	s7 =	sshll.u32 s7, $0xA  }
0x14b: {  	s13 =	sshll.u32 s8, $0x7;
	s29 =	sadd.s32 s3, s10;
	s7 =	sadd.s32 s7, s8  }
0x14c: {  	s28 =	simm.s32 $0x2880;
	s24 =	sadd.s32 s13, s29;
	s7 =	sshll.u32 s7, $0x7  }
0x14d: {  	[hbm4b:s24+s4] =	stream.linear.scatter [tilespmem:s28], [sflag:$0x3], $0x400, $0x38;
	[tilespmem:$0x16A00] =	vst v63  }
0x14e: {  	s28 =	sadd.s32 $0x4000, s7  }
0x14f: {  	s8 =	sand.u32 $0x1FFFFF80, s28  }
0x150: {  	s29 =	simm.s32 $0x2C80;
	s28 =	sand.u32 $0x1FFF7F80, s13;
	s8 =	sadd.s32 s3, s8  }
0x151: {  	[hbm4b:s8+s4] =	stream.linear.scatter [tilespmem:s29], [sflag:$0x3], $0x400, $0x38;
	[tilespmem:$0x16A00] =	vst v63  }
0x152: {  	s8 =	sor.u32 s28, s10  }
0x153: {  	s29 =	simm.s32 $0x3080;
	s28 =	sadd.s32 $0xC000, s7;
	s8 =	sadd.s32 s8, s19  }
0x154: {  	[hbm4b:s8+s4] =	stream.linear.scatter [tilespmem:s29], [sflag:$0x3], $0x400, $0x38;
	[tilespmem:$0x16A00] =	vst v63  }
0x155: {  	s8 =	sand.u32 $0x1FFFFF80, s28  }
0x156: {  	s29 =	simm.s32 $0x3480;
	s28 =	sand.u32 $0x1FFEFF80, s13;
	s8 =	sadd.s32 s3, s8  }
0x157: {  	[hbm4b:s8+s4] =	stream.linear.scatter [tilespmem:s29], [sflag:$0x3], $0x400, $0x38;
	[tilespmem:$0x16A00] =	vst v63  }
0x158: {  	s8 =	sor.u32 s28, s10;
	s29 =	simm.s32 $0x3880  }
0x159: {  	s28 =	sadd.s32 $0x14000, s7;
	s7 =	sadd.s32 $0x1C000, s7;
	s8 =	sadd.s32 s8, s20  }
0x15a: {  	[hbm4b:s8+s4] =	stream.linear.scatter [tilespmem:s29], [sflag:$0x3], $0x400, $0x38;
	[tilespmem:$0x16A00] =	vst v63  }
0x15b: {  	s8 =	sand.u32 $0x1FFFFF80, s28;
	s28 =	sand.u32 $0x1FFE7F80, s13;
	s13 =	sor.u32 $0x1, s6  }
0x15c: {  	s29 =	simm.s32 $0x3C80;
	s8 =	sadd.s32 s3, s8;
	s24 =	smulhi.u32 $0x51EB851F, s13  }
0x15d: {  	[hbm4b:s8+s4] =	stream.linear.scatter [tilespmem:s29], [sflag:$0x3], $0x400, $0x38;
	[tilespmem:$0x16A00] =	vst v63  }
0x15e: {  	s7 =	sand.u32 $0x1FFFFF80, s7;
	s8 =	sor.u32 s28, s10  }
0x15f: {  	s29 =	simm.s32 $0x4080;
	s8 =	sadd.s32 s8, s21;
	s10 =	sshrl.u32 s24, $0x3  }
0x160: {  	[hbm4b:s8+s4] =	stream.linear.scatter [tilespmem:s29], [sflag:$0x3], $0x400, $0x38;
	[tilespmem:$0x16A00] =	vst v63  }
0x161: {  	s7 =	sadd.s32 s3, s7;
	s28 =	smul.u32 $0x19, s10;
	s29 =	simm.s32 $0x4480  }
0x162: {  	[hbm4b:s7+s4] =	stream.linear.scatter [tilespmem:s29], [sflag:$0x3], $0x400, $0x38;
	[tilespmem:$0x16A00] =	vst v63  }
0x163: {  	s7 =	ssub.s32 s13, s28  }
0x164: {  	s8 =	sadd.s32 s9, s10;
	s10 =	sshll.u32 s7, $0x11;
	s7 =	sshll.u32 s7, $0xA  }
0x165: {  	s13 =	sshll.u32 s8, $0x7;
	s28 =	sadd.s32 s3, s10;
	s7 =	sadd.s32 s7, s8  }
0x166: {  	s29 =	simm.s32 $0x4880;
	s24 =	sadd.s32 s13, s28;
	s7 =	sshll.u32 s7, $0x7  }
0x167: {  	[hbm4b:s24+s4] =	stream.linear.scatter [tilespmem:s29], [sflag:$0x3], $0x400, $0x38;
	[tilespmem:$0x16A00] =	vst v63  }
0x168: {  	s28 =	sadd.s32 $0x4000, s7  }
0x169: {  	s8 =	sand.u32 $0x1FFFFF80, s28  }
0x16a: {  	s29 =	simm.s32 $0x4C80;
	s28 =	sand.u32 $0x1FFF7F80, s13;
	s8 =	sadd.s32 s3, s8  }
0x16b: {  	[hbm4b:s8+s4] =	stream.linear.scatter [tilespmem:s29], [sflag:$0x3], $0x400, $0x38;
	[tilespmem:$0x16A00] =	vst v63  }
0x16c: {  	s8 =	sor.u32 s28, s10  }
0x16d: {  	s29 =	simm.s32 $0x5080;
	s28 =	sadd.s32 $0xC000, s7;
	s8 =	sadd.s32 s8, s19  }
0x16e: {  	[hbm4b:s8+s4] =	stream.linear.scatter [tilespmem:s29], [sflag:$0x3], $0x400, $0x38;
	[tilespmem:$0x16A00] =	vst v63  }
0x16f: {  	s8 =	sand.u32 $0x1FFFFF80, s28  }
0x170: {  	s29 =	simm.s32 $0x5480;
	s28 =	sand.u32 $0x1FFEFF80, s13;
	s8 =	sadd.s32 s3, s8  }
0x171: {  	[hbm4b:s8+s4] =	stream.linear.scatter [tilespmem:s29], [sflag:$0x3], $0x400, $0x38;
	[tilespmem:$0x16A00] =	vst v63  }
0x172: {  	s8 =	sor.u32 s28, s10;
	s29 =	simm.s32 $0x5880  }
0x173: {  	s28 =	sadd.s32 $0x14000, s7;
	s7 =	sadd.s32 $0x1C000, s7;
	s8 =	sadd.s32 s8, s20  }
0x174: {  	[hbm4b:s8+s4] =	stream.linear.scatter [tilespmem:s29], [sflag:$0x3], $0x400, $0x38;
	[tilespmem:$0x16A00] =	vst v63  }
0x175: {  	s8 =	sand.u32 $0x1FFFFF80, s28;
	s28 =	sand.u32 $0x1FFE7F80, s13;
	s13 =	sadd.s32 $0x2, s6  }
0x176: {  	s29 =	simm.s32 $0x5C80;
	s8 =	sadd.s32 s3, s8;
	s24 =	smulhi.u32 $0x51EB851F, s13  }
0x177: {  	[hbm4b:s8+s4] =	stream.linear.scatter [tilespmem:s29], [sflag:$0x3], $0x400, $0x38;
	[tilespmem:$0x16A00] =	vst v63  }
0x178: {  	s7 =	sand.u32 $0x1FFFFF80, s7;
	s8 =	sor.u32 s28, s10  }
0x179: {  	s29 =	simm.s32 $0x6080;
	s8 =	sadd.s32 s8, s21;
	s10 =	sshrl.u32 s24, $0x3  }
0x17a: {  	[hbm4b:s8+s4] =	stream.linear.scatter [tilespmem:s29], [sflag:$0x3], $0x400, $0x38;
	[tilespmem:$0x16A00] =	vst v63  }
0x17b: {  	s7 =	sadd.s32 s3, s7;
	s28 =	smul.u32 $0x19, s10;
	s29 =	simm.s32 $0x6480  }
0x17c: {  	[hbm4b:s7+s4] =	stream.linear.scatter [tilespmem:s29], [sflag:$0x3], $0x400, $0x38;
	[tilespmem:$0x16A00] =	vst v63  }
0x17d: {  	s7 =	ssub.s32 s13, s28  }
0x17e: {  	s8 =	sadd.s32 s9, s10;
	s10 =	sshll.u32 s7, $0x11;
	s7 =	sshll.u32 s7, $0xA  }
0x17f: {  	s13 =	sshll.u32 s8, $0x7;
	s28 =	sadd.s32 s3, s10;
	s7 =	sadd.s32 s7, s8  }
0x180: {  	s29 =	simm.s32 $0x6880;
	s24 =	sadd.s32 s13, s28;
	s7 =	sshll.u32 s7, $0x7  }
0x181: {  	[hbm4b:s24+s4] =	stream.linear.scatter [tilespmem:s29], [sflag:$0x3], $0x400, $0x38;
	[tilespmem:$0x16A00] =	vst v63  }
0x182: {  	s28 =	sadd.s32 $0x4000, s7  }
0x183: {  	s8 =	sand.u32 $0x1FFFFF80, s28  }
0x184: {  	s29 =	simm.s32 $0x6C80;
	s28 =	sand.u32 $0x1FFF7F80, s13;
	s8 =	sadd.s32 s3, s8  }
0x185: {  	[hbm4b:s8+s4] =	stream.linear.scatter [tilespmem:s29], [sflag:$0x3], $0x400, $0x38;
	[tilespmem:$0x16A00] =	vst v63  }
0x186: {  	s8 =	sor.u32 s28, s10  }
0x187: {  	s29 =	simm.s32 $0x7080;
	s28 =	sadd.s32 $0xC000, s7;
	s8 =	sadd.s32 s8, s19  }
0x188: {  	[hbm4b:s8+s4] =	stream.linear.scatter [tilespmem:s29], [sflag:$0x3], $0x400, $0x38;
	[tilespmem:$0x16A00] =	vst v63  }
0x189: {  	s8 =	sand.u32 $0x1FFFFF80, s28  }
0x18a: {  	s29 =	simm.s32 $0x7480;
	s28 =	sand.u32 $0x1FFEFF80, s13;
	s8 =	sadd.s32 s3, s8  }
0x18b: {  	[hbm4b:s8+s4] =	stream.linear.scatter [tilespmem:s29], [sflag:$0x3], $0x400, $0x38;
	[tilespmem:$0x16A00] =	vst v63  }
0x18c: {  	s8 =	sor.u32 s28, s10;
	s29 =	simm.s32 $0x7880  }
0x18d: {  	s28 =	sadd.s32 $0x14000, s7;
	s7 =	sadd.s32 $0x1C000, s7;
	s8 =	sadd.s32 s8, s20  }
0x18e: {  	[hbm4b:s8+s4] =	stream.linear.scatter [tilespmem:s29], [sflag:$0x3], $0x400, $0x38;
	[tilespmem:$0x16A00] =	vst v63  }
0x18f: {  	s8 =	sand.u32 $0x1FFFFF80, s28;
	s28 =	sand.u32 $0x1FFE7F80, s13;
	s13 =	sadd.s32 $0x3, s6  }
0x190: {  	s29 =	simm.s32 $0x7C80;
	s8 =	sadd.s32 s3, s8;
	s24 =	smulhi.u32 $0x51EB851F, s13  }
0x191: {  	[hbm4b:s8+s4] =	stream.linear.scatter [tilespmem:s29], [sflag:$0x3], $0x400, $0x38;
	[tilespmem:$0x16A00] =	vst v63  }
0x192: {  	s7 =	sand.u32 $0x1FFFFF80, s7;
	s8 =	sor.u32 s28, s10  }
0x193: {  	s29 =	simm.s32 $0x8080;
	s8 =	sadd.s32 s8, s21;
	s10 =	sshrl.u32 s24, $0x3  }
0x194: {  	[hbm4b:s8+s4] =	stream.linear.scatter [tilespmem:s29], [sflag:$0x3], $0x400, $0x38;
	[tilespmem:$0x16A00] =	vst v63  }
0x195: {  	s7 =	sadd.s32 s3, s7;
	s28 =	smul.u32 $0x19, s10;
	s29 =	simm.s32 $0x8480  }
0x196: {  	[hbm4b:s7+s4] =	stream.linear.scatter [tilespmem:s29], [sflag:$0x3], $0x400, $0x38;
	[tilespmem:$0x16A00] =	vst v63  }
0x197: {  	s7 =	ssub.s32 s13, s28  }
0x198: {  	s8 =	sadd.s32 s9, s10;
	s10 =	sshll.u32 s7, $0x11;
	s7 =	sshll.u32 s7, $0xA  }
0x199: {  	s13 =	sshll.u32 s8, $0x7;
	s28 =	sadd.s32 s3, s10;
	s7 =	sadd.s32 s7, s8  }
0x19a: {  	s29 =	simm.s32 $0x8880;
	s24 =	sadd.s32 s13, s28;
	s7 =	sshll.u32 s7, $0x7  }
0x19b: {  	[hbm4b:s24+s4] =	stream.linear.scatter [tilespmem:s29], [sflag:$0x3], $0x400, $0x38;
	[tilespmem:$0x16A00] =	vst v63  }
0x19c: {  	s28 =	sadd.s32 $0x4000, s7  }
0x19d: {  	s8 =	sand.u32 $0x1FFFFF80, s28  }
0x19e: {  	s29 =	simm.s32 $0x8C80;
	s28 =	sand.u32 $0x1FFF7F80, s13;
	s8 =	sadd.s32 s3, s8  }
0x19f: {  	[hbm4b:s8+s4] =	stream.linear.scatter [tilespmem:s29], [sflag:$0x3], $0x400, $0x38;
	[tilespmem:$0x16A00] =	vst v63  }
0x1a0: {  	s8 =	sor.u32 s28, s10  }
0x1a1: {  	s29 =	simm.s32 $0x9080;
	s28 =	sadd.s32 $0xC000, s7;
	s8 =	sadd.s32 s8, s19  }
0x1a2: {  	[hbm4b:s8+s4] =	stream.linear.scatter [tilespmem:s29], [sflag:$0x3], $0x400, $0x38;
	[tilespmem:$0x16A00] =	vst v63  }
0x1a3: {  	s8 =	sand.u32 $0x1FFFFF80, s28  }
0x1a4: {  	s29 =	simm.s32 $0x9480;
	s28 =	sand.u32 $0x1FFEFF80, s13;
	s8 =	sadd.s32 s3, s8  }
0x1a5: {  	[hbm4b:s8+s4] =	stream.linear.scatter [tilespmem:s29], [sflag:$0x3], $0x400, $0x38;
	[tilespmem:$0x16A00] =	vst v63  }
0x1a6: {  	s8 =	sor.u32 s28, s10;
	s29 =	simm.s32 $0x9880  }
0x1a7: {  	s28 =	sadd.s32 $0x14000, s7;
	s7 =	sadd.s32 $0x1C000, s7;
	s8 =	sadd.s32 s8, s20  }
0x1a8: {  	[hbm4b:s8+s4] =	stream.linear.scatter [tilespmem:s29], [sflag:$0x3], $0x400, $0x38;
	[tilespmem:$0x16A00] =	vst v63  }
0x1a9: {  	s8 =	sand.u32 $0x1FFFFF80, s28;
	s28 =	sand.u32 $0x1FFE7F80, s13;
	s13 =	sadd.s32 $0x4, s6  }
0x1aa: {  	s29 =	simm.s32 $0x9C80;
	s8 =	sadd.s32 s3, s8;
	s24 =	smulhi.u32 $0x51EB851F, s13  }
0x1ab: {  	[hbm4b:s8+s4] =	stream.linear.scatter [tilespmem:s29], [sflag:$0x3], $0x400, $0x38;
	[tilespmem:$0x16A00] =	vst v63  }
0x1ac: {  	s7 =	sand.u32 $0x1FFFFF80, s7;
	s8 =	sor.u32 s28, s10  }
0x1ad: {  	s29 =	simm.s32 $0xA080;
	s8 =	sadd.s32 s8, s21;
	s10 =	sshrl.u32 s24, $0x3  }
0x1ae: {  	[hbm4b:s8+s4] =	stream.linear.scatter [tilespmem:s29], [sflag:$0x3], $0x400, $0x38;
	[tilespmem:$0x16A00] =	vst v63  }
0x1af: {  	s7 =	sadd.s32 s3, s7;
	s28 =	smul.u32 $0x19, s10;
	s29 =	simm.s32 $0xA480  }
0x1b0: {  	[hbm4b:s7+s4] =	stream.linear.scatter [tilespmem:s29], [sflag:$0x3], $0x400, $0x38;
	[tilespmem:$0x16A00] =	vst v63  }
0x1b1: {  	s7 =	ssub.s32 s13, s28  }
0x1b2: {  	s8 =	sadd.s32 s9, s10;
	s10 =	sshll.u32 s7, $0x11;
	s7 =	sshll.u32 s7, $0xA  }
0x1b3: {  	s13 =	sshll.u32 s8, $0x7;
	s28 =	sadd.s32 s3, s10;
	s7 =	sadd.s32 s7, s8  }
0x1b4: {  	s29 =	simm.s32 $0xA880;
	s24 =	sadd.s32 s13, s28;
	s7 =	sshll.u32 s7, $0x7  }
0x1b5: {  	[hbm4b:s24+s4] =	stream.linear.scatter [tilespmem:s29], [sflag:$0x3], $0x400, $0x38;
	[tilespmem:$0x16A00] =	vst v63  }
0x1b6: {  	s28 =	sadd.s32 $0x4000, s7  }
0x1b7: {  	s8 =	sand.u32 $0x1FFFFF80, s28  }
0x1b8: {  	s29 =	simm.s32 $0xAC80;
	s28 =	sand.u32 $0x1FFF7F80, s13;
	s8 =	sadd.s32 s3, s8  }
0x1b9: {  	[hbm4b:s8+s4] =	stream.linear.scatter [tilespmem:s29], [sflag:$0x3], $0x400, $0x38;
	[tilespmem:$0x16A00] =	vst v63  }
0x1ba: {  	s8 =	sor.u32 s28, s10  }
0x1bb: {  	s29 =	simm.s32 $0xB080;
	s28 =	sadd.s32 $0xC000, s7;
	s8 =	sadd.s32 s8, s19  }
0x1bc: {  	[hbm4b:s8+s4] =	stream.linear.scatter [tilespmem:s29], [sflag:$0x3], $0x400, $0x38;
	[tilespmem:$0x16A00] =	vst v63  }
0x1bd: {  	s8 =	sand.u32 $0x1FFFFF80, s28  }
0x1be: {  	s29 =	simm.s32 $0xB480;
	s28 =	sand.u32 $0x1FFEFF80, s13;
	s8 =	sadd.s32 s3, s8  }
0x1bf: {  	[hbm4b:s8+s4] =	stream.linear.scatter [tilespmem:s29], [sflag:$0x3], $0x400, $0x38;
	[tilespmem:$0x16A00] =	vst v63  }
0x1c0: {  	s8 =	sor.u32 s28, s10  }
0x1c1: {  	s29 =	simm.s32 $0xB880;
	s28 =	sadd.s32 $0x14000, s7;
	s8 =	sadd.s32 s8, s20  }
0x1c2: {  	[hbm4b:s8+s4] =	stream.linear.scatter [tilespmem:s29], [sflag:$0x3], $0x400, $0x38;
	[tilespmem:$0x16A00] =	vst v63  }
0x1c3: {  	s8 =	sand.u32 $0x1FFFFF80, s28  }
0x1c4: {  	s29 =	simm.s32 $0xBC80;
	s28 =	sand.u32 $0x1FFE7F80, s13;
	s8 =	sadd.s32 s3, s8  }
0x1c5: {  	[hbm4b:s8+s4] =	stream.linear.scatter [tilespmem:s29], [sflag:$0x3], $0x400, $0x38;
	[tilespmem:$0x16A00] =	vst v63  }
0x1c6: {  	s7 =	sadd.s32 $0x1C000, s7;
	s8 =	sor.u32 s28, s10  }
0x1c7: {  	s7 =	sand.u32 $0x1FFFFF80, s7;
	s29 =	simm.s32 $0xC080;
	s8 =	sadd.s32 s8, s21  }
0x1c8: {  	[hbm4b:s8+s4] =	stream.linear.scatter [tilespmem:s29], [sflag:$0x3], $0x400, $0x38;
	[tilespmem:$0x16A00] =	vst v63  }
0x1c9: {  	s7 =	sadd.s32 s3, s7;
	s13 =	simm.s32 $0xC480  }
0x1ca: {  	[hbm4b:s7+s4] =	stream.linear.scatter [tilespmem:s13], [sflag:$0x3], $0x400, $0x38;
	[tilespmem:$0x16A00] =	vst v63  }
0x1cb: {  	_ =	swait.ge [sflag:s12], $0x1400  }
0x1cc: {  	[sflag:s12] =	ssyncset.done $0x0  }
0x1cd: {  	s8 =	simm.s32 @!p0 $0x4;
	s7 =	simm.s32 $0x0;
	[sflag:s12] =	ssyncadd.s32 $0xFFFFEC00  }
0x1ce: {  	s24 =	simm.s32 $0x0;
	s13 =	sand.u32 $0x7, s7;
	_ =	swait.ge @!p0 [sflag:s8], $0xA000  }
0x1cf: {  	s10 =	sand.u32 $0x3FFFFC00, s24;
	s28 =	sshll.u32 s13, $0x7;
	[sflag:s8] =	ssyncset.done @!p0 $0x0  }
0x1d0: {  	s10 =	sor.u32 s28, s10;
	[sflag:s8] =	ssyncadd.s32 @!p0 $0xFFFF6000  }
0x1d1: {  	v27 =	vld [tilespmem:s10+$0x14F0]  }
0x1d2: {  	v11 =	vld [tilespmem:s10+$0x1480];
	_ =	sdelay $0x2  }
0x1d3: {  	s29 =	simm.s32 $0x0  }
0x1d4: {  	s13 =	sshll.u32 s13, $0xA;
	s8 =	sand.u32 $0x3FFFE000, s29;
	v12 =	vperm.xlane v25, v27  }
0x1d5: {  	s8 =	sor.u32 s13, s8;
	v26 =	vperm.xlane v18, v11  }
0x1d6: {  	v28 =	vperm.xlane v19, v11;
	[tilespmem:s8+$0xCC70] =	vst v12  }
0x1d7: {  	v29 =	vperm.xlane v21, v11;
	[tilespmem:s8+$0xC880] =	vst v26  }
0x1d8: {  	v12 =	vperm.xlane v20, v11;
	v26 =	vld [tilespmem:s10+$0x1490];
	[tilespmem:s8+$0xC900] =	vst v28  }
0x1d9: {  	v28 =	vperm.xlane v22, v11;
	[tilespmem:s8+$0xCA00] =	vst v29  }
0x1da: {  	v29 =	vperm.xlane v24, v11;
	[tilespmem:s8+$0xC980] =	vst v12  }
0x1db: {  	v12 =	vperm.xlane v23, v11;
	[tilespmem:s8+$0xCA80] =	vst v28  }
0x1dc: {  	v11 =	vperm.xlane v25, v11;
	[tilespmem:s8+$0xCB80] =	vst v29  }
0x1dd: {  	[tilespmem:s8+$0xCB00] =	vst v12;
	v12 =	vperm.xlane v18, v26  }
0x1de: {  	[tilespmem:s8+$0xCC00] =	vst v11;
	v28 =	vperm.xlane v19, v26  }
0x1df: {  	v11 =	vperm.xlane v20, v26;
	[tilespmem:s8+$0xC890] =	vst v12  }
0x1e0: {  	v29 =	vperm.xlane v21, v26;
	v12 =	vld [tilespmem:s10+$0x14A0];
	[tilespmem:s8+$0xC910] =	vst v28  }
0x1e1: {  	v28 =	vperm.xlane v22, v26;
	[tilespmem:s8+$0xC990] =	vst v11  }
0x1e2: {  	v11 =	vperm.xlane v23, v26;
	[tilespmem:s8+$0xCA10] =	vst v29  }
0x1e3: {  	v29 =	vperm.xlane v24, v26;
	[tilespmem:s8+$0xCA90] =	vst v28  }
0x1e4: {  	v26 =	vperm.xlane v25, v26;
	[tilespmem:s8+$0xCB10] =	vst v11  }
0x1e5: {  	[tilespmem:s8+$0xCB90] =	vst v29;
	v11 =	vperm.xlane v18, v12  }
0x1e6: {  	[tilespmem:s8+$0xCC10] =	vst v26;
	v28 =	vperm.xlane v19, v12  }
0x1e7: {  	v26 =	vperm.xlane v20, v12;
	[tilespmem:s8+$0xC8A0] =	vst v11  }
0x1e8: {  	v29 =	vperm.xlane v21, v12;
	v11 =	vld [tilespmem:s10+$0x14B0];
	[tilespmem:s8+$0xC920] =	vst v28  }
0x1e9: {  	v28 =	vperm.xlane v22, v12;
	[tilespmem:s8+$0xC9A0] =	vst v26  }
0x1ea: {  	v26 =	vperm.xlane v23, v12;
	[tilespmem:s8+$0xCA20] =	vst v29  }
0x1eb: {  	v29 =	vperm.xlane v24, v12;
	[tilespmem:s8+$0xCAA0] =	vst v28  }
0x1ec: {  	v12 =	vperm.xlane v25, v12;
	[tilespmem:s8+$0xCB20] =	vst v26  }
0x1ed: {  	[tilespmem:s8+$0xCBA0] =	vst v29;
	v26 =	vperm.xlane v18, v11  }
0x1ee: {  	[tilespmem:s8+$0xCC20] =	vst v12;
	v28 =	vperm.xlane v19, v11  }
0x1ef: {  	v12 =	vperm.xlane v20, v11;
	[tilespmem:s8+$0xC8B0] =	vst v26  }
0x1f0: {  	v29 =	vperm.xlane v21, v11;
	v26 =	vld [tilespmem:s10+$0x14C0];
	[tilespmem:s8+$0xC930] =	vst v28  }
0x1f1: {  	v28 =	vperm.xlane v22, v11;
	[tilespmem:s8+$0xC9B0] =	vst v12  }
0x1f2: {  	v12 =	vperm.xlane v23, v11;
	[tilespmem:s8+$0xCA30] =	vst v29  }
0x1f3: {  	v29 =	vperm.xlane v24, v11;
	[tilespmem:s8+$0xCAB0] =	vst v28  }
0x1f4: {  	v11 =	vperm.xlane v25, v11;
	[tilespmem:s8+$0xCB30] =	vst v12  }
0x1f5: {  	[tilespmem:s8+$0xCBB0] =	vst v29;
	v12 =	vperm.xlane v18, v26  }
0x1f6: {  	[tilespmem:s8+$0xCC30] =	vst v11;
	v28 =	vperm.xlane v19, v26  }
0x1f7: {  	v11 =	vperm.xlane v20, v26;
	[tilespmem:s8+$0xC8C0] =	vst v12  }
0x1f8: {  	v29 =	vperm.xlane v21, v26;
	v12 =	vld [tilespmem:s10+$0x14D0];
	[tilespmem:s8+$0xC940] =	vst v28  }
0x1f9: {  	v28 =	vperm.xlane v22, v26;
	[tilespmem:s8+$0xC9C0] =	vst v11  }
0x1fa: {  	v11 =	vperm.xlane v23, v26;
	[tilespmem:s8+$0xCA40] =	vst v29  }
0x1fb: {  	v29 =	vperm.xlane v24, v26;
	[tilespmem:s8+$0xCAC0] =	vst v28  }
0x1fc: {  	v26 =	vperm.xlane v25, v26;
	[tilespmem:s8+$0xCB40] =	vst v11  }
0x1fd: {  	[tilespmem:s8+$0xCBC0] =	vst v29;
	v11 =	vperm.xlane v18, v12  }
0x1fe: {  	[tilespmem:s8+$0xCC40] =	vst v26;
	v29 =	vld [tilespmem:s10+$0x14E0];
	v28 =	vperm.xlane v19, v12  }
0x1ff: {  	v26 =	vperm.xlane v20, v12;
	[tilespmem:s8+$0xC8D0] =	vst v11  }
0x200: {  	v30 =	vperm.xlane v23, v12;
	[tilespmem:s8+$0xC950] =	vst v28  }
0x201: {  	v11 =	vperm.xlane v21, v12;
	[tilespmem:s8+$0xC9D0] =	vst v26  }
0x202: {  	v33 =	vperm.xlane v19, v27;
	v28 =	vperm.xlane v22, v12;
	[tilespmem:s8+$0xCB50] =	vst v30  }
0x203: {  	v31 =	vperm.xlane v20, v27;
	v63 =	vperm.xlane v19, v29;
	[tilespmem:s8+$0xCA50] =	vst v11  }
0x204: {  	v32 =	vperm.xlane v21, v27;
	v38 =	vperm.xlane v20, v29;
	[tilespmem:s8+$0xCAD0] =	vst v28  }
0x205: {  	v26 =	vperm.xlane v18, v27;
	v39 =	vperm.xlane v21, v29;
	[tilespmem:s8+$0xC960] =	vst v63  }
0x206: {  	v37 =	vperm.xlane v22, v29;
	v11 =	vperm.xlane v24, v12;
	[tilespmem:s8+$0xC9E0] =	vst v38  }
0x207: {  	v36 =	vperm.xlane v23, v29;
	v12 =	vperm.xlane v25, v12;
	[tilespmem:s8+$0xCA60] =	vst v39  }
0x208: {  	v35 =	vperm.xlane v24, v29;
	v28 =	vperm.xlane v18, v29;
	[tilespmem:s8+$0xCBD0] =	vst v11  }
0x209: {  	v34 =	vperm.xlane v25, v29;
	v30 =	vperm.xlane v22, v27;
	[tilespmem:s8+$0xCC50] =	vst v12  }
0x20a: {  	s24 =	sadd.s32 $0x5, s6;
	s10 =	simm.s32 $0x0;
	v29 =	vperm.xlane v23, v27;
	[tilespmem:s8+$0xC8E0] =	vst v28;
	v28 =	vperm.xlane v24, v27  }
.LBB2_7:
0x20b: {  	s10 =	sadd.s32 $0x8, s10;
	[tilespmem:s8+$0xCAE0] =	vst v37;
	s7 =	sadd.s32 $0x1, s7  }
0x20c: {  	s13 =	sand.u32 $0x7, s7;
	s28 =	sshll.u32 s10, $0x4;
	p0 =	slt.u32 s10, $0x138;
	[tilespmem:s8+$0xCB60] =	vst v36  }
0x20d: {  	s28 =	sand.u32 $0x3FFFFC00, s28;
	s29 =	sshll.u32 s13, $0x7;
	[tilespmem:s8+$0xCBE0] =	vst v35  }
0x20e: {  	s28 =	sor.u32 s29, s28;
	[tilespmem:s8+$0xCC60] =	vst v34  }
0x20f: {  	v27 =	vld [tilespmem:s28+$0x14F0];
	[tilespmem:s8+$0xC8F0] =	vst v26  }
0x210: {  	v11 =	vld [tilespmem:s28+$0x1480];
	[tilespmem:s8+$0xC970] =	vst v33  }
0x211: {  	v12 =	vld [tilespmem:s28+$0x1490];
	[tilespmem:s8+$0xC9F0] =	vst v31  }
0x212: {  	v31 =	vld [tilespmem:s28+$0x14A0];
	[tilespmem:s8+$0xCA70] =	vst v32  }
0x213: {  	s29 =	sshll.u32 s10, $0x7;
	v32 =	vld [tilespmem:s28+$0x14B0];
	[tilespmem:s8+$0xCAF0] =	vst v30  }
0x214: {  	s13 =	sshll.u32 s13, $0xA;
	s29 =	sand.u32 $0x3FFFE000, s29;
	v30 =	vld [tilespmem:s28+$0x14C0];
	v26 =	vperm.xlane v18, v27;
	v33 =	vperm.xlane v25, v27;
	[tilespmem:s8+$0xCB70] =	vst v29  }
0x215: {  	v29 =	vperm.xlane v18, v11;
	v34 =	vperm.xlane v19, v11;
	v35 =	vld [tilespmem:s28+$0x14D0];
	[tilespmem:s8+$0xCBF0] =	vst v28;
	s8 =	sor.u32 s13, s29  }
0x216: {  	v28 =	vperm.xlane v20, v11;
	v36 =	vperm.xlane v21, v11;
	v38 =	vld [tilespmem:s28+$0x14E0];
	[tilespmem:s8+$0xCC70] =	vst v33  }
0x217: {  	v33 =	vperm.xlane v23, v11;
	[tilespmem:s8+$0xC880] =	vst v29;
	v29 =	vperm.xlane v22, v11  }
0x218: {  	[tilespmem:s8+$0xC900] =	vst v34;
	v34 =	vperm.xlane v24, v11;
	v11 =	vperm.xlane v25, v11  }
0x219: {  	v37 =	vperm.xlane v19, v12;
	[tilespmem:s8+$0xC980] =	vst v28;
	v28 =	vperm.xlane v18, v12  }
0x21a: {  	v39 =	vperm.xlane v21, v12;
	[tilespmem:s8+$0xCA00] =	vst v36;
	v36 =	vperm.xlane v20, v12  }
0x21b: {  	v40 =	vperm.xlane v23, v12;
	[tilespmem:s8+$0xCA80] =	vst v29;
	v29 =	vperm.xlane v22, v12  }
0x21c: {  	[tilespmem:s8+$0xCB00] =	vst v33;
	v33 =	vperm.xlane v24, v12;
	v12 =	vperm.xlane v25, v12  }
0x21d: {  	v41 =	vperm.xlane v19, v31;
	[tilespmem:s8+$0xCB80] =	vst v34;
	v34 =	vperm.xlane v18, v31  }
0x21e: {  	v42 =	vperm.xlane v21, v31;
	[tilespmem:s8+$0xCC00] =	vst v11;
	v11 =	vperm.xlane v20, v31  }
0x21f: {  	v43 =	vperm.xlane v23, v31;
	[tilespmem:s8+$0xC890] =	vst v28;
	v28 =	vperm.xlane v22, v31  }
0x220: {  	[tilespmem:s8+$0xC910] =	vst v37;
	v37 =	vperm.xlane v24, v31;
	v31 =	vperm.xlane v25, v31  }
0x221: {  	v44 =	vperm.xlane v19, v32;
	[tilespmem:s8+$0xC990] =	vst v36;
	v36 =	vperm.xlane v18, v32  }
0x222: {  	v45 =	vperm.xlane v21, v32;
	[tilespmem:s8+$0xCA10] =	vst v39;
	v39 =	vperm.xlane v20, v32  }
0x223: {  	v46 =	vperm.xlane v23, v32;
	[tilespmem:s8+$0xCA90] =	vst v29;
	v29 =	vperm.xlane v22, v32  }
0x224: {  	v47 =	vperm.xlane v25, v32;
	[tilespmem:s8+$0xCB10] =	vst v40;
	v40 =	vperm.xlane v24, v32  }
0x225: {  	v48 =	vperm.xlane v18, v30;
	v49 =	vperm.xlane v19, v30;
	[tilespmem:s8+$0xCB90] =	vst v33  }
0x226: {  	v50 =	vperm.xlane v21, v30;
	[tilespmem:s8+$0xCC10] =	vst v12;
	v12 =	vperm.xlane v20, v30  }
0x227: {  	v51 =	vperm.xlane v22, v30;
	v52 =	vperm.xlane v23, v30;
	[tilespmem:s8+$0xC8A0] =	vst v34  }
0x228: {  	v53 =	vperm.xlane v25, v30;
	[tilespmem:s8+$0xC920] =	vst v41;
	v41 =	vperm.xlane v24, v30  }
0x229: {  	v54 =	vperm.xlane v19, v35;
	[tilespmem:s8+$0xC9A0] =	vst v11;
	v11 =	vperm.xlane v18, v35  }
0x22a: {  	v55 =	vperm.xlane v21, v35;
	[tilespmem:s8+$0xCA20] =	vst v42;
	v42 =	vperm.xlane v20, v35  }
0x22b: {  	v56 =	vperm.xlane v22, v35;
	v57 =	vperm.xlane v23, v35;
	[tilespmem:s8+$0xCAA0] =	vst v28  }
0x22c: {  	v58 =	vperm.xlane v25, v35;
	[tilespmem:s8+$0xCB20] =	vst v43;
	v43 =	vperm.xlane v24, v35  }
0x22d: {  	v59 =	vperm.xlane v18, v38;
	v60 =	vperm.xlane v19, v38;
	[tilespmem:s8+$0xCBA0] =	vst v37  }
0x22e: {  	v61 =	vperm.xlane v20, v38;
	v62 =	vperm.xlane v21, v38;
	[tilespmem:s8+$0xCC20] =	vst v31  }
0x22f: {  	v37 =	vperm.xlane v22, v38;
	[tilespmem:s8+$0xC8B0] =	vst v36;
	v36 =	vperm.xlane v23, v38  }
0x230: {  	v34 =	vperm.xlane v25, v38;
	v35 =	vperm.xlane v24, v38;
	[tilespmem:s8+$0xC930] =	vst v44  }
0x231: {  	v33 =	vperm.xlane v19, v27;
	v31 =	vperm.xlane v20, v27;
	[tilespmem:s8+$0xC9B0] =	vst v39  }
0x232: {  	v32 =	vperm.xlane v21, v27;
	v30 =	vperm.xlane v22, v27;
	[tilespmem:s8+$0xCA30] =	vst v45  }
0x233: {  	v28 =	vperm.xlane v24, v27;
	[tilespmem:s8+$0xCAB0] =	vst v29;
	v29 =	vperm.xlane v23, v27  }
0x234: {  	[tilespmem:s8+$0xCB30] =	vst v46  }
0x235: {  	[tilespmem:s8+$0xCBB0] =	vst v40  }
0x236: {  	[tilespmem:s8+$0xCC30] =	vst v47  }
0x237: {  	[tilespmem:s8+$0xC8C0] =	vst v48  }
0x238: {  	[tilespmem:s8+$0xC940] =	vst v49  }
0x239: {  	[tilespmem:s8+$0xC9C0] =	vst v12  }
0x23a: {  	[tilespmem:s8+$0xCA40] =	vst v50  }
0x23b: {  	[tilespmem:s8+$0xCAC0] =	vst v51  }
0x23c: {  	[tilespmem:s8+$0xCB40] =	vst v52  }
0x23d: {  	[tilespmem:s8+$0xCBC0] =	vst v41  }
0x23e: {  	[tilespmem:s8+$0xCC40] =	vst v53  }
0x23f: {  	[tilespmem:s8+$0xC8D0] =	vst v11  }
0x240: {  	[tilespmem:s8+$0xC950] =	vst v54  }
0x241: {  	[tilespmem:s8+$0xC9D0] =	vst v42  }
0x242: {  	[tilespmem:s8+$0xCA50] =	vst v55  }
0x243: {  	[tilespmem:s8+$0xCAD0] =	vst v56  }
0x244: {  	[tilespmem:s8+$0xCB50] =	vst v57  }
0x245: {  	[tilespmem:s8+$0xCBD0] =	vst v43  }
.Ltmp2:
0x246: {  	[tilespmem:s8+$0xCC50] =	vst v58;
	(pc) =	sbr.rel @p0 .LBB2_7-.Ltmp2, $4  }
0x247: {  	[tilespmem:s8+$0xC8E0] =	vst v59  }
0x248: {  	[tilespmem:s8+$0xC960] =	vst v60  }
0x249: {  	[tilespmem:s8+$0xC9E0] =	vst v61  }
0x24a: {  	[tilespmem:s8+$0xCA60] =	vst v62  }
0x24b: {  	s7 =	smin.u32 s6, $0x54  }
0x24c: {  	[tilespmem:s8+$0xCAE0] =	vst v37;
	s7 =	sadd.s32 $0xF, s7  }
0x24d: {  	[tilespmem:s8+$0xCB60] =	vst v36;
	s10 =	smul.u32 $0x29, s7  }
0x24e: {  	[tilespmem:s8+$0xCBE0] =	vst v35  }
0x24f: {  	[tilespmem:s8+$0xCC60] =	vst v34;
	s10 =	sshrl.u32 s10, $0xA  }
0x250: {  	[tilespmem:s8+$0xC8F0] =	vst v26;
	s13 =	smul.u32 $0x19, s10  }
0x251: {  	[tilespmem:s8+$0xC970] =	vst v33  }
0x252: {  	[tilespmem:s8+$0xC9F0] =	vst v31;
	s7 =	ssub.s32 s7, s13  }
0x253: {  	[tilespmem:s8+$0xCA70] =	vst v32;
	s7 =	sand.u32 $0xFF, s7  }
0x254: {  	[tilespmem:s8+$0xCAF0] =	vst v30;
	s28 =	smin.u32 s6, $0x53;
	s10 =	sadd.s32 s10, s9;
	s7 =	sshll.u32 s7, $0xE  }
0x255: {  	[tilespmem:s8+$0xCB70] =	vst v29;
	s10 =	sshll.u32 s10, $0x7;
	s13 =	sadd.s32 $0x10, s28;
	s7 =	sadd.s32 s1, s7  }
0x256: {  	[tilespmem:s8+$0xCBF0] =	vst v28;
	s28 =	simm.s32 $0x1480;
	s29 =	smul.u32 $0x29, s13;
	s7 =	sadd.s32 s10, s7  }
0x257: {  	[tilespmem:s28], [sflag:$0x2] =	stream.linear.gather [hbm4b:s7+s4], $0x400, $0x38;
	[tilespmem:$0x16A00] =	vst v63  }
0x258: {  	s7 =	sshrl.u32 s29, $0xA;
	s29 =	smin.u32 s6, $0x52  }
0x259: {  	s8 =	smul.u32 $0x19, s7;
	s10 =	sadd.s32 $0x11, s29  }
0x25a: {  	s28 =	smul.u32 $0x29, s10  }
0x25b: {  	s8 =	ssub.s32 s13, s8  }
0x25c: {  	s8 =	sand.u32 $0xFF, s8;
	s13 =	sshrl.u32 s28, $0xA  }
0x25d: {  	s7 =	sadd.s32 s7, s9;
	s8 =	sshll.u32 s8, $0xE;
	s29 =	smul.u32 $0x19, s13  }
0x25e: {  	s7 =	sshll.u32 s7, $0x7;
	s8 =	sadd.s32 s1, s8  }
0x25f: {  	s28 =	simm.s32 $0x1880;
	s7 =	sadd.s32 s7, s8;
	s10 =	ssub.s32 s10, s29  }
0x260: {  	[tilespmem:s28], [sflag:$0x2] =	stream.linear.gather [hbm4b:s7+s4], $0x400, $0x38;
	[tilespmem:$0x16A00] =	vst v63  }
0x261: {  	s7 =	sand.u32 $0xFF, s10  }
0x262: {  	s13 =	sadd.s32 s13, s9;
	s28 =	smin.u32 s6, $0x51;
	s7 =	sshll.u32 s7, $0xE  }
0x263: {  	s8 =	sshll.u32 s13, $0x7;
	s10 =	sadd.s32 $0x12, s28;
	s7 =	sadd.s32 s1, s7  }
0x264: {  	s28 =	simm.s32 $0x1C80;
	s29 =	smul.u32 $0x29, s10;
	s7 =	sadd.s32 s8, s7  }
0x265: {  	[tilespmem:s28], [sflag:$0x2] =	stream.linear.gather [hbm4b:s7+s4], $0x400, $0x38;
	[tilespmem:$0x16A00] =	vst v63  }
0x266: {  	s29 =	sshrl.u32 s29, $0xA  }
0x267: {  	s8 =	smul.u32 $0x19, s29  }
0x268: {  	s28 =	smin.u32 s6, $0x50  }
0x269: {  	s8 =	ssub.s32 s10, s8;
	s10 =	sadd.s32 $0x13, s28  }
0x26a: {  	s8 =	sand.u32 $0xFF, s8;
	s13 =	smul.u32 $0x29, s10  }
0x26b: {  	s7 =	sadd.s32 s29, s9;
	s8 =	sshll.u32 s8, $0xE  }
0x26c: {  	s7 =	sshll.u32 s7, $0x7;
	s8 =	sadd.s32 s1, s8;
	s13 =	sshrl.u32 s13, $0xA  }
0x26d: {  	s29 =	simm.s32 $0x2080;
	s7 =	sadd.s32 s7, s8;
	s8 =	smul.u32 $0x19, s13  }
0x26e: {  	[tilespmem:s29], [sflag:$0x2] =	stream.linear.gather [hbm4b:s7+s4], $0x400, $0x38;
	[tilespmem:$0x16A00] =	vst v63  }
0x26f: {  	s28 =	ssub.s32 s10, s8  }
0x270: {  	s29 =	smulhi.u32 $0x51EB851F, s24;
	s7 =	sand.u32 $0xFF, s28  }
0x271: {  	s13 =	sadd.s32 s13, s9;
	s7 =	sshll.u32 s7, $0xE  }
0x272: {  	s10 =	sshll.u32 s13, $0x7;
	s8 =	sshrl.u32 s29, $0x3;
	s7 =	sadd.s32 s1, s7  }
0x273: {  	s29 =	simm.s32 $0x2480;
	s28 =	smul.u32 $0x19, s8;
	s7 =	sadd.s32 s10, s7  }
0x274: {  	[tilespmem:s29], [sflag:$0x2] =	stream.linear.gather [hbm4b:s7+s4], $0x400, $0x38;
	[tilespmem:$0x16A00] =	vst v63  }
0x275: {  	s7 =	ssub.s32 s24, s28  }
0x276: {  	s8 =	sadd.s32 s9, s8;
	s10 =	sshll.u32 s7, $0x11;
	s7 =	sshll.u32 s7, $0xA  }
0x277: {  	s13 =	sshll.u32 s8, $0x7;
	s28 =	sadd.s32 s3, s10;
	s7 =	sadd.s32 s7, s8  }
0x278: {  	s29 =	simm.s32 $0xC880;
	s24 =	sadd.s32 s13, s28;
	s7 =	sshll.u32 s7, $0x7  }
0x279: {  	[hbm4b:s24+s4] =	stream.linear.scatter [tilespmem:s29], [sflag:$0x4], $0x400, $0x38;
	[tilespmem:$0x16A00] =	vst v63  }
0x27a: {  	s28 =	sadd.s32 $0x4000, s7  }
0x27b: {  	s8 =	sand.u32 $0x1FFFFF80, s28  }
0x27c: {  	s29 =	simm.s32 $0xCC80;
	s28 =	sand.u32 $0x1FFF7F80, s13;
	s8 =	sadd.s32 s3, s8  }
0x27d: {  	[hbm4b:s8+s4] =	stream.linear.scatter [tilespmem:s29], [sflag:$0x4], $0x400, $0x38;
	[tilespmem:$0x16A00] =	vst v63  }
0x27e: {  	s8 =	sor.u32 s28, s10  }
0x27f: {  	s29 =	simm.s32 $0xD080;
	s28 =	sadd.s32 $0xC000, s7;
	s8 =	sadd.s32 s8, s19  }
0x280: {  	[hbm4b:s8+s4] =	stream.linear.scatter [tilespmem:s29], [sflag:$0x4], $0x400, $0x38;
	[tilespmem:$0x16A00] =	vst v63  }
0x281: {  	s8 =	sand.u32 $0x1FFFFF80, s28  }
0x282: {  	s29 =	simm.s32 $0xD480;
	s28 =	sand.u32 $0x1FFEFF80, s13;
	s8 =	sadd.s32 s3, s8  }
0x283: {  	[hbm4b:s8+s4] =	stream.linear.scatter [tilespmem:s29], [sflag:$0x4], $0x400, $0x38;
	[tilespmem:$0x16A00] =	vst v63  }
0x284: {  	s8 =	sor.u32 s28, s10;
	s29 =	simm.s32 $0xD880  }
0x285: {  	s28 =	sadd.s32 $0x14000, s7;
	s7 =	sadd.s32 $0x1C000, s7;
	s8 =	sadd.s32 s8, s20  }
0x286: {  	[hbm4b:s8+s4] =	stream.linear.scatter [tilespmem:s29], [sflag:$0x4], $0x400, $0x38;
	[tilespmem:$0x16A00] =	vst v63  }
0x287: {  	s8 =	sand.u32 $0x1FFFFF80, s28;
	s28 =	sand.u32 $0x1FFE7F80, s13;
	s13 =	sadd.s32 $0x6, s6  }
0x288: {  	s29 =	simm.s32 $0xDC80;
	s8 =	sadd.s32 s3, s8;
	s24 =	smulhi.u32 $0x51EB851F, s13  }
0x289: {  	[hbm4b:s8+s4] =	stream.linear.scatter [tilespmem:s29], [sflag:$0x4], $0x400, $0x38;
	[tilespmem:$0x16A00] =	vst v63  }
0x28a: {  	s7 =	sand.u32 $0x1FFFFF80, s7;
	s8 =	sor.u32 s28, s10  }
0x28b: {  	s29 =	simm.s32 $0xE080;
	s8 =	sadd.s32 s8, s21;
	s10 =	sshrl.u32 s24, $0x3  }
0x28c: {  	[hbm4b:s8+s4] =	stream.linear.scatter [tilespmem:s29], [sflag:$0x4], $0x400, $0x38;
	[tilespmem:$0x16A00] =	vst v63  }
0x28d: {  	s7 =	sadd.s32 s3, s7;
	s28 =	smul.u32 $0x19, s10;
	s29 =	simm.s32 $0xE480  }
0x28e: {  	[hbm4b:s7+s4] =	stream.linear.scatter [tilespmem:s29], [sflag:$0x4], $0x400, $0x38;
	[tilespmem:$0x16A00] =	vst v63  }
0x28f: {  	s7 =	ssub.s32 s13, s28  }
0x290: {  	s8 =	sadd.s32 s9, s10;
	s10 =	sshll.u32 s7, $0x11;
	s7 =	sshll.u32 s7, $0xA  }
0x291: {  	s13 =	sshll.u32 s8, $0x7;
	s28 =	sadd.s32 s3, s10;
	s7 =	sadd.s32 s7, s8  }
0x292: {  	s29 =	simm.s32 $0xE880;
	s24 =	sadd.s32 s13, s28;
	s7 =	sshll.u32 s7, $0x7  }
0x293: {  	[hbm4b:s24+s4] =	stream.linear.scatter [tilespmem:s29], [sflag:$0x4], $0x400, $0x38;
	[tilespmem:$0x16A00] =	vst v63  }
0x294: {  	s28 =	sadd.s32 $0x4000, s7  }
0x295: {  	s8 =	sand.u32 $0x1FFFFF80, s28  }
0x296: {  	s29 =	simm.s32 $0xEC80;
	s28 =	sand.u32 $0x1FFF7F80, s13;
	s8 =	sadd.s32 s3, s8  }
0x297: {  	[hbm4b:s8+s4] =	stream.linear.scatter [tilespmem:s29], [sflag:$0x4], $0x400, $0x38;
	[tilespmem:$0x16A00] =	vst v63  }
0x298: {  	s8 =	sor.u32 s28, s10  }
0x299: {  	s29 =	simm.s32 $0xF080;
	s28 =	sadd.s32 $0xC000, s7;
	s8 =	sadd.s32 s8, s19  }
0x29a: {  	[hbm4b:s8+s4] =	stream.linear.scatter [tilespmem:s29], [sflag:$0x4], $0x400, $0x38;
	[tilespmem:$0x16A00] =	vst v63  }
0x29b: {  	s8 =	sand.u32 $0x1FFFFF80, s28  }
0x29c: {  	s29 =	simm.s32 $0xF480;
	s28 =	sand.u32 $0x1FFEFF80, s13;
	s8 =	sadd.s32 s3, s8  }
0x29d: {  	[hbm4b:s8+s4] =	stream.linear.scatter [tilespmem:s29], [sflag:$0x4], $0x400, $0x38;
	[tilespmem:$0x16A00] =	vst v63  }
0x29e: {  	s8 =	sor.u32 s28, s10;
	s29 =	simm.s32 $0xF880  }
0x29f: {  	s28 =	sadd.s32 $0x14000, s7;
	s7 =	sadd.s32 $0x1C000, s7;
	s8 =	sadd.s32 s8, s20  }
0x2a0: {  	[hbm4b:s8+s4] =	stream.linear.scatter [tilespmem:s29], [sflag:$0x4], $0x400, $0x38;
	[tilespmem:$0x16A00] =	vst v63  }
0x2a1: {  	s8 =	sand.u32 $0x1FFFFF80, s28;
	s28 =	sand.u32 $0x1FFE7F80, s13;
	s13 =	sadd.s32 $0x7, s6  }
0x2a2: {  	s29 =	simm.s32 $0xFC80;
	s8 =	sadd.s32 s3, s8;
	s24 =	smulhi.u32 $0x51EB851F, s13  }
0x2a3: {  	[hbm4b:s8+s4] =	stream.linear.scatter [tilespmem:s29], [sflag:$0x4], $0x400, $0x38;
	[tilespmem:$0x16A00] =	vst v63  }
0x2a4: {  	s7 =	sand.u32 $0x1FFFFF80, s7;
	s8 =	sor.u32 s28, s10  }
0x2a5: {  	s29 =	simm.s32 $0x10080;
	s8 =	sadd.s32 s8, s21;
	s10 =	sshrl.u32 s24, $0x3  }
0x2a6: {  	[hbm4b:s8+s4] =	stream.linear.scatter [tilespmem:s29], [sflag:$0x4], $0x400, $0x38;
	[tilespmem:$0x16A00] =	vst v63  }
0x2a7: {  	s7 =	sadd.s32 s3, s7;
	s28 =	smul.u32 $0x19, s10;
	s29 =	simm.s32 $0x10480  }
0x2a8: {  	[hbm4b:s7+s4] =	stream.linear.scatter [tilespmem:s29], [sflag:$0x4], $0x400, $0x38;
	[tilespmem:$0x16A00] =	vst v63  }
0x2a9: {  	s7 =	ssub.s32 s13, s28  }
0x2aa: {  	s8 =	sadd.s32 s9, s10;
	s10 =	sshll.u32 s7, $0x11;
	s7 =	sshll.u32 s7, $0xA  }
0x2ab: {  	s13 =	sshll.u32 s8, $0x7;
	s28 =	sadd.s32 s3, s10;
	s7 =	sadd.s32 s7, s8  }
0x2ac: {  	s29 =	simm.s32 $0x10880;
	s24 =	sadd.s32 s13, s28;
	s7 =	sshll.u32 s7, $0x7  }
0x2ad: {  	[hbm4b:s24+s4] =	stream.linear.scatter [tilespmem:s29], [sflag:$0x4], $0x400, $0x38;
	[tilespmem:$0x16A00] =	vst v63  }
0x2ae: {  	s28 =	sadd.s32 $0x4000, s7  }
0x2af: {  	s8 =	sand.u32 $0x1FFFFF80, s28  }
0x2b0: {  	s29 =	simm.s32 $0x10C80;
	s28 =	sand.u32 $0x1FFF7F80, s13;
	s8 =	sadd.s32 s3, s8  }
0x2b1: {  	[hbm4b:s8+s4] =	stream.linear.scatter [tilespmem:s29], [sflag:$0x4], $0x400, $0x38;
	[tilespmem:$0x16A00] =	vst v63  }
0x2b2: {  	s8 =	sor.u32 s28, s10  }
0x2b3: {  	s29 =	simm.s32 $0x11080;
	s28 =	sadd.s32 $0xC000, s7;
	s8 =	sadd.s32 s8, s19  }
0x2b4: {  	[hbm4b:s8+s4] =	stream.linear.scatter [tilespmem:s29], [sflag:$0x4], $0x400, $0x38;
	[tilespmem:$0x16A00] =	vst v63  }
0x2b5: {  	s8 =	sand.u32 $0x1FFFFF80, s28  }
0x2b6: {  	s29 =	simm.s32 $0x11480;
	s28 =	sand.u32 $0x1FFEFF80, s13;
	s8 =	sadd.s32 s3, s8  }
0x2b7: {  	[hbm4b:s8+s4] =	stream.linear.scatter [tilespmem:s29], [sflag:$0x4], $0x400, $0x38;
	[tilespmem:$0x16A00] =	vst v63  }
0x2b8: {  	s8 =	sor.u32 s28, s10;
	s29 =	simm.s32 $0x11880  }
0x2b9: {  	s28 =	sadd.s32 $0x14000, s7;
	s7 =	sadd.s32 $0x1C000, s7;
	s8 =	sadd.s32 s8, s20  }
0x2ba: {  	[hbm4b:s8+s4] =	stream.linear.scatter [tilespmem:s29], [sflag:$0x4], $0x400, $0x38;
	[tilespmem:$0x16A00] =	vst v63  }
0x2bb: {  	s8 =	sand.u32 $0x1FFFFF80, s28;
	s28 =	sand.u32 $0x1FFE7F80, s13;
	s13 =	sadd.s32 $0x8, s6  }
0x2bc: {  	s29 =	simm.s32 $0x11C80;
	s8 =	sadd.s32 s3, s8;
	s24 =	smulhi.u32 $0x51EB851F, s13  }
0x2bd: {  	[hbm4b:s8+s4] =	stream.linear.scatter [tilespmem:s29], [sflag:$0x4], $0x400, $0x38;
	[tilespmem:$0x16A00] =	vst v63  }
0x2be: {  	s7 =	sand.u32 $0x1FFFFF80, s7;
	s8 =	sor.u32 s28, s10  }
0x2bf: {  	s29 =	simm.s32 $0x12080;
	s8 =	sadd.s32 s8, s21;
	s10 =	sshrl.u32 s24, $0x3  }
0x2c0: {  	[hbm4b:s8+s4] =	stream.linear.scatter [tilespmem:s29], [sflag:$0x4], $0x400, $0x38;
	[tilespmem:$0x16A00] =	vst v63  }
0x2c1: {  	s7 =	sadd.s32 s3, s7;
	s28 =	smul.u32 $0x19, s10;
	s29 =	simm.s32 $0x12480  }
0x2c2: {  	[hbm4b:s7+s4] =	stream.linear.scatter [tilespmem:s29], [sflag:$0x4], $0x400, $0x38;
	[tilespmem:$0x16A00] =	vst v63  }
0x2c3: {  	s7 =	ssub.s32 s13, s28  }
0x2c4: {  	s8 =	sadd.s32 s9, s10;
	s10 =	sshll.u32 s7, $0x11;
	s7 =	sshll.u32 s7, $0xA  }
0x2c5: {  	s13 =	sshll.u32 s8, $0x7;
	s28 =	sadd.s32 s3, s10;
	s7 =	sadd.s32 s7, s8  }
0x2c6: {  	s29 =	simm.s32 $0x12880;
	s24 =	sadd.s32 s13, s28;
	s7 =	sshll.u32 s7, $0x7  }
0x2c7: {  	[hbm4b:s24+s4] =	stream.linear.scatter [tilespmem:s29], [sflag:$0x4], $0x400, $0x38;
	[tilespmem:$0x16A00] =	vst v63  }
0x2c8: {  	s28 =	sadd.s32 $0x4000, s7  }
0x2c9: {  	s8 =	sand.u32 $0x1FFFFF80, s28  }
0x2ca: {  	s29 =	simm.s32 $0x12C80;
	s28 =	sand.u32 $0x1FFF7F80, s13;
	s8 =	sadd.s32 s3, s8  }
0x2cb: {  	[hbm4b:s8+s4] =	stream.linear.scatter [tilespmem:s29], [sflag:$0x4], $0x400, $0x38;
	[tilespmem:$0x16A00] =	vst v63  }
0x2cc: {  	s8 =	sor.u32 s28, s10  }
0x2cd: {  	s29 =	simm.s32 $0x13080;
	s28 =	sadd.s32 $0xC000, s7;
	s8 =	sadd.s32 s8, s19  }
0x2ce: {  	[hbm4b:s8+s4] =	stream.linear.scatter [tilespmem:s29], [sflag:$0x4], $0x400, $0x38;
	[tilespmem:$0x16A00] =	vst v63  }
0x2cf: {  	s8 =	sand.u32 $0x1FFFFF80, s28  }
0x2d0: {  	s29 =	simm.s32 $0x13480;
	s28 =	sand.u32 $0x1FFEFF80, s13;
	s8 =	sadd.s32 s3, s8  }
0x2d1: {  	[hbm4b:s8+s4] =	stream.linear.scatter [tilespmem:s29], [sflag:$0x4], $0x400, $0x38;
	[tilespmem:$0x16A00] =	vst v63  }
0x2d2: {  	s8 =	sor.u32 s28, s10  }
0x2d3: {  	s29 =	simm.s32 $0x13880;
	s28 =	sadd.s32 $0x14000, s7;
	s8 =	sadd.s32 s8, s20  }
0x2d4: {  	[hbm4b:s8+s4] =	stream.linear.scatter [tilespmem:s29], [sflag:$0x4], $0x400, $0x38;
	[tilespmem:$0x16A00] =	vst v63  }
0x2d5: {  	s8 =	sand.u32 $0x1FFFFF80, s28  }
0x2d6: {  	s29 =	simm.s32 $0x13C80;
	s28 =	sand.u32 $0x1FFE7F80, s13;
	s8 =	sadd.s32 s3, s8  }
0x2d7: {  	[hbm4b:s8+s4] =	stream.linear.scatter [tilespmem:s29], [sflag:$0x4], $0x400, $0x38;
	[tilespmem:$0x16A00] =	vst v63  }
0x2d8: {  	s7 =	sadd.s32 $0x1C000, s7;
	s13 =	sadd.s32 $0x9, s6;
	s8 =	sor.u32 s28, s10  }
0x2d9: {  	s24 =	smulhi.u32 $0x51EB851F, s13;
	s29 =	simm.s32 $0x14080;
	s8 =	sadd.s32 s8, s21  }
0x2da: {  	[hbm4b:s8+s4] =	stream.linear.scatter [tilespmem:s29], [sflag:$0x4], $0x400, $0x38;
	[tilespmem:$0x16A00] =	vst v63  }
0x2db: {  	s7 =	sand.u32 $0x1FFFFF80, s7;
	s8 =	sshrl.u32 s24, $0x3  }
0x2dc: {  	s7 =	sadd.s32 s3, s7;
	s28 =	smul.u32 $0x19, s8  }
0x2dd: {  	[hbm4b:s7+s4] =	stream.linear.scatter [tilespmem:s14], [sflag:$0x4], $0x400, $0x38;
	[tilespmem:$0x16A00] =	vst v63  }
0x2de: {  	s6 =	ssub.s32 s13, s28  }
0x2df: {  	s29 =	sadd.s32 s9, s8;
	s8 =	sshll.u32 s6, $0x11;
	s6 =	sshll.u32 s6, $0xA  }
0x2e0: {  	s10 =	sshll.u32 s29, $0x7;
	s24 =	sadd.s32 s3, s8;
	s6 =	sadd.s32 s6, s29  }
0x2e1: {  	s13 =	sadd.s32 s10, s24;
	s6 =	sshll.u32 s6, $0x7  }
0x2e2: {  	[hbm4b:s13+s4] =	stream.linear.scatter [tilespmem:s30], [sflag:$0x4], $0x400, $0x38;
	[tilespmem:$0x16A00] =	vst v63  }
0x2e3: {  	s28 =	sadd.s32 $0x4000, s6  }
0x2e4: {  	s7 =	sand.u32 $0x1FFFFF80, s28  }
0x2e5: {  	s29 =	sand.u32 $0x1FFF7F80, s10;
	s7 =	sadd.s32 s3, s7  }
0x2e6: {  	[hbm4b:s7+s4] =	stream.linear.scatter [tilespmem:s15], [sflag:$0x4], $0x400, $0x38;
	[tilespmem:$0x16A00] =	vst v63  }
0x2e7: {  	s7 =	sor.u32 s29, s8  }
0x2e8: {  	s13 =	sadd.s32 $0xC000, s6;
	s7 =	sadd.s32 s7, s19  }
0x2e9: {  	[hbm4b:s7+s4] =	stream.linear.scatter [tilespmem:s31], [sflag:$0x4], $0x400, $0x38;
	[tilespmem:$0x16A00] =	vst v63  }
0x2ea: {  	s7 =	sand.u32 $0x1FFFFF80, s13  }
0x2eb: {  	s24 =	sand.u32 $0x1FFEFF80, s10;
	s7 =	sadd.s32 s3, s7  }
0x2ec: {  	[hbm4b:s7+s4] =	stream.linear.scatter [tilespmem:s16], [sflag:$0x4], $0x400, $0x38;
	[tilespmem:$0x16A00] =	vst v63  }
0x2ed: {  	s7 =	sor.u32 s24, s8  }
0x2ee: {  	s28 =	sadd.s32 $0x14000, s6;
	s7 =	sadd.s32 s7, s20  }
0x2ef: {  	[hbm4b:s7+s4] =	stream.linear.scatter [tilespmem:s0], [sflag:$0x4], $0x400, $0x38;
	[tilespmem:$0x16A00] =	vst v63  }
0x2f0: {  	s22 =	sadd.s32 $0x1, s22;
	s7 =	sand.u32 $0x1FFFFF80, s28  }
0x2f1: {  	p0 =	sne.s32 s22, $0xA;
	s29 =	sand.u32 $0x1FFE7F80, s10;
	s7 =	sadd.s32 s3, s7  }
0x2f2: {  	[hbm4b:s7+s4] =	stream.linear.scatter [tilespmem:s17], [sflag:$0x4], $0x400, $0x38;
	[tilespmem:$0x16A00] =	vst v63  }
.Ltmp3:
0x2f3: {  	s6 =	sadd.s32 $0x1C000, s6;
	s7 =	sor.u32 s29, s8;
	(pc) =	sbr.rel @p0 .LBB2_4-.Ltmp3, $4  }
0x2f4: {  	s6 =	sand.u32 $0x1FFFFF80, s6;
	s7 =	sadd.s32 s7, s21  }
0x2f5: {  	[hbm4b:s7+s4] =	stream.linear.scatter [tilespmem:s2], [sflag:$0x4], $0x400, $0x38;
	[tilespmem:$0x16A00] =	vst v63  }
0x2f6: {  	s6 =	sadd.s32 s3, s6  }
0x2f7: {  	[hbm4b:s6+s4] =	stream.linear.scatter [tilespmem:s18], [sflag:$0x4], $0x400, $0x38;
	[tilespmem:$0x16A00] =	vst v63  }
0x2f8: {  	s5 =	simm.s32 $0x3  }
0x2f9: {  	_ =	swait.ge [sflag:s5], $0xA000  }
0x2fa: {  	[sflag:s5] =	ssyncset.done $0x0  }
0x2fb: {  	[sflag:s5] =	ssyncadd.s32 $0xFFFF6000  }
0x2fc: {  	_ =	swait.ge [sflag:s11], $0x1400  }
0x2fd: {  	[sflag:s11] =	ssyncset.done $0x0  }
0x2fe: {  	s28 =	simm.s32 $0x4;
	[sflag:s11] =	ssyncadd.s32 $0xFFFFEC00  }
0x2ff: {  	_ =	swait.ge [sflag:s28], $0xA000  }
0x300: {  	[sflag:s28] =	ssyncset.done $0x0  }
0x301: {  	[sflag:s28] =	ssyncadd.s32 $0xFFFF6000  }
0x302: {  	_ =	swait.ge [sflag:s12], $0x1400  }
0x303: {  	s6 =	rddreg [dreg:$0x12]  }
0x304: {  	s29 =	rddreg [dreg:$0x11];
	s6 =	sadd.s32 $0x1, s6  }
0x305: {  	p0 =	sne.s32 s6, s29  }
.Ltmp4:
0x306: {  	_ = 	snop;
	(pc) =	sbr.rel @p0 .LBB2_1-.Ltmp4, $3  }
0x307: {  	_ =	sdelay $0x1  }
0x308: {  	[sflag:s12] =	ssyncset.done $0x0  }
0x309: {  	[sflag:s12] =	ssyncadd.s32 $0xFFFFEC00  }
0x30a: {  	_ =	sfence.sel $0x180000  }
0x30b: {  	[bflag:$0x0] =	sbarrier.arrive $0xFFFF  }
0x30c: {  	_ =	strace $0x90000047  }
0x30d: {  	s0 =	stileid.u32;
	[bflag:$0x2] =	sbarrier.arrive $0xFFFF  }
0x30e: {  	p0 =	sne.s32 s0, $0x0;
	s0 =	rddreg [dreg:$0x3]  }
0x30f: {  	s0 =	sadd.s32 @!p0 $0x100000, s0  }
0x310: {  	[sflag:s0] =	ssyncadd.tile.s32 @!p0 $0x1;
	_ =	shalt  }
.Lfunc_end2:
_tile_overlayer_lowered:
.L_overlay_start_2:
0x311: {  	(tag) =	ssettag $0x2  }
0x312: {  	s0 =	rddreg [dreg:$0x0];
	s2 =	stileid.u32  }
0x313: {  	s1 =	rddreg [dreg:$0x1];
	p0 =	sne.s32 s2, $0x0  }
0x314: {  	s3 =	rddreg [dreg:$0x2];
	[bflag:$0x3] =	sbarrier.arrive $0xFFFF;
	s2 =	simm.s32 @!p0 $0x1C05  }
0x315: {  	[timem:s3], [sflag:s2] =	dma.local @!p0 [hbm:s0], s1  }
0x316: {  	s0 =	simm.s32 @!p0 $0x5  }
0x317: {  	_ =	swait.ge @!p0 [sflag:s0], s1  }
0x318: {  	s1 =	ssub.s32 @!p0 $0x0, s1;
	[sflag:s0] =	ssyncset.done @!p0 $0x0  }
0x319: {  	[sflag:s0] =	ssyncadd.s32 @!p0 s1  }
0x31a: {  	[bflag:$0x3] =	sbarrier.arrive $0xFFFF  }
0x31b: {  	_ =	shalt  }

</sc_bundles>
